<compile_context>
chip_gen: v7x
topology: tpu7x:2x2x1
jax: 0.10.2.dev20260603
libtpu: 0.0.44.dev20260713+nightly
codegen_flags: <defaults>
</compile_context>

<pallas_src>
import functools

import jax
import jax.numpy as jnp
from jax import lax
from jax.experimental import pallas as pl
from jax.experimental.pallas import tpu as pltpu
from jax.experimental.pallas import tpu_sc as plsc

_B, _C, _H, _W = 4, 128, 48, 48
_N = _B * _H * _W
_G = 4
_GS = 2304
_BR = 128
_NRB = _GS // _BR
_BRO = 128
_NRO = _GS // _BRO
_K = 16
_BIGF = 1e30
_BIGI = 2**30
_HI = jax.lax.Precision.HIGHEST

_NC, _NS = 2, 16
_NW = _NC * _NS
_NPW = _N // _NW


def _knn_kernel(xrb_ref, xgt_ref, j_ref, colsum_ref, diag_ref):
    g = pl.program_id(0)
    r = pl.program_id(1)
    xrb = xrb_ref[0]
    xgt = xgt_ref[0]
    sq = jnp.sum(xgt * xgt, axis=0, keepdims=True)
    gram = jax.lax.dot_general(
        xrb, xgt, (((1,), (0,)), ((), ())),
        precision=jax.lax.Precision.DEFAULT,
        preferred_element_type=jnp.float32)
    d = sq - 2.0 * gram
    colf = jax.lax.broadcasted_iota(jnp.int32, (_BR, _GS), 1).astype(jnp.float32)
    sizef = jnp.where(g == _G - 1, jnp.float32(_GS - 1), jnp.float32(_GS))
    d = jnp.where(colf < sizef, d, _BIGF)
    lanef = jax.lax.broadcasted_iota(jnp.int32, (_BR, _C), 1).astype(jnp.float32)

    nch = _GS // _C
    big = jnp.full((_BR, _C), _BIGF)
    v1, v2, v3, v4 = big, big, big, big
    zero = jnp.zeros((_BR, _C), jnp.float32)
    i1, i2, i3, i4 = zero, zero, zero, zero
    for k in range(nch):
        x = d[:, k * _C:(k + 1) * _C]
        kf = jnp.float32(k)
        b = x < v1
        h, hi = jnp.where(b, v1, x), jnp.where(b, i1, kf)
        v1, i1 = jnp.where(b, x, v1), jnp.where(b, kf, i1)
        b = h < v2
        h2, hi2 = jnp.where(b, v2, h), jnp.where(b, i2, hi)
        v2, i2 = jnp.where(b, h, v2), jnp.where(b, hi, i2)
        b = h2 < v3
        h3, hi3 = jnp.where(b, v3, h2), jnp.where(b, i3, hi2)
        v3, i3 = jnp.where(b, h2, v3), jnp.where(b, hi2, i3)
        b = h3 < v4
        v4, i4 = jnp.where(b, h3, v4), jnp.where(b, hi3, i4)

    vv = jnp.concatenate([v1, v2, v3, v4], axis=1)
    cc = jnp.concatenate(
        [i1 * jnp.float32(_C) + lanef, i2 * jnp.float32(_C) + lanef,
         i3 * jnp.float32(_C) + lanef, i4 * jnp.float32(_C) + lanef],
        axis=1)
    jout = jnp.zeros((_BR, _C), jnp.float32)
    m = None
    for t in range(_K):
        m = jnp.min(vv, axis=1, keepdims=True)
        cand = jnp.where(vv == m, cc, _BIGF)
        j = jnp.min(cand, axis=1, keepdims=True)
        vv = jnp.where(cc == j, _BIGF, vv)
        jout = jnp.where(lanef == jnp.float32(t), j, jout)
    rowf = (jax.lax.broadcasted_iota(jnp.int32, (_BR, _GS), 0).astype(jnp.float32)
            + (r * _BR).astype(jnp.float32))
    accf = jnp.where((d <= m) & (rowf < sizef), 1.0, 0.0)
    j_ref[...] = jout.astype(jnp.int32) + g * _GS

    @pl.when(r == 0)
    def _():
        colsum_ref[...] = jnp.zeros_like(colsum_ref)
        diag_ref[...] = jnp.zeros_like(diag_ref)

    colsum_ref[...] += jnp.sum(accf, axis=0).reshape(1, 1, _GS)
    diag_ref[...] += jnp.sum(jnp.where(colf == rowf, accf, 0.0),
                             axis=0).reshape(1, 1, _GS)


def _scale_kernel(colsum_ref, diag_ref, xt_ref, dis_ref, xst_ref):
    deg = colsum_ref[...] - diag_ref[...]
    safe = jnp.where(deg > 0, deg, 1.0)
    dis = jnp.where(deg > 0, 1.0 / jnp.sqrt(safe), 0.0)
    dis_ref[...] = dis
    xst_ref[0] = xt_ref[0] * dis[0]


def _sc_gather_fn(idx_hbm, xs_hbm, sum_hbm, idx_v, out_v, gbuf, sem0, sem1):
    wid = lax.axis_index("s") * _NC + lax.axis_index("c")
    base = wid * _NPW
    pltpu.sync_copy(idx_hbm.at[pl.ds(base, _NPW)], idx_v)

    def compute(n, b):
        for c in range(_C // 16):
            s = gbuf[b, 0, pl.ds(c * 16, 16)]
            for jj in range(1, _K):
                s = s + gbuf[b, jj, pl.ds(c * 16, 16)]
            out_v[n, pl.ds(c * 16, 16)] = s

    pltpu.async_copy(xs_hbm.at[idx_v.at[0]], gbuf.at[0], sem0)

    def body(i, carry):
        n = i * 2

        @pl.when(n + 1 < _NPW)
        def _():
            pltpu.async_copy(xs_hbm.at[idx_v.at[n + 1]], gbuf.at[1], sem1)

        pltpu.make_async_copy(xs_hbm.at[idx_v.at[0]], gbuf.at[0], sem0).wait()
        compute(n, 0)

        @pl.when(n + 2 < _NPW)
        def _():
            pltpu.async_copy(xs_hbm.at[idx_v.at[n + 2]], gbuf.at[0], sem0)

        @pl.when(n + 1 < _NPW)
        def _():
            pltpu.make_async_copy(xs_hbm.at[idx_v.at[1]], gbuf.at[1], sem1).wait()
            compute(n + 1, 1)

        return carry

    lax.fori_loop(0, _NPW // 2, body, 0)
    pltpu.sync_copy(out_v, sum_hbm.at[pl.ds(base, _NPW)])


def _out_kernel(st_ref, xrbt_ref, disrb_ref, diagrb_ref,
                w0_ref, w1_ref, bias_ref, outt_ref):
    disrb = disrb_ref[0]
    diagrb = diagrb_ref[0]
    xrbt = xrbt_ref[0]
    tx1t = -disrb * st_ref[0] + (disrb * disrb * diagrb) * xrbt
    outt_ref[0] = (
        jax.lax.dot_general(w0_ref[...], xrbt, (((1,), (0,)), ((), ())),
                            precision=_HI, preferred_element_type=jnp.float32)
        + jax.lax.dot_general(w1_ref[...], tx1t, (((1,), (0,)), ((), ())),
                              precision=_HI, preferred_element_type=jnp.float32)
        + bias_ref[...])


def kernel(x, W0, W1, bias):
    x_f = jnp.transpose(x, (0, 2, 3, 1)).reshape(_N, _C)
    g3 = jnp.concatenate([x_f[3 * _GS:_N - 1], x_f[_N - 1:]], axis=0)
    xp = jnp.concatenate([x_f[:3 * _GS].reshape(3, _GS, _C), g3[None]], axis=0)
    xt = jnp.transpose(xp, (0, 2, 1))

    jfull, colsum, diag = pl.pallas_call(
        _knn_kernel,
        grid=(_G, _NRB),
        in_specs=[
            pl.BlockSpec((1, _BR, _C), lambda g, r: (g, r, 0)),
            pl.BlockSpec((1, _C, _GS), lambda g, r: (g, 0, 0)),
        ],
        out_specs=[
            pl.BlockSpec((_BR, _C), lambda g, r: (g * _NRB + r, 0)),
            pl.BlockSpec((1, 1, _GS), lambda g, r: (g, 0, 0)),
            pl.BlockSpec((1, 1, _GS), lambda g, r: (g, 0, 0)),
        ],
        out_shape=[
            jax.ShapeDtypeStruct((_N, _C), jnp.int32),
            jax.ShapeDtypeStruct((_G, 1, _GS), jnp.float32),
            jax.ShapeDtypeStruct((_G, 1, _GS), jnp.float32),
        ],
    )(xp, xt)

    dis, xst = pl.pallas_call(
        _scale_kernel,
        grid=(_G,),
        in_specs=[
            pl.BlockSpec((1, 1, _GS), lambda g: (g, 0, 0)),
            pl.BlockSpec((1, 1, _GS), lambda g: (g, 0, 0)),
            pl.BlockSpec((1, _C, _GS), lambda g: (g, 0, 0)),
        ],
        out_specs=[
            pl.BlockSpec((1, 1, _GS), lambda g: (g, 0, 0)),
            pl.BlockSpec((1, _C, _GS), lambda g: (g, 0, 0)),
        ],
        out_shape=[
            jax.ShapeDtypeStruct((_G, 1, _GS), jnp.float32),
            jax.ShapeDtypeStruct((_G, _C, _GS), jnp.float32),
        ],
    )(colsum, diag, xt)

    idx16 = jfull[:, :_K]
    xs = jnp.transpose(xst, (0, 2, 1)).reshape(_N, _C)

    mesh = plsc.VectorSubcoreMesh(core_axis_name="c", subcore_axis_name="s")
    nbr_sum = functools.partial(
        pl.kernel, mesh=mesh,
        out_type=jax.ShapeDtypeStruct((_N, _C), jnp.float32),
        scratch_types=[
            pltpu.VMEM((_NPW, _K), jnp.int32),
            pltpu.VMEM((_NPW, _C), jnp.float32),
            pltpu.VMEM((2, _K, _C), jnp.float32),
            pltpu.SemaphoreType.DMA,
            pltpu.SemaphoreType.DMA,
        ],
    )(_sc_gather_fn)(idx16, xs)

    st = jnp.transpose(nbr_sum.reshape(_G, _GS, _C), (0, 2, 1))
    dis_b = dis.reshape(_G * _NRO, 1, _BRO)
    diag_b = diag.reshape(_G * _NRO, 1, _BRO)

    outt = pl.pallas_call(
        _out_kernel,
        grid=(_G, _NRO),
        in_specs=[
            pl.BlockSpec((1, _C, _BRO), lambda g, r: (g, 0, r)),
            pl.BlockSpec((1, _C, _BRO), lambda g, r: (g, 0, r)),
            pl.BlockSpec((1, 1, _BRO), lambda g, r: (g * _NRO + r, 0, 0)),
            pl.BlockSpec((1, 1, _BRO), lambda g, r: (g * _NRO + r, 0, 0)),
            pl.BlockSpec((_C, _C), lambda g, r: (0, 0)),
            pl.BlockSpec((_C, _C), lambda g, r: (0, 0)),
            pl.BlockSpec((_C, 1), lambda g, r: (0, 0)),
        ],
        out_specs=pl.BlockSpec((1, _C, _BRO), lambda g, r: (g, 0, r)),
        out_shape=jax.ShapeDtypeStruct((_G, _C, _GS), jnp.float32),
    )(st, xt, dis_b, diag_b, W0, W1, bias.reshape(_C, 1))

    return jnp.transpose(outt, (0, 2, 1)).reshape(_N, _C)

# --- scband reference (transcript-rebuilt; emitter-appended) ---
"""Pipeline reference for scband-py-graph-70351564309000 (READ-ONLY COPY).

The authoritative reference and input builder live on the scoring server;
editing this copy changes nothing except your own understanding.
"""

import jax, jax.numpy as jnp
import numpy as np

B, C, H, W = 4, 128, 48, 48
K_NN = 16
N = B * H * W


def setup_inputs(seed: int = 0) -> dict:
    key = jax.random.key(seed)
    k1, k2, k3 = jax.random.split(key, 3)
    x = jax.random.normal(k1, (B, C, H, W), dtype=jnp.float32)
    s = 1.0 / np.sqrt(C)
    W0 = jax.random.uniform(k2, (C, C), jnp.float32, -s, s)  # ChebConv lins[0].weight
    W1 = jax.random.uniform(k3, (C, C), jnp.float32, -s, s)  # ChebConv lins[1].weight
    bias = jnp.zeros((C,), jnp.float32)
    return {"x": x, "W0": W0, "W1": W1, "bias": bias}


def _flat_nodes(x):
    # [B, C, H, W] -> [B*H*W, C] (pixels are graph nodes, channels are features)
    return jnp.transpose(x, (0, 2, 3, 1)).reshape(-1, x.shape[1])


def _knn_graph(x_f, batch_np, k, loop=True):
    # PyG knn_graph with flow='source_to_target': edge = (src=neighbor, dst=query)
    srcs, dsts = [], []
    for b in np.unique(batch_np):
        idx = np.nonzero(batch_np == b)[0]
        xg = x_f[idx]
        sq = jnp.sum(xg * xg, axis=1)
        d2 = sq[:, None] + sq[None, :] - 2.0 * (xg @ xg.T)
        kk = int(min(k, idx.shape[0]))
        _, nbr = jax.lax.top_k(-d2, kk)  # k nearest, self included since loop=True
        idx_j = jnp.asarray(idx)
        srcs.append(idx_j[nbr.reshape(-1)])
        dsts.append(jnp.asarray(np.repeat(idx, kk)))
    src = jnp.concatenate(srcs)
    dst = jnp.concatenate(dsts)
    return src.astype(jnp.int32), dst.astype(jnp.int32)


def _cheb_conv_k2(x_f, src, dst, W0, W1, bias, num_nodes):
    # ChebConv(K=2, normalization='sym', lambda_max=2.0), faithful to PyG:
    #  L = I - D^{-1/2} A D^{-1/2}; L_hat = 2L/lambda_max - I = -D^{-1/2} A D^{-1/2}
    #  (Laplacian diag +1 and Cheb fill_value=-1 self-loops cancel exactly)
    src_j, dst_j = jnp.asarray(src), jnp.asarray(dst)
    ew = jnp.where(src_j != dst_j, 1.0, 0.0).astype(jnp.float32)
    deg = jnp.zeros((num_nodes,), jnp.float32).at[src_j].add(ew)  # deg scattered on row=src
    safe = jnp.where(deg > 0, deg, 1.0)
    dis = jnp.where(deg > 0, 1.0 / jnp.sqrt(safe), 0.0)
    w = -(dis[src_j] * ew * dis[dst_j])  # scaled by 2/lambda_max = 1
    Tx0 = x_f
    Tx1 = jnp.zeros((num_nodes, x_f.shape[1]), jnp.float32).at[dst_j].add(w[:, None] * x_f[src_j])
    return Tx0 @ W0.T + Tx1 @ W1.T + bias


def reference(x, W0, W1, bias):
    x_f = _flat_nodes(x)
    # torch.linspace(0, B, steps=B*H*W).to(int64): values 0..B (B+1 groups, last group 1 node)
    batch_np = np.linspace(0.0, B, N).astype(np.int64)
    src, dst = _knn_graph(x_f, batch_np, K_NN, loop=True)
    return _cheb_conv_k2(x_f, src, dst, W0, W1, bias, N)

if __name__ == "__main__":
    import jax
    _d = setup_inputs()
    print(jax.jit(kernel)(*tuple(_d.values())))

</pallas_src>

<mosaic_0001>
#map = affine_map<(d0, d1) -> (0, 0)>
module attributes {stable_mosaic.version = 14 : i64} {
  func.func @_sc_gather_fn(%arg0: i32, %arg1: i32, %arg2: memref<9216x16xi32, #tpu.memory_space<hbm>>, %arg3: memref<9216x128xf32, #tpu.memory_space<hbm>>, %arg4: memref<9216x128xf32, #tpu.memory_space<hbm>>, %arg5: memref<288x16xi32, #tpu.memory_space<vmem>>, %arg6: memref<288x128xf32, #tpu.memory_space<vmem>>, %arg7: memref<2x16x128xf32, #tpu.memory_space<vmem>>, %arg8: memref<!tpu.dma_semaphore, #tpu.memory_space<semaphore_mem>>, %arg9: memref<!tpu.dma_semaphore, #tpu.memory_space<semaphore_mem>>) attributes {dimension_semantics = [#tpu.dimension_semantics<core_parallel>, #tpu.dimension_semantics<subcore_parallel>], iteration_bounds = array<i64: 2, 16>, scalar_prefetch = 0 : i64, scratch_operands = 5 : i64, tpu.core_type = #tpu.core_type<sc_vector_subcore>, window_params = [{transform_indices = #map}, {transform_indices = #map}, {transform_indices = #map}]} {
    %mul3A = arith.constant 2 : i32
    %mul3A_0 = arith.muli %arg1, %mul3A : i32
    %add3A = arith.addi %mul3A_0, %arg0 : i32
    %mul3A_1 = arith.constant 288 : i32
    %mul3A_2 = arith.muli %add3A, %mul3A_1 : i32
    "tpu.region"() ({
      %run_scoped3A = tpu.sem_alloc : memref<!tpu.dma_semaphore, #tpu.memory_space<semaphore_mem>>
      %dma_start3A_19 = arith.constant 0 : i32
      %dma_start3A_20 = tpu.memref_slice %arg2[%mul3A_2, %dma_start3A_19] : memref<9216x16xi32, #tpu.memory_space<hbm>> -> memref<288x16xi32, #tpu.memory_space<hbm>>
      %dma_start3A_21 = arith.constant 0 : i32
      %dma_start3A_22 = tpu.memref_slice %arg2[%mul3A_2, %dma_start3A_21] : memref<9216x16xi32, #tpu.memory_space<hbm>> -> memref<288x16xi32, #tpu.memory_space<hbm>>
      tpu.enqueue_dma source(%dma_start3A_22 : memref<288x16xi32, #tpu.memory_space<hbm>>) target(%arg5 : memref<288x16xi32, #tpu.memory_space<vmem>>) target_semaphore(%run_scoped3A : memref<!tpu.dma_semaphore, #tpu.memory_space<semaphore_mem>>)
      %dma_wait3A = arith.constant 0 : i32
      %dma_wait3A_23 = tpu.memref_slice %arg2[%mul3A_2, %dma_wait3A] : memref<9216x16xi32, #tpu.memory_space<hbm>> -> memref<288x16xi32, #tpu.memory_space<hbm>>
      %dma_wait3A_24 = arith.constant 0 : i32
      %dma_wait3A_25 = tpu.memref_slice %arg2[%mul3A_2, %dma_wait3A_24] : memref<9216x16xi32, #tpu.memory_space<hbm>> -> memref<288x16xi32, #tpu.memory_space<hbm>>
      tpu.wait_dma2 semaphore(%run_scoped3A : memref<!tpu.dma_semaphore, #tpu.memory_space<semaphore_mem>>) src(%dma_wait3A_25 : memref<288x16xi32, #tpu.memory_space<hbm>>) dst(%arg5 : memref<288x16xi32, #tpu.memory_space<vmem>>)
      tpu.yield
    }) : () -> ()
    %dma_start3A = arith.constant 0 : i32
    %dma_start3A_3 = arith.constant 0 : i32
    %dma_start3A_4 = arith.constant 0 : i32
    %dma_start3A_5 = arith.constant 0 : i32
    %dma_start3A_6 = tpu.memref_slice %arg7[%dma_start3A_3, %dma_start3A_4, %dma_start3A_5] : memref<2x16x128xf32, #tpu.memory_space<vmem>> -> memref<1x16x128xf32, #tpu.memory_space<vmem>>
    %dma_start3A_7 = tpu.memref_squeeze %dma_start3A_6 : memref<1x16x128xf32, #tpu.memory_space<vmem>> -> memref<16x128xf32, #tpu.memory_space<vmem>>
    %dma_start3A_8 = arith.constant 0 : i32
    %dma_start3A_9 = tpu.memref_slice %arg5[%dma_start3A, %dma_start3A_8] : memref<288x16xi32, #tpu.memory_space<vmem>> -> memref<1x16xi32, #tpu.memory_space<vmem>>
    %dma_start3A_10 = tpu.memref_squeeze %dma_start3A_9 : memref<1x16xi32, #tpu.memory_space<vmem>> -> memref<16xi32, #tpu.memory_space<vmem>>
    %dma_start3A_11 = arith.constant 0 : i32
    %dma_start3A_12 = arith.constant 0 : i32
    %dma_start3A_13 = tpu.memref_slice %arg3[%dma_start3A_11, %dma_start3A_12] : memref<9216x128xf32, #tpu.memory_space<hbm>> -> memref<9216x128xf32, #tpu.memory_space<hbm>>
    tpu.enqueue_indirect_dma source(%dma_start3A_13 : memref<9216x128xf32, #tpu.memory_space<hbm>>) target(%dma_start3A_7 : memref<16x128xf32, #tpu.memory_space<vmem>>) offsets(%dma_start3A_10 : memref<16xi32, #tpu.memory_space<vmem>>) semaphore(%arg8 : memref<!tpu.dma_semaphore, #tpu.memory_space<semaphore_mem>>)
    %scan3A = arith.constant 0 : i32
    %scan3A_14 = arith.constant 0 : i32
    %scan3A_15 = arith.constant 144 : i32
    %scan3A_16 = arith.addi %scan3A_14, %scan3A_15 : i32
    %scan3A_17 = arith.constant 1 : i32
    scf.for %scan3A_19 = %scan3A_14 to %scan3A_16 step %scan3A_17  : i32 {
      %mul3A_20 = arith.constant 2 : i32
      %mul3A_21 = arith.muli %scan3A_19, %mul3A_20 : i32
      %add3A_22 = arith.constant 1 : i32
      %add3A_23 = arith.addi %mul3A_21, %add3A_22 : i32
      %lt3A = arith.constant 288 : i32
      %lt3A_24 = arith.cmpi slt, %add3A_23, %lt3A : i32
      %convert_element_type3A = arith.extui %lt3A_24 : i1 to i32
      %cond3A = arith.constant 0 : i32
      %cond3A_25 = arith.cmpi ne, %convert_element_type3A, %cond3A : i32
      scf.if %cond3A_25 {
        %add3A_1105 = arith.constant 1 : i32
        %add3A_1106 = arith.addi %mul3A_21, %add3A_1105 : i32
        %dma_start3A_1107 = arith.constant 1 : i32
        %dma_start3A_1108 = arith.constant 0 : i32
        %dma_start3A_1109 = arith.constant 0 : i32
        %dma_start3A_1110 = tpu.memref_slice %arg7[%dma_start3A_1107, %dma_start3A_1108, %dma_start3A_1109] : memref<2x16x128xf32, #tpu.memory_space<vmem>> -> memref<1x16x128xf32, #tpu.memory_space<vmem>>
        %dma_start3A_1111 = tpu.memref_squeeze %dma_start3A_1110 : memref<1x16x128xf32, #tpu.memory_space<vmem>> -> memref<16x128xf32, #tpu.memory_space<vmem>>
        %dma_start3A_1112 = arith.constant 0 : i32
        %dma_start3A_1113 = tpu.memref_slice %arg5[%add3A_1106, %dma_start3A_1112] : memref<288x16xi32, #tpu.memory_space<vmem>> -> memref<1x16xi32, #tpu.memory_space<vmem>>
        %dma_start3A_1114 = tpu.memref_squeeze %dma_start3A_1113 : memref<1x16xi32, #tpu.memory_space<vmem>> -> memref<16xi32, #tpu.memory_space<vmem>>
        %dma_start3A_1115 = arith.constant 0 : i32
        %dma_start3A_1116 = arith.constant 0 : i32
        %dma_start3A_1117 = tpu.memref_slice %arg3[%dma_start3A_1115, %dma_start3A_1116] : memref<9216x128xf32, #tpu.memory_space<hbm>> -> memref<9216x128xf32, #tpu.memory_space<hbm>>
        tpu.enqueue_indirect_dma source(%dma_start3A_1117 : memref<9216x128xf32, #tpu.memory_space<hbm>>) target(%dma_start3A_1111 : memref<16x128xf32, #tpu.memory_space<vmem>>) offsets(%dma_start3A_1114 : memref<16xi32, #tpu.memory_space<vmem>>) semaphore(%arg9 : memref<!tpu.dma_semaphore, #tpu.memory_space<semaphore_mem>>)
      } else {
      }
      %dma_wait3A = arith.constant 0 : i32
      %dma_wait3A_26 = arith.constant 0 : i32
      %dma_wait3A_27 = arith.constant 0 : i32
      %dma_wait3A_28 = arith.constant 0 : i32
      %dma_wait3A_29 = tpu.memref_slice %arg7[%dma_wait3A_26, %dma_wait3A_27, %dma_wait3A_28] : memref<2x16x128xf32, #tpu.memory_space<vmem>> -> memref<1x16x128xf32, #tpu.memory_space<vmem>>
      %dma_wait3A_30 = tpu.memref_squeeze %dma_wait3A_29 : memref<1x16x128xf32, #tpu.memory_space<vmem>> -> memref<16x128xf32, #tpu.memory_space<vmem>>
      %dma_wait3A_31 = arith.constant 0 : i32
      %dma_wait3A_32 = tpu.memref_slice %arg5[%dma_wait3A, %dma_wait3A_31] : memref<288x16xi32, #tpu.memory_space<vmem>> -> memref<1x16xi32, #tpu.memory_space<vmem>>
      %dma_wait3A_33 = tpu.memref_squeeze %dma_wait3A_32 : memref<1x16xi32, #tpu.memory_space<vmem>> -> memref<16xi32, #tpu.memory_space<vmem>>
      %dma_wait3A_34 = arith.constant 0 : i32
      %dma_wait3A_35 = arith.constant 0 : i32
      %dma_wait3A_36 = tpu.memref_slice %arg3[%dma_wait3A_34, %dma_wait3A_35] : memref<9216x128xf32, #tpu.memory_space<hbm>> -> memref<9216x128xf32, #tpu.memory_space<hbm>>
      tpu.wait_indirect_dma semaphore(%arg8 : memref<!tpu.dma_semaphore, #tpu.memory_space<semaphore_mem>>) src(%dma_wait3A_36 : memref<9216x128xf32, #tpu.memory_space<hbm>>) dst(%dma_wait3A_30 : memref<16x128xf32, #tpu.memory_space<vmem>>)
      %get3A = arith.constant 0 : i32
      %get3A_37 = arith.constant 0 : i32
      %get3A_38 = arith.index_cast %get3A : i32 to index
      %get3A_39 = arith.index_cast %get3A_37 : i32 to index
      %get3A_40 = arith.constant 0 : index
      %get3A_41 = tpu.vector_load %arg7[%get3A_38, %get3A_39, %get3A_40] {strides = array<i32>} : memref<2x16x128xf32, #tpu.memory_space<vmem>>, vector<1x1x16xf32>,
      %get3A_42 = vector.shape_cast %get3A_41 : vector<1x1x16xf32> to vector<16xf32>
      %get3A_43 = arith.constant 0 : i32
      %get3A_44 = arith.constant 1 : i32
      %get3A_45 = arith.index_cast %get3A_43 : i32 to index
      %get3A_46 = arith.index_cast %get3A_44 : i32 to index
      %get3A_47 = arith.constant 0 : index
      %get3A_48 = tpu.vector_load %arg7[%get3A_45, %get3A_46, %get3A_47] {strides = array<i32>} : memref<2x16x128xf32, #tpu.memory_space<vmem>>, vector<1x1x16xf32>,
      %get3A_49 = vector.shape_cast %get3A_48 : vector<1x1x16xf32> to vector<16xf32>
      %add3A_50 = arith.addf %get3A_42, %get3A_49 : vector<16xf32>
      %get3A_51 = arith.constant 0 : i32
      %get3A_52 = arith.constant 2 : i32
      %get3A_53 = arith.index_cast %get3A_51 : i32 to index
      %get3A_54 = arith.index_cast %get3A_52 : i32 to index
      %get3A_55 = arith.constant 0 : index
      %get3A_56 = tpu.vector_load %arg7[%get3A_53, %get3A_54, %get3A_55] {strides = array<i32>} : memref<2x16x128xf32, #tpu.memory_space<vmem>>, vector<1x1x16xf32>,
      %get3A_57 = vector.shape_cast %get3A_56 : vector<1x1x16xf32> to vector<16xf32>
      %add3A_58 = arith.addf %add3A_50, %get3A_57 : vector<16xf32>
      %get3A_59 = arith.constant 0 : i32
      %get3A_60 = arith.constant 3 : i32
      %get3A_61 = arith.index_cast %get3A_59 : i32 to index
      %get3A_62 = arith.index_cast %get3A_60 : i32 to index
      %get3A_63 = arith.constant 0 : index
      %get3A_64 = tpu.vector_load %arg7[%get3A_61, %get3A_62, %get3A_63] {strides = array<i32>} : memref<2x16x128xf32, #tpu.memory_space<vmem>>, vector<1x1x16xf32>,
      %get3A_65 = vector.shape_cast %get3A_64 : vector<1x1x16xf32> to vector<16xf32>
      %add3A_66 = arith.addf %add3A_58, %get3A_65 : vector<16xf32>
      %get3A_67 = arith.constant 0 : i32
      %get3A_68 = arith.constant 4 : i32
      %get3A_69 = arith.index_cast %get3A_67 : i32 to index
      %get3A_70 = arith.index_cast %get3A_68 : i32 to index
      %get3A_71 = arith.constant 0 : index
      %get3A_72 = tpu.vector_load %arg7[%get3A_69, %get3A_70, %get3A_71] {strides = array<i32>} : memref<2x16x128xf32, #tpu.memory_space<vmem>>, vector<1x1x16xf32>,
      %get3A_73 = vector.shape_cast %get3A_72 : vector<1x1x16xf32> to vector<16xf32>
      %add3A_74 = arith.addf %add3A_66, %get3A_73 : vector<16xf32>
      %get3A_75 = arith.constant 0 : i32
      %get3A_76 = arith.constant 5 : i32
      %get3A_77 = arith.index_cast %get3A_75 : i32 to index
      %get3A_78 = arith.index_cast %get3A_76 : i32 to index
      %get3A_79 = arith.constant 0 : index
      %get3A_80 = tpu.vector_load %arg7[%get3A_77, %get3A_78, %get3A_79] {strides = array<i32>} : memref<2x16x128xf32, #tpu.memory_space<vmem>>, vector<1x1x16xf32>,
      %get3A_81 = vector.shape_cast %get3A_80 : vector<1x1x16xf32> to vector<16xf32>
      %add3A_82 = arith.addf %add3A_74, %get3A_81 : vector<16xf32>
      %get3A_83 = arith.constant 0 : i32
      %get3A_84 = arith.constant 6 : i32
      %get3A_85 = arith.index_cast %get3A_83 : i32 to index
      %get3A_86 = arith.index_cast %get3A_84 : i32 to index
      %get3A_87 = arith.constant 0 : index
      %get3A_88 = tpu.vector_load %arg7[%get3A_85, %get3A_86, %get3A_87] {strides = array<i32>} : memref<2x16x128xf32, #tpu.memory_space<vmem>>, vector<1x1x16xf32>,
      %get3A_89 = vector.shape_cast %get3A_88 : vector<1x1x16xf32> to vector<16xf32>
      %add3A_90 = arith.addf %add3A_82, %get3A_89 : vector<16xf32>
      %get3A_91 = arith.constant 0 : i32
      %get3A_92 = arith.constant 7 : i32
      %get3A_93 = arith.index_cast %get3A_91 : i32 to index
      %get3A_94 = arith.index_cast %get3A_92 : i32 to index
      %get3A_95 = arith.constant 0 : index
      %get3A_96 = tpu.vector_load %arg7[%get3A_93, %get3A_94, %get3A_95] {strides = array<i32>} : memref<2x16x128xf32, #tpu.memory_space<vmem>>, vector<1x1x16xf32>,
      %get3A_97 = vector.shape_cast %get3A_96 : vector<1x1x16xf32> to vector<16xf32>
      %add3A_98 = arith.addf %add3A_90, %get3A_97 : vector<16xf32>
      %get3A_99 = arith.constant 0 : i32
      %get3A_100 = arith.constant 8 : i32
      %get3A_101 = arith.index_cast %get3A_99 : i32 to index
      %get3A_102 = arith.index_cast %get3A_100 : i32 to index
      %get3A_103 = arith.constant 0 : index
      %get3A_104 = tpu.vector_load %arg7[%get3A_101, %get3A_102, %get3A_103] {strides = array<i32>} : memref<2x16x128xf32, #tpu.memory_space<vmem>>, vector<1x1x16xf32>,
      %get3A_105 = vector.shape_cast %get3A_104 : vector<1x1x16xf32> to vector<16xf32>
      %add3A_106 = arith.addf %add3A_98, %get3A_105 : vector<16xf32>
      %get3A_107 = arith.constant 0 : i32
      %get3A_108 = arith.constant 9 : i32
      %get3A_109 = arith.index_cast %get3A_107 : i32 to index
      %get3A_110 = arith.index_cast %get3A_108 : i32 to index
      %get3A_111 = arith.constant 0 : index
      %get3A_112 = tpu.vector_load %arg7[%get3A_109, %get3A_110, %get3A_111] {strides = array<i32>} : memref<2x16x128xf32, #tpu.memory_space<vmem>>, vector<1x1x16xf32>,
      %get3A_113 = vector.shape_cast %get3A_112 : vector<1x1x16xf32> to vector<16xf32>
      %add3A_114 = arith.addf %add3A_106, %get3A_113 : vector<16xf32>
      %get3A_115 = arith.constant 0 : i32
      %get3A_116 = arith.constant 10 : i32
      %get3A_117 = arith.index_cast %get3A_115 : i32 to index
      %get3A_118 = arith.index_cast %get3A_116 : i32 to index
      %get3A_119 = arith.constant 0 : index
      %get3A_120 = tpu.vector_load %arg7[%get3A_117, %get3A_118, %get3A_119] {strides = array<i32>} : memref<2x16x128xf32, #tpu.memory_space<vmem>>, vector<1x1x16xf32>,
      %get3A_121 = vector.shape_cast %get3A_120 : vector<1x1x16xf32> to vector<16xf32>
      %add3A_122 = arith.addf %add3A_114, %get3A_121 : vector<16xf32>
      %get3A_123 = arith.constant 0 : i32
      %get3A_124 = arith.constant 11 : i32
      %get3A_125 = arith.index_cast %get3A_123 : i32 to index
      %get3A_126 = arith.index_cast %get3A_124 : i32 to index
      %get3A_127 = arith.constant 0 : index
      %get3A_128 = tpu.vector_load %arg7[%get3A_125, %get3A_126, %get3A_127] {strides = array<i32>} : memref<2x16x128xf32, #tpu.memory_space<vmem>>, vector<1x1x16xf32>,
      %get3A_129 = vector.shape_cast %get3A_128 : vector<1x1x16xf32> to vector<16xf32>
      %add3A_130 = arith.addf %add3A_122, %get3A_129 : vector<16xf32>
      %get3A_131 = arith.constant 0 : i32
      %get3A_132 = arith.constant 12 : i32
      %get3A_133 = arith.index_cast %get3A_131 : i32 to index
      %get3A_134 = arith.index_cast %get3A_132 : i32 to index
      %get3A_135 = arith.constant 0 : index
      %get3A_136 = tpu.vector_load %arg7[%get3A_133, %get3A_134, %get3A_135] {strides = array<i32>} : memref<2x16x128xf32, #tpu.memory_space<vmem>>, vector<1x1x16xf32>,
      %get3A_137 = vector.shape_cast %get3A_136 : vector<1x1x16xf32> to vector<16xf32>
      %add3A_138 = arith.addf %add3A_130, %get3A_137 : vector<16xf32>
      %get3A_139 = arith.constant 0 : i32
      %get3A_140 = arith.constant 13 : i32
      %get3A_141 = arith.index_cast %get3A_139 : i32 to index
      %get3A_142 = arith.index_cast %get3A_140 : i32 to index
      %get3A_143 = arith.constant 0 : index
      %get3A_144 = tpu.vector_load %arg7[%get3A_141, %get3A_142, %get3A_143] {strides = array<i32>} : memref<2x16x128xf32, #tpu.memory_space<vmem>>, vector<1x1x16xf32>,
      %get3A_145 = vector.shape_cast %get3A_144 : vector<1x1x16xf32> to vector<16xf32>
      %add3A_146 = arith.addf %add3A_138, %get3A_145 : vector<16xf32>
      %get3A_147 = arith.constant 0 : i32
      %get3A_148 = arith.constant 14 : i32
      %get3A_149 = arith.index_cast %get3A_147 : i32 to index
      %get3A_150 = arith.index_cast %get3A_148 : i32 to index
      %get3A_151 = arith.constant 0 : index
      %get3A_152 = tpu.vector_load %arg7[%get3A_149, %get3A_150, %get3A_151] {strides = array<i32>} : memref<2x16x128xf32, #tpu.memory_space<vmem>>, vector<1x1x16xf32>,
      %get3A_153 = vector.shape_cast %get3A_152 : vector<1x1x16xf32> to vector<16xf32>
      %add3A_154 = arith.addf %add3A_146, %get3A_153 : vector<16xf32>
      %get3A_155 = arith.constant 0 : i32
      %get3A_156 = arith.constant 15 : i32
      %get3A_157 = arith.index_cast %get3A_155 : i32 to index
      %get3A_158 = arith.index_cast %get3A_156 : i32 to index
      %get3A_159 = arith.constant 0 : index
      %get3A_160 = tpu.vector_load %arg7[%get3A_157, %get3A_158, %get3A_159] {strides = array<i32>} : memref<2x16x128xf32, #tpu.memory_space<vmem>>, vector<1x1x16xf32>,
      %get3A_161 = vector.shape_cast %get3A_160 : vector<1x1x16xf32> to vector<16xf32>
      %add3A_162 = arith.addf %add3A_154, %get3A_161 : vector<16xf32>
      %swap3A = arith.index_cast %mul3A_21 : i32 to index
      %swap3A_163 = arith.constant 0 : index
      %swap3A_164 = tpu.vector_load %arg6[%swap3A, %swap3A_163] {strides = array<i32>} : memref<288x128xf32, #tpu.memory_space<vmem>>, vector<1x16xf32>,
      %swap3A_165 = vector.shape_cast %swap3A_164 : vector<1x16xf32> to vector<16xf32>
      %swap3A_166 = vector.shape_cast %add3A_162 : vector<16xf32> to vector<1x16xf32>
      tpu.vector_store %arg6[%swap3A, %swap3A_163], %swap3A_166 {strides = array<i32>} : memref<288x128xf32, #tpu.memory_space<vmem>>, vector<1x16xf32>,
      %get3A_167 = arith.constant 0 : i32
      %get3A_168 = arith.constant 0 : i32
      %get3A_169 = arith.index_cast %get3A_167 : i32 to index
      %get3A_170 = arith.index_cast %get3A_168 : i32 to index
      %get3A_171 = arith.constant 16 : index
      %get3A_172 = tpu.vector_load %arg7[%get3A_169, %get3A_170, %get3A_171] {strides = array<i32>} : memref<2x16x128xf32, #tpu.memory_space<vmem>>, vector<1x1x16xf32>,
      %get3A_173 = vector.shape_cast %get3A_172 : vector<1x1x16xf32> to vector<16xf32>
      %get3A_174 = arith.constant 0 : i32
      %get3A_175 = arith.constant 1 : i32
      %get3A_176 = arith.index_cast %get3A_174 : i32 to index
      %get3A_177 = arith.index_cast %get3A_175 : i32 to index
      %get3A_178 = arith.constant 16 : index
      %get3A_179 = tpu.vector_load %arg7[%get3A_176, %get3A_177, %get3A_178] {strides = array<i32>} : memref<2x16x128xf32, #tpu.memory_space<vmem>>, vector<1x1x16xf32>,
      %get3A_180 = vector.shape_cast %get3A_179 : vector<1x1x16xf32> to vector<16xf32>
      %add3A_181 = arith.addf %get3A_173, %get3A_180 : vector<16xf32>
      %get3A_182 = arith.constant 0 : i32
      %get3A_183 = arith.constant 2 : i32
      %get3A_184 = arith.index_cast %get3A_182 : i32 to index
      %get3A_185 = arith.index_cast %get3A_183 : i32 to index
      %get3A_186 = arith.constant 16 : index
      %get3A_187 = tpu.vector_load %arg7[%get3A_184, %get3A_185, %get3A_186] {strides = array<i32>} : memref<2x16x128xf32, #tpu.memory_space<vmem>>, vector<1x1x16xf32>,
      %get3A_188 = vector.shape_cast %get3A_187 : vector<1x1x16xf32> to vector<16xf32>
      %add3A_189 = arith.addf %add3A_181, %get3A_188 : vector<16xf32>
      %get3A_190 = arith.constant 0 : i32
      %get3A_191 = arith.constant 3 : i32
      %get3A_192 = arith.index_cast %get3A_190 : i32 to index
      %get3A_193 = arith.index_cast %get3A_191 : i32 to index
      %get3A_194 = arith.constant 16 : index
      %get3A_195 = tpu.vector_load %arg7[%get3A_192, %get3A_193, %get3A_194] {strides = array<i32>} : memref<2x16x128xf32, #tpu.memory_space<vmem>>, vector<1x1x16xf32>,
      %get3A_196 = vector.shape_cast %get3A_195 : vector<1x1x16xf32> to vector<16xf32>
      %add3A_197 = arith.addf %add3A_189, %get3A_196 : vector<16xf32>
      %get3A_198 = arith.constant 0 : i32
      %get3A_199 = arith.constant 4 : i32
      %get3A_200 = arith.index_cast %get3A_198 : i32 to index
      %get3A_201 = arith.index_cast %get3A_199 : i32 to index
      %get3A_202 = arith.constant 16 : index
      %get3A_203 = tpu.vector_load %arg7[%get3A_200, %get3A_201, %get3A_202] {strides = array<i32>} : memref<2x16x128xf32, #tpu.memory_space<vmem>>, vector<1x1x16xf32>,
      %get3A_204 = vector.shape_cast %get3A_203 : vector<1x1x16xf32> to vector<16xf32>
      %add3A_205 = arith.addf %add3A_197, %get3A_204 : vector<16xf32>
      %get3A_206 = arith.constant 0 : i32
      %get3A_207 = arith.constant 5 : i32
      %get3A_208 = arith.index_cast %get3A_206 : i32 to index
      %get3A_209 = arith.index_cast %get3A_207 : i32 to index
      %get3A_210 = arith.constant 16 : index
      %get3A_211 = tpu.vector_load %arg7[%get3A_208, %get3A_209, %get3A_210] {strides = array<i32>} : memref<2x16x128xf32, #tpu.memory_space<vmem>>, vector<1x1x16xf32>,
      %get3A_212 = vector.shape_cast %get3A_211 : vector<1x1x16xf32> to vector<16xf32>
      %add3A_213 = arith.addf %add3A_205, %get3A_212 : vector<16xf32>
      %get3A_214 = arith.constant 0 : i32
      %get3A_215 = arith.constant 6 : i32
      %get3A_216 = arith.index_cast %get3A_214 : i32 to index
      %get3A_217 = arith.index_cast %get3A_215 : i32 to index
      %get3A_218 = arith.constant 16 : index
      %get3A_219 = tpu.vector_load %arg7[%get3A_216, %get3A_217, %get3A_218] {strides = array<i32>} : memref<2x16x128xf32, #tpu.memory_space<vmem>>, vector<1x1x16xf32>,
      %get3A_220 = vector.shape_cast %get3A_219 : vector<1x1x16xf32> to vector<16xf32>
      %add3A_221 = arith.addf %add3A_213, %get3A_220 : vector<16xf32>
      %get3A_222 = arith.constant 0 : i32
      %get3A_223 = arith.constant 7 : i32
      %get3A_224 = arith.index_cast %get3A_222 : i32 to index
      %get3A_225 = arith.index_cast %get3A_223 : i32 to index
      %get3A_226 = arith.constant 16 : index
      %get3A_227 = tpu.vector_load %arg7[%get3A_224, %get3A_225, %get3A_226] {strides = array<i32>} : memref<2x16x128xf32, #tpu.memory_space<vmem>>, vector<1x1x16xf32>,
      %get3A_228 = vector.shape_cast %get3A_227 : vector<1x1x16xf32> to vector<16xf32>
      %add3A_229 = arith.addf %add3A_221, %get3A_228 : vector<16xf32>
      %get3A_230 = arith.constant 0 : i32
      %get3A_231 = arith.constant 8 : i32
      %get3A_232 = arith.index_cast %get3A_230 : i32 to index
      %get3A_233 = arith.index_cast %get3A_231 : i32 to index
      %get3A_234 = arith.constant 16 : index
      %get3A_235 = tpu.vector_load %arg7[%get3A_232, %get3A_233, %get3A_234] {strides = array<i32>} : memref<2x16x128xf32, #tpu.memory_space<vmem>>, vector<1x1x16xf32>,
      %get3A_236 = vector.shape_cast %get3A_235 : vector<1x1x16xf32> to vector<16xf32>
      %add3A_237 = arith.addf %add3A_229, %get3A_236 : vector<16xf32>
      %get3A_238 = arith.constant 0 : i32
      %get3A_239 = arith.constant 9 : i32
      %get3A_240 = arith.index_cast %get3A_238 : i32 to index
      %get3A_241 = arith.index_cast %get3A_239 : i32 to index
      %get3A_242 = arith.constant 16 : index
      %get3A_243 = tpu.vector_load %arg7[%get3A_240, %get3A_241, %get3A_242] {strides = array<i32>} : memref<2x16x128xf32, #tpu.memory_space<vmem>>, vector<1x1x16xf32>,
      %get3A_244 = vector.shape_cast %get3A_243 : vector<1x1x16xf32> to vector<16xf32>
      %add3A_245 = arith.addf %add3A_237, %get3A_244 : vector<16xf32>
      %get3A_246 = arith.constant 0 : i32
      %get3A_247 = arith.constant 10 : i32
      %get3A_248 = arith.index_cast %get3A_246 : i32 to index
      %get3A_249 = arith.index_cast %get3A_247 : i32 to index
      %get3A_250 = arith.constant 16 : index
      %get3A_251 = tpu.vector_load %arg7[%get3A_248, %get3A_249, %get3A_250] {strides = array<i32>} : memref<2x16x128xf32, #tpu.memory_space<vmem>>, vector<1x1x16xf32>,
      %get3A_252 = vector.shape_cast %get3A_251 : vector<1x1x16xf32> to vector<16xf32>
      %add3A_253 = arith.addf %add3A_245, %get3A_252 : vector<16xf32>
      %get3A_254 = arith.constant 0 : i32
      %get3A_255 = arith.constant 11 : i32
      %get3A_256 = arith.index_cast %get3A_254 : i32 to index
      %get3A_257 = arith.index_cast %get3A_255 : i32 to index
      %get3A_258 = arith.constant 16 : index
      %get3A_259 = tpu.vector_load %arg7[%get3A_256, %get3A_257, %get3A_258] {strides = array<i32>} : memref<2x16x128xf32, #tpu.memory_space<vmem>>, vector<1x1x16xf32>,
      %get3A_260 = vector.shape_cast %get3A_259 : vector<1x1x16xf32> to vector<16xf32>
      %add3A_261 = arith.addf %add3A_253, %get3A_260 : vector<16xf32>
      %get3A_262 = arith.constant 0 : i32
      %get3A_263 = arith.constant 12 : i32
      %get3A_264 = arith.index_cast %get3A_262 : i32 to index
      %get3A_265 = arith.index_cast %get3A_263 : i32 to index
      %get3A_266 = arith.constant 16 : index
      %get3A_267 = tpu.vector_load %arg7[%get3A_264, %get3A_265, %get3A_266] {strides = array<i32>} : memref<2x16x128xf32, #tpu.memory_space<vmem>>, vector<1x1x16xf32>,
      %get3A_268 = vector.shape_cast %get3A_267 : vector<1x1x16xf32> to vector<16xf32>
      %add3A_269 = arith.addf %add3A_261, %get3A_268 : vector<16xf32>
      %get3A_270 = arith.constant 0 : i32
      %get3A_271 = arith.constant 13 : i32
      %get3A_272 = arith.index_cast %get3A_270 : i32 to index
      %get3A_273 = arith.index_cast %get3A_271 : i32 to index
      %get3A_274 = arith.constant 16 : index
      %get3A_275 = tpu.vector_load %arg7[%get3A_272, %get3A_273, %get3A_274] {strides = array<i32>} : memref<2x16x128xf32, #tpu.memory_space<vmem>>, vector<1x1x16xf32>,
      %get3A_276 = vector.shape_cast %get3A_275 : vector<1x1x16xf32> to vector<16xf32>
      %add3A_277 = arith.addf %add3A_269, %get3A_276 : vector<16xf32>
      %get3A_278 = arith.constant 0 : i32
      %get3A_279 = arith.constant 14 : i32
      %get3A_280 = arith.index_cast %get3A_278 : i32 to index
      %get3A_281 = arith.index_cast %get3A_279 : i32 to index
      %get3A_282 = arith.constant 16 : index
      %get3A_283 = tpu.vector_load %arg7[%get3A_280, %get3A_281, %get3A_282] {strides = array<i32>} : memref<2x16x128xf32, #tpu.memory_space<vmem>>, vector<1x1x16xf32>,
      %get3A_284 = vector.shape_cast %get3A_283 : vector<1x1x16xf32> to vector<16xf32>
      %add3A_285 = arith.addf %add3A_277, %get3A_284 : vector<16xf32>
      %get3A_286 = arith.constant 0 : i32
      %get3A_287 = arith.constant 15 : i32
      %get3A_288 = arith.index_cast %get3A_286 : i32 to index
      %get3A_289 = arith.index_cast %get3A_287 : i32 to index
      %get3A_290 = arith.constant 16 : index
      %get3A_291 = tpu.vector_load %arg7[%get3A_288, %get3A_289, %get3A_290] {strides = array<i32>} : memref<2x16x128xf32, #tpu.memory_space<vmem>>, vector<1x1x16xf32>,
      %get3A_292 = vector.shape_cast %get3A_291 : vector<1x1x16xf32> to vector<16xf32>
      %add3A_293 = arith.addf %add3A_285, %get3A_292 : vector<16xf32>
      %swap3A_294 = arith.index_cast %mul3A_21 : i32 to index
      %swap3A_295 = arith.constant 16 : index
      %swap3A_296 = tpu.vector_load %arg6[%swap3A_294, %swap3A_295] {strides = array<i32>} : memref<288x128xf32, #tpu.memory_space<vmem>>, vector<1x16xf32>,
      %swap3A_297 = vector.shape_cast %swap3A_296 : vector<1x16xf32> to vector<16xf32>
      %swap3A_298 = vector.shape_cast %add3A_293 : vector<16xf32> to vector<1x16xf32>
      tpu.vector_store %arg6[%swap3A_294, %swap3A_295], %swap3A_298 {strides = array<i32>} : memref<288x128xf32, #tpu.memory_space<vmem>>, vector<1x16xf32>,
      %get3A_299 = arith.constant 0 : i32
      %get3A_300 = arith.constant 0 : i32
      %get3A_301 = arith.index_cast %get3A_299 : i32 to index
      %get3A_302 = arith.index_cast %get3A_300 : i32 to index
      %get3A_303 = arith.constant 32 : index
      %get3A_304 = tpu.vector_load %arg7[%get3A_301, %get3A_302, %get3A_303] {strides = array<i32>} : memref<2x16x128xf32, #tpu.memory_space<vmem>>, vector<1x1x16xf32>,
      %get3A_305 = vector.shape_cast %get3A_304 : vector<1x1x16xf32> to vector<16xf32>
      %get3A_306 = arith.constant 0 : i32
      %get3A_307 = arith.constant 1 : i32
      %get3A_308 = arith.index_cast %get3A_306 : i32 to index
      %get3A_309 = arith.index_cast %get3A_307 : i32 to index
      %get3A_310 = arith.constant 32 : index
      %get3A_311 = tpu.vector_load %arg7[%get3A_308, %get3A_309, %get3A_310] {strides = array<i32>} : memref<2x16x128xf32, #tpu.memory_space<vmem>>, vector<1x1x16xf32>,
      %get3A_312 = vector.shape_cast %get3A_311 : vector<1x1x16xf32> to vector<16xf32>
      %add3A_313 = arith.addf %get3A_305, %get3A_312 : vector<16xf32>
      %get3A_314 = arith.constant 0 : i32
      %get3A_315 = arith.constant 2 : i32
      %get3A_316 = arith.index_cast %get3A_314 : i32 to index
      %get3A_317 = arith.index_cast %get3A_315 : i32 to index
      %get3A_318 = arith.constant 32 : index
      %get3A_319 = tpu.vector_load %arg7[%get3A_316, %get3A_317, %get3A_318] {strides = array<i32>} : memref<2x16x128xf32, #tpu.memory_space<vmem>>, vector<1x1x16xf32>,
      %get3A_320 = vector.shape_cast %get3A_319 : vector<1x1x16xf32> to vector<16xf32>
      %add3A_321 = arith.addf %add3A_313, %get3A_320 : vector<16xf32>
      %get3A_322 = arith.constant 0 : i32
      %get3A_323 = arith.constant 3 : i32
      %get3A_324 = arith.index_cast %get3A_322 : i32 to index
      %get3A_325 = arith.index_cast %get3A_323 : i32 to index
      %get3A_326 = arith.constant 32 : index
      %get3A_327 = tpu.vector_load %arg7[%get3A_324, %get3A_325, %get3A_326] {strides = array<i32>} : memref<2x16x128xf32, #tpu.memory_space<vmem>>, vector<1x1x16xf32>,
      %get3A_328 = vector.shape_cast %get3A_327 : vector<1x1x16xf32> to vector<16xf32>
      %add3A_329 = arith.addf %add3A_321, %get3A_328 : vector<16xf32>
      %get3A_330 = arith.constant 0 : i32
      %get3A_331 = arith.constant 4 : i32
      %get3A_332 = arith.index_cast %get3A_330 : i32 to index
      %get3A_333 = arith.index_cast %get3A_331 : i32 to index
      %get3A_334 = arith.constant 32 : index
      %get3A_335 = tpu.vector_load %arg7[%get3A_332, %get3A_333, %get3A_334] {strides = array<i32>} : memref<2x16x128xf32, #tpu.memory_space<vmem>>, vector<1x1x16xf32>,
      %get3A_336 = vector.shape_cast %get3A_335 : vector<1x1x16xf32> to vector<16xf32>
      %add3A_337 = arith.addf %add3A_329, %get3A_336 : vector<16xf32>
      %get3A_338 = arith.constant 0 : i32
      %get3A_339 = arith.constant 5 : i32
      %get3A_340 = arith.index_cast %get3A_338 : i32 to index
      %get3A_341 = arith.index_cast %get3A_339 : i32 to index
      %get3A_342 = arith.constant 32 : index
      %get3A_343 = tpu.vector_load %arg7[%get3A_340, %get3A_341, %get3A_342] {strides = array<i32>} : memref<2x16x128xf32, #tpu.memory_space<vmem>>, vector<1x1x16xf32>,
      %get3A_344 = vector.shape_cast %get3A_343 : vector<1x1x16xf32> to vector<16xf32>
      %add3A_345 = arith.addf %add3A_337, %get3A_344 : vector<16xf32>
      %get3A_346 = arith.constant 0 : i32
      %get3A_347 = arith.constant 6 : i32
      %get3A_348 = arith.index_cast %get3A_346 : i32 to index
      %get3A_349 = arith.index_cast %get3A_347 : i32 to index
      %get3A_350 = arith.constant 32 : index
      %get3A_351 = tpu.vector_load %arg7[%get3A_348, %get3A_349, %get3A_350] {strides = array<i32>} : memref<2x16x128xf32, #tpu.memory_space<vmem>>, vector<1x1x16xf32>,
      %get3A_352 = vector.shape_cast %get3A_351 : vector<1x1x16xf32> to vector<16xf32>
      %add3A_353 = arith.addf %add3A_345, %get3A_352 : vector<16xf32>
      %get3A_354 = arith.constant 0 : i32
      %get3A_355 = arith.constant 7 : i32
      %get3A_356 = arith.index_cast %get3A_354 : i32 to index
      %get3A_357 = arith.index_cast %get3A_355 : i32 to index
      %get3A_358 = arith.constant 32 : index
      %get3A_359 = tpu.vector_load %arg7[%get3A_356, %get3A_357, %get3A_358] {strides = array<i32>} : memref<2x16x128xf32, #tpu.memory_space<vmem>>, vector<1x1x16xf32>,
      %get3A_360 = vector.shape_cast %get3A_359 : vector<1x1x16xf32> to vector<16xf32>
      %add3A_361 = arith.addf %add3A_353, %get3A_360 : vector<16xf32>
      %get3A_362 = arith.constant 0 : i32
      %get3A_363 = arith.constant 8 : i32
      %get3A_364 = arith.index_cast %get3A_362 : i32 to index
      %get3A_365 = arith.index_cast %get3A_363 : i32 to index
      %get3A_366 = arith.constant 32 : index
      %get3A_367 = tpu.vector_load %arg7[%get3A_364, %get3A_365, %get3A_366] {strides = array<i32>} : memref<2x16x128xf32, #tpu.memory_space<vmem>>, vector<1x1x16xf32>,
      %get3A_368 = vector.shape_cast %get3A_367 : vector<1x1x16xf32> to vector<16xf32>
      %add3A_369 = arith.addf %add3A_361, %get3A_368 : vector<16xf32>
      %get3A_370 = arith.constant 0 : i32
      %get3A_371 = arith.constant 9 : i32
      %get3A_372 = arith.index_cast %get3A_370 : i32 to index
      %get3A_373 = arith.index_cast %get3A_371 : i32 to index
      %get3A_374 = arith.constant 32 : index
      %get3A_375 = tpu.vector_load %arg7[%get3A_372, %get3A_373, %get3A_374] {strides = array<i32>} : memref<2x16x128xf32, #tpu.memory_space<vmem>>, vector<1x1x16xf32>,
      %get3A_376 = vector.shape_cast %get3A_375 : vector<1x1x16xf32> to vector<16xf32>
      %add3A_377 = arith.addf %add3A_369, %get3A_376 : vector<16xf32>
      %get3A_378 = arith.constant 0 : i32
      %get3A_379 = arith.constant 10 : i32
      %get3A_380 = arith.index_cast %get3A_378 : i32 to index
      %get3A_381 = arith.index_cast %get3A_379 : i32 to index
      %get3A_382 = arith.constant 32 : index
      %get3A_383 = tpu.vector_load %arg7[%get3A_380, %get3A_381, %get3A_382] {strides = array<i32>} : memref<2x16x128xf32, #tpu.memory_space<vmem>>, vector<1x1x16xf32>,
      %get3A_384 = vector.shape_cast %get3A_383 : vector<1x1x16xf32> to vector<16xf32>
      %add3A_385 = arith.addf %add3A_377, %get3A_384 : vector<16xf32>
      %get3A_386 = arith.constant 0 : i32
      %get3A_387 = arith.constant 11 : i32
      %get3A_388 = arith.index_cast %get3A_386 : i32 to index
      %get3A_389 = arith.index_cast %get3A_387 : i32 to index
      %get3A_390 = arith.constant 32 : index
      %get3A_391 = tpu.vector_load %arg7[%get3A_388, %get3A_389, %get3A_390] {strides = array<i32>} : memref<2x16x128xf32, #tpu.memory_space<vmem>>, vector<1x1x16xf32>,
      %get3A_392 = vector.shape_cast %get3A_391 : vector<1x1x16xf32> to vector<16xf32>
      %add3A_393 = arith.addf %add3A_385, %get3A_392 : vector<16xf32>
      %get3A_394 = arith.constant 0 : i32
      %get3A_395 = arith.constant 12 : i32
      %get3A_396 = arith.index_cast %get3A_394 : i32 to index
      %get3A_397 = arith.index_cast %get3A_395 : i32 to index
      %get3A_398 = arith.constant 32 : index
      %get3A_399 = tpu.vector_load %arg7[%get3A_396, %get3A_397, %get3A_398] {strides = array<i32>} : memref<2x16x128xf32, #tpu.memory_space<vmem>>, vector<1x1x16xf32>,
      %get3A_400 = vector.shape_cast %get3A_399 : vector<1x1x16xf32> to vector<16xf32>
      %add3A_401 = arith.addf %add3A_393, %get3A_400 : vector<16xf32>
      %get3A_402 = arith.constant 0 : i32
      %get3A_403 = arith.constant 13 : i32
      %get3A_404 = arith.index_cast %get3A_402 : i32 to index
      %get3A_405 = arith.index_cast %get3A_403 : i32 to index
      %get3A_406 = arith.constant 32 : index
      %get3A_407 = tpu.vector_load %arg7[%get3A_404, %get3A_405, %get3A_406] {strides = array<i32>} : memref<2x16x128xf32, #tpu.memory_space<vmem>>, vector<1x1x16xf32>,
      %get3A_408 = vector.shape_cast %get3A_407 : vector<1x1x16xf32> to vector<16xf32>
      %add3A_409 = arith.addf %add3A_401, %get3A_408 : vector<16xf32>
      %get3A_410 = arith.constant 0 : i32
      %get3A_411 = arith.constant 14 : i32
      %get3A_412 = arith.index_cast %get3A_410 : i32 to index
      %get3A_413 = arith.index_cast %get3A_411 : i32 to index
      %get3A_414 = arith.constant 32 : index
      %get3A_415 = tpu.vector_load %arg7[%get3A_412, %get3A_413, %get3A_414] {strides = array<i32>} : memref<2x16x128xf32, #tpu.memory_space<vmem>>, vector<1x1x16xf32>,
      %get3A_416 = vector.shape_cast %get3A_415 : vector<1x1x16xf32> to vector<16xf32>
      %add3A_417 = arith.addf %add3A_409, %get3A_416 : vector<16xf32>
      %get3A_418 = arith.constant 0 : i32
      %get3A_419 = arith.constant 15 : i32
      %get3A_420 = arith.index_cast %get3A_418 : i32 to index
      %get3A_421 = arith.index_cast %get3A_419 : i32 to index
      %get3A_422 = arith.constant 32 : index
      %get3A_423 = tpu.vector_load %arg7[%get3A_420, %get3A_421, %get3A_422] {strides = array<i32>} : memref<2x16x128xf32, #tpu.memory_space<vmem>>, vector<1x1x16xf32>,
      %get3A_424 = vector.shape_cast %get3A_423 : vector<1x1x16xf32> to vector<16xf32>
      %add3A_425 = arith.addf %add3A_417, %get3A_424 : vector<16xf32>
      %swap3A_426 = arith.index_cast %mul3A_21 : i32 to index
      %swap3A_427 = arith.constant 32 : index
      %swap3A_428 = tpu.vector_load %arg6[%swap3A_426, %swap3A_427] {strides = array<i32>} : memref<288x128xf32, #tpu.memory_space<vmem>>, vector<1x16xf32>,
      %swap3A_429 = vector.shape_cast %swap3A_428 : vector<1x16xf32> to vector<16xf32>
      %swap3A_430 = vector.shape_cast %add3A_425 : vector<16xf32> to vector<1x16xf32>
      tpu.vector_store %arg6[%swap3A_426, %swap3A_427], %swap3A_430 {strides = array<i32>} : memref<288x128xf32, #tpu.memory_space<vmem>>, vector<1x16xf32>,
      %get3A_431 = arith.constant 0 : i32
      %get3A_432 = arith.constant 0 : i32
      %get3A_433 = arith.index_cast %get3A_431 : i32 to index
      %get3A_434 = arith.index_cast %get3A_432 : i32 to index
      %get3A_435 = arith.constant 48 : index
      %get3A_436 = tpu.vector_load %arg7[%get3A_433, %get3A_434, %get3A_435] {strides = array<i32>} : memref<2x16x128xf32, #tpu.memory_space<vmem>>, vector<1x1x16xf32>,
      %get3A_437 = vector.shape_cast %get3A_436 : vector<1x1x16xf32> to vector<16xf32>
      %get3A_438 = arith.constant 0 : i32
      %get3A_439 = arith.constant 1 : i32
      %get3A_440 = arith.index_cast %get3A_438 : i32 to index
      %get3A_441 = arith.index_cast %get3A_439 : i32 to index
      %get3A_442 = arith.constant 48 : index
      %get3A_443 = tpu.vector_load %arg7[%get3A_440, %get3A_441, %get3A_442] {strides = array<i32>} : memref<2x16x128xf32, #tpu.memory_space<vmem>>, vector<1x1x16xf32>,
      %get3A_444 = vector.shape_cast %get3A_443 : vector<1x1x16xf32> to vector<16xf32>
      %add3A_445 = arith.addf %get3A_437, %get3A_444 : vector<16xf32>
      %get3A_446 = arith.constant 0 : i32
      %get3A_447 = arith.constant 2 : i32
      %get3A_448 = arith.index_cast %get3A_446 : i32 to index
      %get3A_449 = arith.index_cast %get3A_447 : i32 to index
      %get3A_450 = arith.constant 48 : index
      %get3A_451 = tpu.vector_load %arg7[%get3A_448, %get3A_449, %get3A_450] {strides = array<i32>} : memref<2x16x128xf32, #tpu.memory_space<vmem>>, vector<1x1x16xf32>,
      %get3A_452 = vector.shape_cast %get3A_451 : vector<1x1x16xf32> to vector<16xf32>
      %add3A_453 = arith.addf %add3A_445, %get3A_452 : vector<16xf32>
      %get3A_454 = arith.constant 0 : i32
      %get3A_455 = arith.constant 3 : i32
      %get3A_456 = arith.index_cast %get3A_454 : i32 to index
      %get3A_457 = arith.index_cast %get3A_455 : i32 to index
      %get3A_458 = arith.constant 48 : index
      %get3A_459 = tpu.vector_load %arg7[%get3A_456, %get3A_457, %get3A_458] {strides = array<i32>} : memref<2x16x128xf32, #tpu.memory_space<vmem>>, vector<1x1x16xf32>,
      %get3A_460 = vector.shape_cast %get3A_459 : vector<1x1x16xf32> to vector<16xf32>
      %add3A_461 = arith.addf %add3A_453, %get3A_460 : vector<16xf32>
      %get3A_462 = arith.constant 0 : i32
      %get3A_463 = arith.constant 4 : i32
      %get3A_464 = arith.index_cast %get3A_462 : i32 to index
      %get3A_465 = arith.index_cast %get3A_463 : i32 to index
      %get3A_466 = arith.constant 48 : index
      %get3A_467 = tpu.vector_load %arg7[%get3A_464, %get3A_465, %get3A_466] {strides = array<i32>} : memref<2x16x128xf32, #tpu.memory_space<vmem>>, vector<1x1x16xf32>,
      %get3A_468 = vector.shape_cast %get3A_467 : vector<1x1x16xf32> to vector<16xf32>
      %add3A_469 = arith.addf %add3A_461, %get3A_468 : vector<16xf32>
      %get3A_470 = arith.constant 0 : i32
      %get3A_471 = arith.constant 5 : i32
      %get3A_472 = arith.index_cast %get3A_470 : i32 to index
      %get3A_473 = arith.index_cast %get3A_471 : i32 to index
      %get3A_474 = arith.constant 48 : index
      %get3A_475 = tpu.vector_load %arg7[%get3A_472, %get3A_473, %get3A_474] {strides = array<i32>} : memref<2x16x128xf32, #tpu.memory_space<vmem>>, vector<1x1x16xf32>,
      %get3A_476 = vector.shape_cast %get3A_475 : vector<1x1x16xf32> to vector<16xf32>
      %add3A_477 = arith.addf %add3A_469, %get3A_476 : vector<16xf32>
      %get3A_478 = arith.constant 0 : i32
      %get3A_479 = arith.constant 6 : i32
      %get3A_480 = arith.index_cast %get3A_478 : i32 to index
      %get3A_481 = arith.index_cast %get3A_479 : i32 to index
      %get3A_482 = arith.constant 48 : index
      %get3A_483 = tpu.vector_load %arg7[%get3A_480, %get3A_481, %get3A_482] {strides = array<i32>} : memref<2x16x128xf32, #tpu.memory_space<vmem>>, vector<1x1x16xf32>,
      %get3A_484 = vector.shape_cast %get3A_483 : vector<1x1x16xf32> to vector<16xf32>
      %add3A_485 = arith.addf %add3A_477, %get3A_484 : vector<16xf32>
      %get3A_486 = arith.constant 0 : i32
      %get3A_487 = arith.constant 7 : i32
      %get3A_488 = arith.index_cast %get3A_486 : i32 to index
      %get3A_489 = arith.index_cast %get3A_487 : i32 to index
      %get3A_490 = arith.constant 48 : index
      %get3A_491 = tpu.vector_load %arg7[%get3A_488, %get3A_489, %get3A_490] {strides = array<i32>} : memref<2x16x128xf32, #tpu.memory_space<vmem>>, vector<1x1x16xf32>,
      %get3A_492 = vector.shape_cast %get3A_491 : vector<1x1x16xf32> to vector<16xf32>
      %add3A_493 = arith.addf %add3A_485, %get3A_492 : vector<16xf32>
      %get3A_494 = arith.constant 0 : i32
      %get3A_495 = arith.constant 8 : i32
      %get3A_496 = arith.index_cast %get3A_494 : i32 to index
      %get3A_497 = arith.index_cast %get3A_495 : i32 to index
      %get3A_498 = arith.constant 48 : index
      %get3A_499 = tpu.vector_load %arg7[%get3A_496, %get3A_497, %get3A_498] {strides = array<i32>} : memref<2x16x128xf32, #tpu.memory_space<vmem>>, vector<1x1x16xf32>,
      %get3A_500 = vector.shape_cast %get3A_499 : vector<1x1x16xf32> to vector<16xf32>
      %add3A_501 = arith.addf %add3A_493, %get3A_500 : vector<16xf32>
      %get3A_502 = arith.constant 0 : i32
      %get3A_503 = arith.constant 9 : i32
      %get3A_504 = arith.index_cast %get3A_502 : i32 to index
      %get3A_505 = arith.index_cast %get3A_503 : i32 to index
      %get3A_506 = arith.constant 48 : index
      %get3A_507 = tpu.vector_load %arg7[%get3A_504, %get3A_505, %get3A_506] {strides = array<i32>} : memref<2x16x128xf32, #tpu.memory_space<vmem>>, vector<1x1x16xf32>,
      %get3A_508 = vector.shape_cast %get3A_507 : vector<1x1x16xf32> to vector<16xf32>
      %add3A_509 = arith.addf %add3A_501, %get3A_508 : vector<16xf32>
      %get3A_510 = arith.constant 0 : i32
      %get3A_511 = arith.constant 10 : i32
      %get3A_512 = arith.index_cast %get3A_510 : i32 to index
      %get3A_513 = arith.index_cast %get3A_511 : i32 to index
      %get3A_514 = arith.constant 48 : index
      %get3A_515 = tpu.vector_load %arg7[%get3A_512, %get3A_513, %get3A_514] {strides = array<i32>} : memref<2x16x128xf32, #tpu.memory_space<vmem>>, vector<1x1x16xf32>,
      %get3A_516 = vector.shape_cast %get3A_515 : vector<1x1x16xf32> to vector<16xf32>
      %add3A_517 = arith.addf %add3A_509, %get3A_516 : vector<16xf32>
      %get3A_518 = arith.constant 0 : i32
      %get3A_519 = arith.constant 11 : i32
      %get3A_520 = arith.index_cast %get3A_518 : i32 to index
      %get3A_521 = arith.index_cast %get3A_519 : i32 to index
      %get3A_522 = arith.constant 48 : index
      %get3A_523 = tpu.vector_load %arg7[%get3A_520, %get3A_521, %get3A_522] {strides = array<i32>} : memref<2x16x128xf32, #tpu.memory_space<vmem>>, vector<1x1x16xf32>,
      %get3A_524 = vector.shape_cast %get3A_523 : vector<1x1x16xf32> to vector<16xf32>
      %add3A_525 = arith.addf %add3A_517, %get3A_524 : vector<16xf32>
      %get3A_526 = arith.constant 0 : i32
      %get3A_527 = arith.constant 12 : i32
      %get3A_528 = arith.index_cast %get3A_526 : i32 to index
      %get3A_529 = arith.index_cast %get3A_527 : i32 to index
      %get3A_530 = arith.constant 48 : index
      %get3A_531 = tpu.vector_load %arg7[%get3A_528, %get3A_529, %get3A_530] {strides = array<i32>} : memref<2x16x128xf32, #tpu.memory_space<vmem>>, vector<1x1x16xf32>,
      %get3A_532 = vector.shape_cast %get3A_531 : vector<1x1x16xf32> to vector<16xf32>
      %add3A_533 = arith.addf %add3A_525, %get3A_532 : vector<16xf32>
      %get3A_534 = arith.constant 0 : i32
      %get3A_535 = arith.constant 13 : i32
      %get3A_536 = arith.index_cast %get3A_534 : i32 to index
      %get3A_537 = arith.index_cast %get3A_535 : i32 to index
      %get3A_538 = arith.constant 48 : index
      %get3A_539 = tpu.vector_load %arg7[%get3A_536, %get3A_537, %get3A_538] {strides = array<i32>} : memref<2x16x128xf32, #tpu.memory_space<vmem>>, vector<1x1x16xf32>,
      %get3A_540 = vector.shape_cast %get3A_539 : vector<1x1x16xf32> to vector<16xf32>
      %add3A_541 = arith.addf %add3A_533, %get3A_540 : vector<16xf32>
      %get3A_542 = arith.constant 0 : i32
      %get3A_543 = arith.constant 14 : i32
      %get3A_544 = arith.index_cast %get3A_542 : i32 to index
      %get3A_545 = arith.index_cast %get3A_543 : i32 to index
      %get3A_546 = arith.constant 48 : index
      %get3A_547 = tpu.vector_load %arg7[%get3A_544, %get3A_545, %get3A_546] {strides = array<i32>} : memref<2x16x128xf32, #tpu.memory_space<vmem>>, vector<1x1x16xf32>,
      %get3A_548 = vector.shape_cast %get3A_547 : vector<1x1x16xf32> to vector<16xf32>
      %add3A_549 = arith.addf %add3A_541, %get3A_548 : vector<16xf32>
      %get3A_550 = arith.constant 0 : i32
      %get3A_551 = arith.constant 15 : i32
      %get3A_552 = arith.index_cast %get3A_550 : i32 to index
      %get3A_553 = arith.index_cast %get3A_551 : i32 to index
      %get3A_554 = arith.constant 48 : index
      %get3A_555 = tpu.vector_load %arg7[%get3A_552, %get3A_553, %get3A_554] {strides = array<i32>} : memref<2x16x128xf32, #tpu.memory_space<vmem>>, vector<1x1x16xf32>,
      %get3A_556 = vector.shape_cast %get3A_555 : vector<1x1x16xf32> to vector<16xf32>
      %add3A_557 = arith.addf %add3A_549, %get3A_556 : vector<16xf32>
      %swap3A_558 = arith.index_cast %mul3A_21 : i32 to index
      %swap3A_559 = arith.constant 48 : index
      %swap3A_560 = tpu.vector_load %arg6[%swap3A_558, %swap3A_559] {strides = array<i32>} : memref<288x128xf32, #tpu.memory_space<vmem>>, vector<1x16xf32>,
      %swap3A_561 = vector.shape_cast %swap3A_560 : vector<1x16xf32> to vector<16xf32>
      %swap3A_562 = vector.shape_cast %add3A_557 : vector<16xf32> to vector<1x16xf32>
      tpu.vector_store %arg6[%swap3A_558, %swap3A_559], %swap3A_562 {strides = array<i32>} : memref<288x128xf32, #tpu.memory_space<vmem>>, vector<1x16xf32>,
      %get3A_563 = arith.constant 0 : i32
      %get3A_564 = arith.constant 0 : i32
      %get3A_565 = arith.index_cast %get3A_563 : i32 to index
      %get3A_566 = arith.index_cast %get3A_564 : i32 to index
      %get3A_567 = arith.constant 64 : index
      %get3A_568 = tpu.vector_load %arg7[%get3A_565, %get3A_566, %get3A_567] {strides = array<i32>} : memref<2x16x128xf32, #tpu.memory_space<vmem>>, vector<1x1x16xf32>,
      %get3A_569 = vector.shape_cast %get3A_568 : vector<1x1x16xf32> to vector<16xf32>
      %get3A_570 = arith.constant 0 : i32
      %get3A_571 = arith.constant 1 : i32
      %get3A_572 = arith.index_cast %get3A_570 : i32 to index
      %get3A_573 = arith.index_cast %get3A_571 : i32 to index
      %get3A_574 = arith.constant 64 : index
      %get3A_575 = tpu.vector_load %arg7[%get3A_572, %get3A_573, %get3A_574] {strides = array<i32>} : memref<2x16x128xf32, #tpu.memory_space<vmem>>, vector<1x1x16xf32>,
      %get3A_576 = vector.shape_cast %get3A_575 : vector<1x1x16xf32> to vector<16xf32>
      %add3A_577 = arith.addf %get3A_569, %get3A_576 : vector<16xf32>
      %get3A_578 = arith.constant 0 : i32
      %get3A_579 = arith.constant 2 : i32
      %get3A_580 = arith.index_cast %get3A_578 : i32 to index
      %get3A_581 = arith.index_cast %get3A_579 : i32 to index
      %get3A_582 = arith.constant 64 : index
      %get3A_583 = tpu.vector_load %arg7[%get3A_580, %get3A_581, %get3A_582] {strides = array<i32>} : memref<2x16x128xf32, #tpu.memory_space<vmem>>, vector<1x1x16xf32>,
      %get3A_584 = vector.shape_cast %get3A_583 : vector<1x1x16xf32> to vector<16xf32>
      %add3A_585 = arith.addf %add3A_577, %get3A_584 : vector<16xf32>
      %get3A_586 = arith.constant 0 : i32
      %get3A_587 = arith.constant 3 : i32
      %get3A_588 = arith.index_cast %get3A_586 : i32 to index
      %get3A_589 = arith.index_cast %get3A_587 : i32 to index
      %get3A_590 = arith.constant 64 : index
      %get3A_591 = tpu.vector_load %arg7[%get3A_588, %get3A_589, %get3A_590] {strides = array<i32>} : memref<2x16x128xf32, #tpu.memory_space<vmem>>, vector<1x1x16xf32>,
      %get3A_592 = vector.shape_cast %get3A_591 : vector<1x1x16xf32> to vector<16xf32>
      %add3A_593 = arith.addf %add3A_585, %get3A_592 : vector<16xf32>
      %get3A_594 = arith.constant 0 : i32
      %get3A_595 = arith.constant 4 : i32
      %get3A_596 = arith.index_cast %get3A_594 : i32 to index
      %get3A_597 = arith.index_cast %get3A_595 : i32 to index
      %get3A_598 = arith.constant 64 : index
      %get3A_599 = tpu.vector_load %arg7[%get3A_596, %get3A_597, %get3A_598] {strides = array<i32>} : memref<2x16x128xf32, #tpu.memory_space<vmem>>, vector<1x1x16xf32>,
      %get3A_600 = vector.shape_cast %get3A_599 : vector<1x1x16xf32> to vector<16xf32>
      %add3A_601 = arith.addf %add3A_593, %get3A_600 : vector<16xf32>
      %get3A_602 = arith.constant 0 : i32
      %get3A_603 = arith.constant 5 : i32
      %get3A_604 = arith.index_cast %get3A_602 : i32 to index
      %get3A_605 = arith.index_cast %get3A_603 : i32 to index
      %get3A_606 = arith.constant 64 : index
      %get3A_607 = tpu.vector_load %arg7[%get3A_604, %get3A_605, %get3A_606] {strides = array<i32>} : memref<2x16x128xf32, #tpu.memory_space<vmem>>, vector<1x1x16xf32>,
      %get3A_608 = vector.shape_cast %get3A_607 : vector<1x1x16xf32> to vector<16xf32>
      %add3A_609 = arith.addf %add3A_601, %get3A_608 : vector<16xf32>
      %get3A_610 = arith.constant 0 : i32
      %get3A_611 = arith.constant 6 : i32
      %get3A_612 = arith.index_cast %get3A_610 : i32 to index
      %get3A_613 = arith.index_cast %get3A_611 : i32 to index
      %get3A_614 = arith.constant 64 : index
      %get3A_615 = tpu.vector_load %arg7[%get3A_612, %get3A_613, %get3A_614] {strides = array<i32>} : memref<2x16x128xf32, #tpu.memory_space<vmem>>, vector<1x1x16xf32>,
      %get3A_616 = vector.shape_cast %get3A_615 : vector<1x1x16xf32> to vector<16xf32>
      %add3A_617 = arith.addf %add3A_609, %get3A_616 : vector<16xf32>
      %get3A_618 = arith.constant 0 : i32
      %get3A_619 = arith.constant 7 : i32
      %get3A_620 = arith.index_cast %get3A_618 : i32 to index
      %get3A_621 = arith.index_cast %get3A_619 : i32 to index
      %get3A_622 = arith.constant 64 : index
      %get3A_623 = tpu.vector_load %arg7[%get3A_620, %get3A_621, %get3A_622] {strides = array<i32>} : memref<2x16x128xf32, #tpu.memory_space<vmem>>, vector<1x1x16xf32>,
      %get3A_624 = vector.shape_cast %get3A_623 : vector<1x1x16xf32> to vector<16xf32>
      %add3A_625 = arith.addf %add3A_617, %get3A_624 : vector<16xf32>
      %get3A_626 = arith.constant 0 : i32
      %get3A_627 = arith.constant 8 : i32
      %get3A_628 = arith.index_cast %get3A_626 : i32 to index
      %get3A_629 = arith.index_cast %get3A_627 : i32 to index
      %get3A_630 = arith.constant 64 : index
      %get3A_631 = tpu.vector_load %arg7[%get3A_628, %get3A_629, %get3A_630] {strides = array<i32>} : memref<2x16x128xf32, #tpu.memory_space<vmem>>, vector<1x1x16xf32>,
      %get3A_632 = vector.shape_cast %get3A_631 : vector<1x1x16xf32> to vector<16xf32>
      %add3A_633 = arith.addf %add3A_625, %get3A_632 : vector<16xf32>
      %get3A_634 = arith.constant 0 : i32
      %get3A_635 = arith.constant 9 : i32
      %get3A_636 = arith.index_cast %get3A_634 : i32 to index
      %get3A_637 = arith.index_cast %get3A_635 : i32 to index
      %get3A_638 = arith.constant 64 : index
      %get3A_639 = tpu.vector_load %arg7[%get3A_636, %get3A_637, %get3A_638] {strides = array<i32>} : memref<2x16x128xf32, #tpu.memory_space<vmem>>, vector<1x1x16xf32>,
      %get3A_640 = vector.shape_cast %get3A_639 : vector<1x1x16xf32> to vector<16xf32>
      %add3A_641 = arith.addf %add3A_633, %get3A_640 : vector<16xf32>
      %get3A_642 = arith.constant 0 : i32
      %get3A_643 = arith.constant 10 : i32
      %get3A_644 = arith.index_cast %get3A_642 : i32 to index
      %get3A_645 = arith.index_cast %get3A_643 : i32 to index
      %get3A_646 = arith.constant 64 : index
      %get3A_647 = tpu.vector_load %arg7[%get3A_644, %get3A_645, %get3A_646] {strides = array<i32>} : memref<2x16x128xf32, #tpu.memory_space<vmem>>, vector<1x1x16xf32>,
      %get3A_648 = vector.shape_cast %get3A_647 : vector<1x1x16xf32> to vector<16xf32>
      %add3A_649 = arith.addf %add3A_641, %get3A_648 : vector<16xf32>
      %get3A_650 = arith.constant 0 : i32
      %get3A_651 = arith.constant 11 : i32
      %get3A_652 = arith.index_cast %get3A_650 : i32 to index
      %get3A_653 = arith.index_cast %get3A_651 : i32 to index
      %get3A_654 = arith.constant 64 : index
      %get3A_655 = tpu.vector_load %arg7[%get3A_652, %get3A_653, %get3A_654] {strides = array<i32>} : memref<2x16x128xf32, #tpu.memory_space<vmem>>, vector<1x1x16xf32>,
      %get3A_656 = vector.shape_cast %get3A_655 : vector<1x1x16xf32> to vector<16xf32>
      %add3A_657 = arith.addf %add3A_649, %get3A_656 : vector<16xf32>
      %get3A_658 = arith.constant 0 : i32
      %get3A_659 = arith.constant 12 : i32
      %get3A_660 = arith.index_cast %get3A_658 : i32 to index
      %get3A_661 = arith.index_cast %get3A_659 : i32 to index
      %get3A_662 = arith.constant 64 : index
      %get3A_663 = tpu.vector_load %arg7[%get3A_660, %get3A_661, %get3A_662] {strides = array<i32>} : memref<2x16x128xf32, #tpu.memory_space<vmem>>, vector<1x1x16xf32>,
      %get3A_664 = vector.shape_cast %get3A_663 : vector<1x1x16xf32> to vector<16xf32>
      %add3A_665 = arith.addf %add3A_657, %get3A_664 : vector<16xf32>
      %get3A_666 = arith.constant 0 : i32
      %get3A_667 = arith.constant 13 : i32
      %get3A_668 = arith.index_cast %get3A_666 : i32 to index
      %get3A_669 = arith.index_cast %get3A_667 : i32 to index
      %get3A_670 = arith.constant 64 : index
      %get3A_671 = tpu.vector_load %arg7[%get3A_668, %get3A_669, %get3A_670] {strides = array<i32>} : memref<2x16x128xf32, #tpu.memory_space<vmem>>, vector<1x1x16xf32>,
      %get3A_672 = vector.shape_cast %get3A_671 : vector<1x1x16xf32> to vector<16xf32>
      %add3A_673 = arith.addf %add3A_665, %get3A_672 : vector<16xf32>
      %get3A_674 = arith.constant 0 : i32
      %get3A_675 = arith.constant 14 : i32
      %get3A_676 = arith.index_cast %get3A_674 : i32 to index
      %get3A_677 = arith.index_cast %get3A_675 : i32 to index
      %get3A_678 = arith.constant 64 : index
      %get3A_679 = tpu.vector_load %arg7[%get3A_676, %get3A_677, %get3A_678] {strides = array<i32>} : memref<2x16x128xf32, #tpu.memory_space<vmem>>, vector<1x1x16xf32>,
      %get3A_680 = vector.shape_cast %get3A_679 : vector<1x1x16xf32> to vector<16xf32>
      %add3A_681 = arith.addf %add3A_673, %get3A_680 : vector<16xf32>
      %get3A_682 = arith.constant 0 : i32
      %get3A_683 = arith.constant 15 : i32
      %get3A_684 = arith.index_cast %get3A_682 : i32 to index
      %get3A_685 = arith.index_cast %get3A_683 : i32 to index
      %get3A_686 = arith.constant 64 : index
      %get3A_687 = tpu.vector_load %arg7[%get3A_684, %get3A_685, %get3A_686] {strides = array<i32>} : memref<2x16x128xf32, #tpu.memory_space<vmem>>, vector<1x1x16xf32>,
      %get3A_688 = vector.shape_cast %get3A_687 : vector<1x1x16xf32> to vector<16xf32>
      %add3A_689 = arith.addf %add3A_681, %get3A_688 : vector<16xf32>
      %swap3A_690 = arith.index_cast %mul3A_21 : i32 to index
      %swap3A_691 = arith.constant 64 : index
      %swap3A_692 = tpu.vector_load %arg6[%swap3A_690, %swap3A_691] {strides = array<i32>} : memref<288x128xf32, #tpu.memory_space<vmem>>, vector<1x16xf32>,
      %swap3A_693 = vector.shape_cast %swap3A_692 : vector<1x16xf32> to vector<16xf32>
      %swap3A_694 = vector.shape_cast %add3A_689 : vector<16xf32> to vector<1x16xf32>
      tpu.vector_store %arg6[%swap3A_690, %swap3A_691], %swap3A_694 {strides = array<i32>} : memref<288x128xf32, #tpu.memory_space<vmem>>, vector<1x16xf32>,
      %get3A_695 = arith.constant 0 : i32
      %get3A_696 = arith.constant 0 : i32
      %get3A_697 = arith.index_cast %get3A_695 : i32 to index
      %get3A_698 = arith.index_cast %get3A_696 : i32 to index
      %get3A_699 = arith.constant 80 : index
      %get3A_700 = tpu.vector_load %arg7[%get3A_697, %get3A_698, %get3A_699] {strides = array<i32>} : memref<2x16x128xf32, #tpu.memory_space<vmem>>, vector<1x1x16xf32>,
      %get3A_701 = vector.shape_cast %get3A_700 : vector<1x1x16xf32> to vector<16xf32>
      %get3A_702 = arith.constant 0 : i32
      %get3A_703 = arith.constant 1 : i32
      %get3A_704 = arith.index_cast %get3A_702 : i32 to index
      %get3A_705 = arith.index_cast %get3A_703 : i32 to index
      %get3A_706 = arith.constant 80 : index
      %get3A_707 = tpu.vector_load %arg7[%get3A_704, %get3A_705, %get3A_706] {strides = array<i32>} : memref<2x16x128xf32, #tpu.memory_space<vmem>>, vector<1x1x16xf32>,
      %get3A_708 = vector.shape_cast %get3A_707 : vector<1x1x16xf32> to vector<16xf32>
      %add3A_709 = arith.addf %get3A_701, %get3A_708 : vector<16xf32>
      %get3A_710 = arith.constant 0 : i32
      %get3A_711 = arith.constant 2 : i32
      %get3A_712 = arith.index_cast %get3A_710 : i32 to index
      %get3A_713 = arith.index_cast %get3A_711 : i32 to index
      %get3A_714 = arith.constant 80 : index
      %get3A_715 = tpu.vector_load %arg7[%get3A_712, %get3A_713, %get3A_714] {strides = array<i32>} : memref<2x16x128xf32, #tpu.memory_space<vmem>>, vector<1x1x16xf32>,
      %get3A_716 = vector.shape_cast %get3A_715 : vector<1x1x16xf32> to vector<16xf32>
      %add3A_717 = arith.addf %add3A_709, %get3A_716 : vector<16xf32>
      %get3A_718 = arith.constant 0 : i32
      %get3A_719 = arith.constant 3 : i32
      %get3A_720 = arith.index_cast %get3A_718 : i32 to index
      %get3A_721 = arith.index_cast %get3A_719 : i32 to index
      %get3A_722 = arith.constant 80 : index
      %get3A_723 = tpu.vector_load %arg7[%get3A_720, %get3A_721, %get3A_722] {strides = array<i32>} : memref<2x16x128xf32, #tpu.memory_space<vmem>>, vector<1x1x16xf32>,
      %get3A_724 = vector.shape_cast %get3A_723 : vector<1x1x16xf32> to vector<16xf32>
      %add3A_725 = arith.addf %add3A_717, %get3A_724 : vector<16xf32>
      %get3A_726 = arith.constant 0 : i32
      %get3A_727 = arith.constant 4 : i32
      %get3A_728 = arith.index_cast %get3A_726 : i32 to index
      %get3A_729 = arith.index_cast %get3A_727 : i32 to index
      %get3A_730 = arith.constant 80 : index
      %get3A_731 = tpu.vector_load %arg7[%get3A_728, %get3A_729, %get3A_730] {strides = array<i32>} : memref<2x16x128xf32, #tpu.memory_space<vmem>>, vector<1x1x16xf32>,
      %get3A_732 = vector.shape_cast %get3A_731 : vector<1x1x16xf32> to vector<16xf32>
      %add3A_733 = arith.addf %add3A_725, %get3A_732 : vector<16xf32>
      %get3A_734 = arith.constant 0 : i32
      %get3A_735 = arith.constant 5 : i32
      %get3A_736 = arith.index_cast %get3A_734 : i32 to index
      %get3A_737 = arith.index_cast %get3A_735 : i32 to index
      %get3A_738 = arith.constant 80 : index
      %get3A_739 = tpu.vector_load %arg7[%get3A_736, %get3A_737, %get3A_738] {strides = array<i32>} : memref<2x16x128xf32, #tpu.memory_space<vmem>>, vector<1x1x16xf32>,
      %get3A_740 = vector.shape_cast %get3A_739 : vector<1x1x16xf32> to vector<16xf32>
      %add3A_741 = arith.addf %add3A_733, %get3A_740 : vector<16xf32>
      %get3A_742 = arith.constant 0 : i32
      %get3A_743 = arith.constant 6 : i32
      %get3A_744 = arith.index_cast %get3A_742 : i32 to index
      %get3A_745 = arith.index_cast %get3A_743 : i32 to index
      %get3A_746 = arith.constant 80 : index
      %get3A_747 = tpu.vector_load %arg7[%get3A_744, %get3A_745, %get3A_746] {strides = array<i32>} : memref<2x16x128xf32, #tpu.memory_space<vmem>>, vector<1x1x16xf32>,
      %get3A_748 = vector.shape_cast %get3A_747 : vector<1x1x16xf32> to vector<16xf32>
      %add3A_749 = arith.addf %add3A_741, %get3A_748 : vector<16xf32>
      %get3A_750 = arith.constant 0 : i32
      %get3A_751 = arith.constant 7 : i32
      %get3A_752 = arith.index_cast %get3A_750 : i32 to index
      %get3A_753 = arith.index_cast %get3A_751 : i32 to index
      %get3A_754 = arith.constant 80 : index
      %get3A_755 = tpu.vector_load %arg7[%get3A_752, %get3A_753, %get3A_754] {strides = array<i32>} : memref<2x16x128xf32, #tpu.memory_space<vmem>>, vector<1x1x16xf32>,
      %get3A_756 = vector.shape_cast %get3A_755 : vector<1x1x16xf32> to vector<16xf32>
      %add3A_757 = arith.addf %add3A_749, %get3A_756 : vector<16xf32>
      %get3A_758 = arith.constant 0 : i32
      %get3A_759 = arith.constant 8 : i32
      %get3A_760 = arith.index_cast %get3A_758 : i32 to index
      %get3A_761 = arith.index_cast %get3A_759 : i32 to index
      %get3A_762 = arith.constant 80 : index
      %get3A_763 = tpu.vector_load %arg7[%get3A_760, %get3A_761, %get3A_762] {strides = array<i32>} : memref<2x16x128xf32, #tpu.memory_space<vmem>>, vector<1x1x16xf32>,
      %get3A_764 = vector.shape_cast %get3A_763 : vector<1x1x16xf32> to vector<16xf32>
      %add3A_765 = arith.addf %add3A_757, %get3A_764 : vector<16xf32>
      %get3A_766 = arith.constant 0 : i32
      %get3A_767 = arith.constant 9 : i32
      %get3A_768 = arith.index_cast %get3A_766 : i32 to index
      %get3A_769 = arith.index_cast %get3A_767 : i32 to index
      %get3A_770 = arith.constant 80 : index
      %get3A_771 = tpu.vector_load %arg7[%get3A_768, %get3A_769, %get3A_770] {strides = array<i32>} : memref<2x16x128xf32, #tpu.memory_space<vmem>>, vector<1x1x16xf32>,
      %get3A_772 = vector.shape_cast %get3A_771 : vector<1x1x16xf32> to vector<16xf32>
      %add3A_773 = arith.addf %add3A_765, %get3A_772 : vector<16xf32>
      %get3A_774 = arith.constant 0 : i32
      %get3A_775 = arith.constant 10 : i32
      %get3A_776 = arith.index_cast %get3A_774 : i32 to index
      %get3A_777 = arith.index_cast %get3A_775 : i32 to index
      %get3A_778 = arith.constant 80 : index
      %get3A_779 = tpu.vector_load %arg7[%get3A_776, %get3A_777, %get3A_778] {strides = array<i32>} : memref<2x16x128xf32, #tpu.memory_space<vmem>>, vector<1x1x16xf32>,
      %get3A_780 = vector.shape_cast %get3A_779 : vector<1x1x16xf32> to vector<16xf32>
      %add3A_781 = arith.addf %add3A_773, %get3A_780 : vector<16xf32>
      %get3A_782 = arith.constant 0 : i32
      %get3A_783 = arith.constant 11 : i32
      %get3A_784 = arith.index_cast %get3A_782 : i32 to index
      %get3A_785 = arith.index_cast %get3A_783 : i32 to index
      %get3A_786 = arith.constant 80 : index
      %get3A_787 = tpu.vector_load %arg7[%get3A_784, %get3A_785, %get3A_786] {strides = array<i32>} : memref<2x16x128xf32, #tpu.memory_space<vmem>>, vector<1x1x16xf32>,
      %get3A_788 = vector.shape_cast %get3A_787 : vector<1x1x16xf32> to vector<16xf32>
      %add3A_789 = arith.addf %add3A_781, %get3A_788 : vector<16xf32>
      %get3A_790 = arith.constant 0 : i32
      %get3A_791 = arith.constant 12 : i32
      %get3A_792 = arith.index_cast %get3A_790 : i32 to index
      %get3A_793 = arith.index_cast %get3A_791 : i32 to index
      %get3A_794 = arith.constant 80 : index
      %get3A_795 = tpu.vector_load %arg7[%get3A_792, %get3A_793, %get3A_794] {strides = array<i32>} : memref<2x16x128xf32, #tpu.memory_space<vmem>>, vector<1x1x16xf32>,
      %get3A_796 = vector.shape_cast %get3A_795 : vector<1x1x16xf32> to vector<16xf32>
      %add3A_797 = arith.addf %add3A_789, %get3A_796 : vector<16xf32>
      %get3A_798 = arith.constant 0 : i32
      %get3A_799 = arith.constant 13 : i32
      %get3A_800 = arith.index_cast %get3A_798 : i32 to index
      %get3A_801 = arith.index_cast %get3A_799 : i32 to index
      %get3A_802 = arith.constant 80 : index
      %get3A_803 = tpu.vector_load %arg7[%get3A_800, %get3A_801, %get3A_802] {strides = array<i32>} : memref<2x16x128xf32, #tpu.memory_space<vmem>>, vector<1x1x16xf32>,
      %get3A_804 = vector.shape_cast %get3A_803 : vector<1x1x16xf32> to vector<16xf32>
      %add3A_805 = arith.addf %add3A_797, %get3A_804 : vector<16xf32>
      %get3A_806 = arith.constant 0 : i32
      %get3A_807 = arith.constant 14 : i32
      %get3A_808 = arith.index_cast %get3A_806 : i32 to index
      %get3A_809 = arith.index_cast %get3A_807 : i32 to index
      %get3A_810 = arith.constant 80 : index
      %get3A_811 = tpu.vector_load %arg7[%get3A_808, %get3A_809, %get3A_810] {strides = array<i32>} : memref<2x16x128xf32, #tpu.memory_space<vmem>>, vector<1x1x16xf32>,
      %get3A_812 = vector.shape_cast %get3A_811 : vector<1x1x16xf32> to vector<16xf32>
      %add3A_813 = arith.addf %add3A_805, %get3A_812 : vector<16xf32>
      %get3A_814 = arith.constant 0 : i32
      %get3A_815 = arith.constant 15 : i32
      %get3A_816 = arith.index_cast %get3A_814 : i32 to index
      %get3A_817 = arith.index_cast %get3A_815 : i32 to index
      %get3A_818 = arith.constant 80 : index
      %get3A_819 = tpu.vector_load %arg7[%get3A_816, %get3A_817, %get3A_818] {strides = array<i32>} : memref<2x16x128xf32, #tpu.memory_space<vmem>>, vector<1x1x16xf32>,
      %get3A_820 = vector.shape_cast %get3A_819 : vector<1x1x16xf32> to vector<16xf32>
      %add3A_821 = arith.addf %add3A_813, %get3A_820 : vector<16xf32>
      %swap3A_822 = arith.index_cast %mul3A_21 : i32 to index
      %swap3A_823 = arith.constant 80 : index
      %swap3A_824 = tpu.vector_load %arg6[%swap3A_822, %swap3A_823] {strides = array<i32>} : memref<288x128xf32, #tpu.memory_space<vmem>>, vector<1x16xf32>,
      %swap3A_825 = vector.shape_cast %swap3A_824 : vector<1x16xf32> to vector<16xf32>
      %swap3A_826 = vector.shape_cast %add3A_821 : vector<16xf32> to vector<1x16xf32>
      tpu.vector_store %arg6[%swap3A_822, %swap3A_823], %swap3A_826 {strides = array<i32>} : memref<288x128xf32, #tpu.memory_space<vmem>>, vector<1x16xf32>,
      %get3A_827 = arith.constant 0 : i32
      %get3A_828 = arith.constant 0 : i32
      %get3A_829 = arith.index_cast %get3A_827 : i32 to index
      %get3A_830 = arith.index_cast %get3A_828 : i32 to index
      %get3A_831 = arith.constant 96 : index
      %get3A_832 = tpu.vector_load %arg7[%get3A_829, %get3A_830, %get3A_831] {strides = array<i32>} : memref<2x16x128xf32, #tpu.memory_space<vmem>>, vector<1x1x16xf32>,
      %get3A_833 = vector.shape_cast %get3A_832 : vector<1x1x16xf32> to vector<16xf32>
      %get3A_834 = arith.constant 0 : i32
      %get3A_835 = arith.constant 1 : i32
      %get3A_836 = arith.index_cast %get3A_834 : i32 to index
      %get3A_837 = arith.index_cast %get3A_835 : i32 to index
      %get3A_838 = arith.constant 96 : index
      %get3A_839 = tpu.vector_load %arg7[%get3A_836, %get3A_837, %get3A_838] {strides = array<i32>} : memref<2x16x128xf32, #tpu.memory_space<vmem>>, vector<1x1x16xf32>,
      %get3A_840 = vector.shape_cast %get3A_839 : vector<1x1x16xf32> to vector<16xf32>
      %add3A_841 = arith.addf %get3A_833, %get3A_840 : vector<16xf32>
      %get3A_842 = arith.constant 0 : i32
      %get3A_843 = arith.constant 2 : i32
      %get3A_844 = arith.index_cast %get3A_842 : i32 to index
      %get3A_845 = arith.index_cast %get3A_843 : i32 to index
      %get3A_846 = arith.constant 96 : index
      %get3A_847 = tpu.vector_load %arg7[%get3A_844, %get3A_845, %get3A_846] {strides = array<i32>} : memref<2x16x128xf32, #tpu.memory_space<vmem>>, vector<1x1x16xf32>,
      %get3A_848 = vector.shape_cast %get3A_847 : vector<1x1x16xf32> to vector<16xf32>
      %add3A_849 = arith.addf %add3A_841, %get3A_848 : vector<16xf32>
      %get3A_850 = arith.constant 0 : i32
      %get3A_851 = arith.constant 3 : i32
      %get3A_852 = arith.index_cast %get3A_850 : i32 to index
      %get3A_853 = arith.index_cast %get3A_851 : i32 to index
      %get3A_854 = arith.constant 96 : index
      %get3A_855 = tpu.vector_load %arg7[%get3A_852, %get3A_853, %get3A_854] {strides = array<i32>} : memref<2x16x128xf32, #tpu.memory_space<vmem>>, vector<1x1x16xf32>,
      %get3A_856 = vector.shape_cast %get3A_855 : vector<1x1x16xf32> to vector<16xf32>
      %add3A_857 = arith.addf %add3A_849, %get3A_856 : vector<16xf32>
      %get3A_858 = arith.constant 0 : i32
      %get3A_859 = arith.constant 4 : i32
      %get3A_860 = arith.index_cast %get3A_858 : i32 to index
      %get3A_861 = arith.index_cast %get3A_859 : i32 to index
      %get3A_862 = arith.constant 96 : index
      %get3A_863 = tpu.vector_load %arg7[%get3A_860, %get3A_861, %get3A_862] {strides = array<i32>} : memref<2x16x128xf32, #tpu.memory_space<vmem>>, vector<1x1x16xf32>,
      %get3A_864 = vector.shape_cast %get3A_863 : vector<1x1x16xf32> to vector<16xf32>
      %add3A_865 = arith.addf %add3A_857, %get3A_864 : vector<16xf32>
      %get3A_866 = arith.constant 0 : i32
      %get3A_867 = arith.constant 5 : i32
      %get3A_868 = arith.index_cast %get3A_866 : i32 to index
      %get3A_869 = arith.index_cast %get3A_867 : i32 to index
      %get3A_870 = arith.constant 96 : index
      %get3A_871 = tpu.vector_load %arg7[%get3A_868, %get3A_869, %get3A_870] {strides = array<i32>} : memref<2x16x128xf32, #tpu.memory_space<vmem>>, vector<1x1x16xf32>,
      %get3A_872 = vector.shape_cast %get3A_871 : vector<1x1x16xf32> to vector<16xf32>
      %add3A_873 = arith.addf %add3A_865, %get3A_872 : vector<16xf32>
      %get3A_874 = arith.constant 0 : i32
      %get3A_875 = arith.constant 6 : i32
      %get3A_876 = arith.index_cast %get3A_874 : i32 to index
      %get3A_877 = arith.index_cast %get3A_875 : i32 to index
      %get3A_878 = arith.constant 96 : index
      %get3A_879 = tpu.vector_load %arg7[%get3A_876, %get3A_877, %get3A_878] {strides = array<i32>} : memref<2x16x128xf32, #tpu.memory_space<vmem>>, vector<1x1x16xf32>,
      %get3A_880 = vector.shape_cast %get3A_879 : vector<1x1x16xf32> to vector<16xf32>
      %add3A_881 = arith.addf %add3A_873, %get3A_880 : vector<16xf32>
      %get3A_882 = arith.constant 0 : i32
      %get3A_883 = arith.constant 7 : i32
      %get3A_884 = arith.index_cast %get3A_882 : i32 to index
      %get3A_885 = arith.index_cast %get3A_883 : i32 to index
      %get3A_886 = arith.constant 96 : index
      %get3A_887 = tpu.vector_load %arg7[%get3A_884, %get3A_885, %get3A_886] {strides = array<i32>} : memref<2x16x128xf32, #tpu.memory_space<vmem>>, vector<1x1x16xf32>,
      %get3A_888 = vector.shape_cast %get3A_887 : vector<1x1x16xf32> to vector<16xf32>
      %add3A_889 = arith.addf %add3A_881, %get3A_888 : vector<16xf32>
      %get3A_890 = arith.constant 0 : i32
      %get3A_891 = arith.constant 8 : i32
      %get3A_892 = arith.index_cast %get3A_890 : i32 to index
      %get3A_893 = arith.index_cast %get3A_891 : i32 to index
      %get3A_894 = arith.constant 96 : index
      %get3A_895 = tpu.vector_load %arg7[%get3A_892, %get3A_893, %get3A_894] {strides = array<i32>} : memref<2x16x128xf32, #tpu.memory_space<vmem>>, vector<1x1x16xf32>,
      %get3A_896 = vector.shape_cast %get3A_895 : vector<1x1x16xf32> to vector<16xf32>
      %add3A_897 = arith.addf %add3A_889, %get3A_896 : vector<16xf32>
      %get3A_898 = arith.constant 0 : i32
      %get3A_899 = arith.constant 9 : i32
      %get3A_900 = arith.index_cast %get3A_898 : i32 to index
      %get3A_901 = arith.index_cast %get3A_899 : i32 to index
      %get3A_902 = arith.constant 96 : index
      %get3A_903 = tpu.vector_load %arg7[%get3A_900, %get3A_901, %get3A_902] {strides = array<i32>} : memref<2x16x128xf32, #tpu.memory_space<vmem>>, vector<1x1x16xf32>,
      %get3A_904 = vector.shape_cast %get3A_903 : vector<1x1x16xf32> to vector<16xf32>
      %add3A_905 = arith.addf %add3A_897, %get3A_904 : vector<16xf32>
      %get3A_906 = arith.constant 0 : i32
      %get3A_907 = arith.constant 10 : i32
      %get3A_908 = arith.index_cast %get3A_906 : i32 to index
      %get3A_909 = arith.index_cast %get3A_907 : i32 to index
      %get3A_910 = arith.constant 96 : index
      %get3A_911 = tpu.vector_load %arg7[%get3A_908, %get3A_909, %get3A_910] {strides = array<i32>} : memref<2x16x128xf32, #tpu.memory_space<vmem>>, vector<1x1x16xf32>,
      %get3A_912 = vector.shape_cast %get3A_911 : vector<1x1x16xf32> to vector<16xf32>
      %add3A_913 = arith.addf %add3A_905, %get3A_912 : vector<16xf32>
      %get3A_914 = arith.constant 0 : i32
      %get3A_915 = arith.constant 11 : i32
      %get3A_916 = arith.index_cast %get3A_914 : i32 to index
      %get3A_917 = arith.index_cast %get3A_915 : i32 to index
      %get3A_918 = arith.constant 96 : index
      %get3A_919 = tpu.vector_load %arg7[%get3A_916, %get3A_917, %get3A_918] {strides = array<i32>} : memref<2x16x128xf32, #tpu.memory_space<vmem>>, vector<1x1x16xf32>,
      %get3A_920 = vector.shape_cast %get3A_919 : vector<1x1x16xf32> to vector<16xf32>
      %add3A_921 = arith.addf %add3A_913, %get3A_920 : vector<16xf32>
      %get3A_922 = arith.constant 0 : i32
      %get3A_923 = arith.constant 12 : i32
      %get3A_924 = arith.index_cast %get3A_922 : i32 to index
      %get3A_925 = arith.index_cast %get3A_923 : i32 to index
      %get3A_926 = arith.constant 96 : index
      %get3A_927 = tpu.vector_load %arg7[%get3A_924, %get3A_925, %get3A_926] {strides = array<i32>} : memref<2x16x128xf32, #tpu.memory_space<vmem>>, vector<1x1x16xf32>,
      %get3A_928 = vector.shape_cast %get3A_927 : vector<1x1x16xf32> to vector<16xf32>
      %add3A_929 = arith.addf %add3A_921, %get3A_928 : vector<16xf32>
      %get3A_930 = arith.constant 0 : i32
      %get3A_931 = arith.constant 13 : i32
      %get3A_932 = arith.index_cast %get3A_930 : i32 to index
      %get3A_933 = arith.index_cast %get3A_931 : i32 to index
      %get3A_934 = arith.constant 96 : index
      %get3A_935 = tpu.vector_load %arg7[%get3A_932, %get3A_933, %get3A_934] {strides = array<i32>} : memref<2x16x128xf32, #tpu.memory_space<vmem>>, vector<1x1x16xf32>,
      %get3A_936 = vector.shape_cast %get3A_935 : vector<1x1x16xf32> to vector<16xf32>
      %add3A_937 = arith.addf %add3A_929, %get3A_936 : vector<16xf32>
      %get3A_938 = arith.constant 0 : i32
      %get3A_939 = arith.constant 14 : i32
      %get3A_940 = arith.index_cast %get3A_938 : i32 to index
      %get3A_941 = arith.index_cast %get3A_939 : i32 to index
      %get3A_942 = arith.constant 96 : index
      %get3A_943 = tpu.vector_load %arg7[%get3A_940, %get3A_941, %get3A_942] {strides = array<i32>} : memref<2x16x128xf32, #tpu.memory_space<vmem>>, vector<1x1x16xf32>,
      %get3A_944 = vector.shape_cast %get3A_943 : vector<1x1x16xf32> to vector<16xf32>
      %add3A_945 = arith.addf %add3A_937, %get3A_944 : vector<16xf32>
      %get3A_946 = arith.constant 0 : i32
      %get3A_947 = arith.constant 15 : i32
      %get3A_948 = arith.index_cast %get3A_946 : i32 to index
      %get3A_949 = arith.index_cast %get3A_947 : i32 to index
      %get3A_950 = arith.constant 96 : index
      %get3A_951 = tpu.vector_load %arg7[%get3A_948, %get3A_949, %get3A_950] {strides = array<i32>} : memref<2x16x128xf32, #tpu.memory_space<vmem>>, vector<1x1x16xf32>,
      %get3A_952 = vector.shape_cast %get3A_951 : vector<1x1x16xf32> to vector<16xf32>
      %add3A_953 = arith.addf %add3A_945, %get3A_952 : vector<16xf32>
      %swap3A_954 = arith.index_cast %mul3A_21 : i32 to index
      %swap3A_955 = arith.constant 96 : index
      %swap3A_956 = tpu.vector_load %arg6[%swap3A_954, %swap3A_955] {strides = array<i32>} : memref<288x128xf32, #tpu.memory_space<vmem>>, vector<1x16xf32>,
      %swap3A_957 = vector.shape_cast %swap3A_956 : vector<1x16xf32> to vector<16xf32>
      %swap3A_958 = vector.shape_cast %add3A_953 : vector<16xf32> to vector<1x16xf32>
      tpu.vector_store %arg6[%swap3A_954, %swap3A_955], %swap3A_958 {strides = array<i32>} : memref<288x128xf32, #tpu.memory_space<vmem>>, vector<1x16xf32>,
      %get3A_959 = arith.constant 0 : i32
      %get3A_960 = arith.constant 0 : i32
      %get3A_961 = arith.index_cast %get3A_959 : i32 to index
      %get3A_962 = arith.index_cast %get3A_960 : i32 to index
      %get3A_963 = arith.constant 112 : index
      %get3A_964 = tpu.vector_load %arg7[%get3A_961, %get3A_962, %get3A_963] {strides = array<i32>} : memref<2x16x128xf32, #tpu.memory_space<vmem>>, vector<1x1x16xf32>,
      %get3A_965 = vector.shape_cast %get3A_964 : vector<1x1x16xf32> to vector<16xf32>
      %get3A_966 = arith.constant 0 : i32
      %get3A_967 = arith.constant 1 : i32
      %get3A_968 = arith.index_cast %get3A_966 : i32 to index
      %get3A_969 = arith.index_cast %get3A_967 : i32 to index
      %get3A_970 = arith.constant 112 : index
      %get3A_971 = tpu.vector_load %arg7[%get3A_968, %get3A_969, %get3A_970] {strides = array<i32>} : memref<2x16x128xf32, #tpu.memory_space<vmem>>, vector<1x1x16xf32>,
      %get3A_972 = vector.shape_cast %get3A_971 : vector<1x1x16xf32> to vector<16xf32>
      %add3A_973 = arith.addf %get3A_965, %get3A_972 : vector<16xf32>
      %get3A_974 = arith.constant 0 : i32
      %get3A_975 = arith.constant 2 : i32
      %get3A_976 = arith.index_cast %get3A_974 : i32 to index
      %get3A_977 = arith.index_cast %get3A_975 : i32 to index
      %get3A_978 = arith.constant 112 : index
      %get3A_979 = tpu.vector_load %arg7[%get3A_976, %get3A_977, %get3A_978] {strides = array<i32>} : memref<2x16x128xf32, #tpu.memory_space<vmem>>, vector<1x1x16xf32>,
      %get3A_980 = vector.shape_cast %get3A_979 : vector<1x1x16xf32> to vector<16xf32>
      %add3A_981 = arith.addf %add3A_973, %get3A_980 : vector<16xf32>
      %get3A_982 = arith.constant 0 : i32
      %get3A_983 = arith.constant 3 : i32
      %get3A_984 = arith.index_cast %get3A_982 : i32 to index
      %get3A_985 = arith.index_cast %get3A_983 : i32 to index
      %get3A_986 = arith.constant 112 : index
      %get3A_987 = tpu.vector_load %arg7[%get3A_984, %get3A_985, %get3A_986] {strides = array<i32>} : memref<2x16x128xf32, #tpu.memory_space<vmem>>, vector<1x1x16xf32>,
      %get3A_988 = vector.shape_cast %get3A_987 : vector<1x1x16xf32> to vector<16xf32>
      %add3A_989 = arith.addf %add3A_981, %get3A_988 : vector<16xf32>
      %get3A_990 = arith.constant 0 : i32
      %get3A_991 = arith.constant 4 : i32
      %get3A_992 = arith.index_cast %get3A_990 : i32 to index
      %get3A_993 = arith.index_cast %get3A_991 : i32 to index
      %get3A_994 = arith.constant 112 : index
      %get3A_995 = tpu.vector_load %arg7[%get3A_992, %get3A_993, %get3A_994] {strides = array<i32>} : memref<2x16x128xf32, #tpu.memory_space<vmem>>, vector<1x1x16xf32>,
      %get3A_996 = vector.shape_cast %get3A_995 : vector<1x1x16xf32> to vector<16xf32>
      %add3A_997 = arith.addf %add3A_989, %get3A_996 : vector<16xf32>
      %get3A_998 = arith.constant 0 : i32
      %get3A_999 = arith.constant 5 : i32
      %get3A_1000 = arith.index_cast %get3A_998 : i32 to index
      %get3A_1001 = arith.index_cast %get3A_999 : i32 to index
      %get3A_1002 = arith.constant 112 : index
      %get3A_1003 = tpu.vector_load %arg7[%get3A_1000, %get3A_1001, %get3A_1002] {strides = array<i32>} : memref<2x16x128xf32, #tpu.memory_space<vmem>>, vector<1x1x16xf32>,
      %get3A_1004 = vector.shape_cast %get3A_1003 : vector<1x1x16xf32> to vector<16xf32>
      %add3A_1005 = arith.addf %add3A_997, %get3A_1004 : vector<16xf32>
      %get3A_1006 = arith.constant 0 : i32
      %get3A_1007 = arith.constant 6 : i32
      %get3A_1008 = arith.index_cast %get3A_1006 : i32 to index
      %get3A_1009 = arith.index_cast %get3A_1007 : i32 to index
      %get3A_1010 = arith.constant 112 : index
      %get3A_1011 = tpu.vector_load %arg7[%get3A_1008, %get3A_1009, %get3A_1010] {strides = array<i32>} : memref<2x16x128xf32, #tpu.memory_space<vmem>>, vector<1x1x16xf32>,
      %get3A_1012 = vector.shape_cast %get3A_1011 : vector<1x1x16xf32> to vector<16xf32>
      %add3A_1013 = arith.addf %add3A_1005, %get3A_1012 : vector<16xf32>
      %get3A_1014 = arith.constant 0 : i32
      %get3A_1015 = arith.constant 7 : i32
      %get3A_1016 = arith.index_cast %get3A_1014 : i32 to index
      %get3A_1017 = arith.index_cast %get3A_1015 : i32 to index
      %get3A_1018 = arith.constant 112 : index
      %get3A_1019 = tpu.vector_load %arg7[%get3A_1016, %get3A_1017, %get3A_1018] {strides = array<i32>} : memref<2x16x128xf32, #tpu.memory_space<vmem>>, vector<1x1x16xf32>,
      %get3A_1020 = vector.shape_cast %get3A_1019 : vector<1x1x16xf32> to vector<16xf32>
      %add3A_1021 = arith.addf %add3A_1013, %get3A_1020 : vector<16xf32>
      %get3A_1022 = arith.constant 0 : i32
      %get3A_1023 = arith.constant 8 : i32
      %get3A_1024 = arith.index_cast %get3A_1022 : i32 to index
      %get3A_1025 = arith.index_cast %get3A_1023 : i32 to index
      %get3A_1026 = arith.constant 112 : index
      %get3A_1027 = tpu.vector_load %arg7[%get3A_1024, %get3A_1025, %get3A_1026] {strides = array<i32>} : memref<2x16x128xf32, #tpu.memory_space<vmem>>, vector<1x1x16xf32>,
      %get3A_1028 = vector.shape_cast %get3A_1027 : vector<1x1x16xf32> to vector<16xf32>
      %add3A_1029 = arith.addf %add3A_1021, %get3A_1028 : vector<16xf32>
      %get3A_1030 = arith.constant 0 : i32
      %get3A_1031 = arith.constant 9 : i32
      %get3A_1032 = arith.index_cast %get3A_1030 : i32 to index
      %get3A_1033 = arith.index_cast %get3A_1031 : i32 to index
      %get3A_1034 = arith.constant 112 : index
      %get3A_1035 = tpu.vector_load %arg7[%get3A_1032, %get3A_1033, %get3A_1034] {strides = array<i32>} : memref<2x16x128xf32, #tpu.memory_space<vmem>>, vector<1x1x16xf32>,
      %get3A_1036 = vector.shape_cast %get3A_1035 : vector<1x1x16xf32> to vector<16xf32>
      %add3A_1037 = arith.addf %add3A_1029, %get3A_1036 : vector<16xf32>
      %get3A_1038 = arith.constant 0 : i32
      %get3A_1039 = arith.constant 10 : i32
      %get3A_1040 = arith.index_cast %get3A_1038 : i32 to index
      %get3A_1041 = arith.index_cast %get3A_1039 : i32 to index
      %get3A_1042 = arith.constant 112 : index
      %get3A_1043 = tpu.vector_load %arg7[%get3A_1040, %get3A_1041, %get3A_1042] {strides = array<i32>} : memref<2x16x128xf32, #tpu.memory_space<vmem>>, vector<1x1x16xf32>,
      %get3A_1044 = vector.shape_cast %get3A_1043 : vector<1x1x16xf32> to vector<16xf32>
      %add3A_1045 = arith.addf %add3A_1037, %get3A_1044 : vector<16xf32>
      %get3A_1046 = arith.constant 0 : i32
      %get3A_1047 = arith.constant 11 : i32
      %get3A_1048 = arith.index_cast %get3A_1046 : i32 to index
      %get3A_1049 = arith.index_cast %get3A_1047 : i32 to index
      %get3A_1050 = arith.constant 112 : index
      %get3A_1051 = tpu.vector_load %arg7[%get3A_1048, %get3A_1049, %get3A_1050] {strides = array<i32>} : memref<2x16x128xf32, #tpu.memory_space<vmem>>, vector<1x1x16xf32>,
      %get3A_1052 = vector.shape_cast %get3A_1051 : vector<1x1x16xf32> to vector<16xf32>
      %add3A_1053 = arith.addf %add3A_1045, %get3A_1052 : vector<16xf32>
      %get3A_1054 = arith.constant 0 : i32
      %get3A_1055 = arith.constant 12 : i32
      %get3A_1056 = arith.index_cast %get3A_1054 : i32 to index
      %get3A_1057 = arith.index_cast %get3A_1055 : i32 to index
      %get3A_1058 = arith.constant 112 : index
      %get3A_1059 = tpu.vector_load %arg7[%get3A_1056, %get3A_1057, %get3A_1058] {strides = array<i32>} : memref<2x16x128xf32, #tpu.memory_space<vmem>>, vector<1x1x16xf32>,
      %get3A_1060 = vector.shape_cast %get3A_1059 : vector<1x1x16xf32> to vector<16xf32>
      %add3A_1061 = arith.addf %add3A_1053, %get3A_1060 : vector<16xf32>
      %get3A_1062 = arith.constant 0 : i32
      %get3A_1063 = arith.constant 13 : i32
      %get3A_1064 = arith.index_cast %get3A_1062 : i32 to index
      %get3A_1065 = arith.index_cast %get3A_1063 : i32 to index
      %get3A_1066 = arith.constant 112 : index
      %get3A_1067 = tpu.vector_load %arg7[%get3A_1064, %get3A_1065, %get3A_1066] {strides = array<i32>} : memref<2x16x128xf32, #tpu.memory_space<vmem>>, vector<1x1x16xf32>,
      %get3A_1068 = vector.shape_cast %get3A_1067 : vector<1x1x16xf32> to vector<16xf32>
      %add3A_1069 = arith.addf %add3A_1061, %get3A_1068 : vector<16xf32>
      %get3A_1070 = arith.constant 0 : i32
      %get3A_1071 = arith.constant 14 : i32
      %get3A_1072 = arith.index_cast %get3A_1070 : i32 to index
      %get3A_1073 = arith.index_cast %get3A_1071 : i32 to index
      %get3A_1074 = arith.constant 112 : index
      %get3A_1075 = tpu.vector_load %arg7[%get3A_1072, %get3A_1073, %get3A_1074] {strides = array<i32>} : memref<2x16x128xf32, #tpu.memory_space<vmem>>, vector<1x1x16xf32>,
      %get3A_1076 = vector.shape_cast %get3A_1075 : vector<1x1x16xf32> to vector<16xf32>
      %add3A_1077 = arith.addf %add3A_1069, %get3A_1076 : vector<16xf32>
      %get3A_1078 = arith.constant 0 : i32
      %get3A_1079 = arith.constant 15 : i32
      %get3A_1080 = arith.index_cast %get3A_1078 : i32 to index
      %get3A_1081 = arith.index_cast %get3A_1079 : i32 to index
      %get3A_1082 = arith.constant 112 : index
      %get3A_1083 = tpu.vector_load %arg7[%get3A_1080, %get3A_1081, %get3A_1082] {strides = array<i32>} : memref<2x16x128xf32, #tpu.memory_space<vmem>>, vector<1x1x16xf32>,
      %get3A_1084 = vector.shape_cast %get3A_1083 : vector<1x1x16xf32> to vector<16xf32>
      %add3A_1085 = arith.addf %add3A_1077, %get3A_1084 : vector<16xf32>
      %swap3A_1086 = arith.index_cast %mul3A_21 : i32 to index
      %swap3A_1087 = arith.constant 112 : index
      %swap3A_1088 = tpu.vector_load %arg6[%swap3A_1086, %swap3A_1087] {strides = array<i32>} : memref<288x128xf32, #tpu.memory_space<vmem>>, vector<1x16xf32>,
      %swap3A_1089 = vector.shape_cast %swap3A_1088 : vector<1x16xf32> to vector<16xf32>
      %swap3A_1090 = vector.shape_cast %add3A_1085 : vector<16xf32> to vector<1x16xf32>
      tpu.vector_store %arg6[%swap3A_1086, %swap3A_1087], %swap3A_1090 {strides = array<i32>} : memref<288x128xf32, #tpu.memory_space<vmem>>, vector<1x16xf32>,
      %add3A_1091 = arith.constant 2 : i32
      %add3A_1092 = arith.addi %mul3A_21, %add3A_1091 : i32
      %lt3A_1093 = arith.constant 288 : i32
      %lt3A_1094 = arith.cmpi slt, %add3A_1092, %lt3A_1093 : i32
      %convert_element_type3A_1095 = arith.extui %lt3A_1094 : i1 to i32
      %cond3A_1096 = arith.constant 0 : i32
      %cond3A_1097 = arith.cmpi ne, %convert_element_type3A_1095, %cond3A_1096 : i32
      scf.if %cond3A_1097 {
        %add3A_1105 = arith.constant 2 : i32
        %add3A_1106 = arith.addi %mul3A_21, %add3A_1105 : i32
        %dma_start3A_1107 = arith.constant 0 : i32
        %dma_start3A_1108 = arith.constant 0 : i32
        %dma_start3A_1109 = arith.constant 0 : i32
        %dma_start3A_1110 = tpu.memref_slice %arg7[%dma_start3A_1107, %dma_start3A_1108, %dma_start3A_1109] : memref<2x16x128xf32, #tpu.memory_space<vmem>> -> memref<1x16x128xf32, #tpu.memory_space<vmem>>
        %dma_start3A_1111 = tpu.memref_squeeze %dma_start3A_1110 : memref<1x16x128xf32, #tpu.memory_space<vmem>> -> memref<16x128xf32, #tpu.memory_space<vmem>>
        %dma_start3A_1112 = arith.constant 0 : i32
        %dma_start3A_1113 = tpu.memref_slice %arg5[%add3A_1106, %dma_start3A_1112] : memref<288x16xi32, #tpu.memory_space<vmem>> -> memref<1x16xi32, #tpu.memory_space<vmem>>
        %dma_start3A_1114 = tpu.memref_squeeze %dma_start3A_1113 : memref<1x16xi32, #tpu.memory_space<vmem>> -> memref<16xi32, #tpu.memory_space<vmem>>
        %dma_start3A_1115 = arith.constant 0 : i32
        %dma_start3A_1116 = arith.constant 0 : i32
        %dma_start3A_1117 = tpu.memref_slice %arg3[%dma_start3A_1115, %dma_start3A_1116] : memref<9216x128xf32, #tpu.memory_space<hbm>> -> memref<9216x128xf32, #tpu.memory_space<hbm>>
        tpu.enqueue_indirect_dma source(%dma_start3A_1117 : memref<9216x128xf32, #tpu.memory_space<hbm>>) target(%dma_start3A_1111 : memref<16x128xf32, #tpu.memory_space<vmem>>) offsets(%dma_start3A_1114 : memref<16xi32, #tpu.memory_space<vmem>>) semaphore(%arg8 : memref<!tpu.dma_semaphore, #tpu.memory_space<semaphore_mem>>)
      } else {
      }
      %add3A_1098 = arith.constant 1 : i32
      %add3A_1099 = arith.addi %mul3A_21, %add3A_1098 : i32
      %lt3A_1100 = arith.constant 288 : i32
      %lt3A_1101 = arith.cmpi slt, %add3A_1099, %lt3A_1100 : i32
      %convert_element_type3A_1102 = arith.extui %lt3A_1101 : i1 to i32
      %cond3A_1103 = arith.constant 0 : i32
      %cond3A_1104 = arith.cmpi ne, %convert_element_type3A_1102, %cond3A_1103 : i32
      scf.if %cond3A_1104 {
        %dma_wait3A_1105 = arith.constant 1 : i32
        %dma_wait3A_1106 = arith.constant 1 : i32
        %dma_wait3A_1107 = arith.constant 0 : i32
        %dma_wait3A_1108 = arith.constant 0 : i32
        %dma_wait3A_1109 = tpu.memref_slice %arg7[%dma_wait3A_1106, %dma_wait3A_1107, %dma_wait3A_1108] : memref<2x16x128xf32, #tpu.memory_space<vmem>> -> memref<1x16x128xf32, #tpu.memory_space<vmem>>
        %dma_wait3A_1110 = tpu.memref_squeeze %dma_wait3A_1109 : memref<1x16x128xf32, #tpu.memory_space<vmem>> -> memref<16x128xf32, #tpu.memory_space<vmem>>
        %dma_wait3A_1111 = arith.constant 0 : i32
        %dma_wait3A_1112 = tpu.memref_slice %arg5[%dma_wait3A_1105, %dma_wait3A_1111] : memref<288x16xi32, #tpu.memory_space<vmem>> -> memref<1x16xi32, #tpu.memory_space<vmem>>
        %dma_wait3A_1113 = tpu.memref_squeeze %dma_wait3A_1112 : memref<1x16xi32, #tpu.memory_space<vmem>> -> memref<16xi32, #tpu.memory_space<vmem>>
        %dma_wait3A_1114 = arith.constant 0 : i32
        %dma_wait3A_1115 = arith.constant 0 : i32
        %dma_wait3A_1116 = tpu.memref_slice %arg3[%dma_wait3A_1114, %dma_wait3A_1115] : memref<9216x128xf32, #tpu.memory_space<hbm>> -> memref<9216x128xf32, #tpu.memory_space<hbm>>
        tpu.wait_indirect_dma semaphore(%arg9 : memref<!tpu.dma_semaphore, #tpu.memory_space<semaphore_mem>>) src(%dma_wait3A_1116 : memref<9216x128xf32, #tpu.memory_space<hbm>>) dst(%dma_wait3A_1110 : memref<16x128xf32, #tpu.memory_space<vmem>>)
        %add3A_1117 = arith.constant 1 : i32
        %add3A_1118 = arith.addi %mul3A_21, %add3A_1117 : i32
        %get3A_1119 = arith.constant 1 : i32
        %get3A_1120 = arith.constant 0 : i32
        %get3A_1121 = arith.index_cast %get3A_1119 : i32 to index
        %get3A_1122 = arith.index_cast %get3A_1120 : i32 to index
        %get3A_1123 = arith.constant 0 : index
        %get3A_1124 = tpu.vector_load %arg7[%get3A_1121, %get3A_1122, %get3A_1123] {strides = array<i32>} : memref<2x16x128xf32, #tpu.memory_space<vmem>>, vector<1x1x16xf32>,
        %get3A_1125 = vector.shape_cast %get3A_1124 : vector<1x1x16xf32> to vector<16xf32>
        %get3A_1126 = arith.constant 1 : i32
        %get3A_1127 = arith.constant 1 : i32
        %get3A_1128 = arith.index_cast %get3A_1126 : i32 to index
        %get3A_1129 = arith.index_cast %get3A_1127 : i32 to index
        %get3A_1130 = arith.constant 0 : index
        %get3A_1131 = tpu.vector_load %arg7[%get3A_1128, %get3A_1129, %get3A_1130] {strides = array<i32>} : memref<2x16x128xf32, #tpu.memory_space<vmem>>, vector<1x1x16xf32>,
        %get3A_1132 = vector.shape_cast %get3A_1131 : vector<1x1x16xf32> to vector<16xf32>
        %add3A_1133 = arith.addf %get3A_1125, %get3A_1132 : vector<16xf32>
        %get3A_1134 = arith.constant 1 : i32
        %get3A_1135 = arith.constant 2 : i32
        %get3A_1136 = arith.index_cast %get3A_1134 : i32 to index
        %get3A_1137 = arith.index_cast %get3A_1135 : i32 to index
        %get3A_1138 = arith.constant 0 : index
        %get3A_1139 = tpu.vector_load %arg7[%get3A_1136, %get3A_1137, %get3A_1138] {strides = array<i32>} : memref<2x16x128xf32, #tpu.memory_space<vmem>>, vector<1x1x16xf32>,
        %get3A_1140 = vector.shape_cast %get3A_1139 : vector<1x1x16xf32> to vector<16xf32>
        %add3A_1141 = arith.addf %add3A_1133, %get3A_1140 : vector<16xf32>
        %get3A_1142 = arith.constant 1 : i32
        %get3A_1143 = arith.constant 3 : i32
        %get3A_1144 = arith.index_cast %get3A_1142 : i32 to index
        %get3A_1145 = arith.index_cast %get3A_1143 : i32 to index
        %get3A_1146 = arith.constant 0 : index
        %get3A_1147 = tpu.vector_load %arg7[%get3A_1144, %get3A_1145, %get3A_1146] {strides = array<i32>} : memref<2x16x128xf32, #tpu.memory_space<vmem>>, vector<1x1x16xf32>,
        %get3A_1148 = vector.shape_cast %get3A_1147 : vector<1x1x16xf32> to vector<16xf32>
        %add3A_1149 = arith.addf %add3A_1141, %get3A_1148 : vector<16xf32>
        %get3A_1150 = arith.constant 1 : i32
        %get3A_1151 = arith.constant 4 : i32
        %get3A_1152 = arith.index_cast %get3A_1150 : i32 to index
        %get3A_1153 = arith.index_cast %get3A_1151 : i32 to index
        %get3A_1154 = arith.constant 0 : index
        %get3A_1155 = tpu.vector_load %arg7[%get3A_1152, %get3A_1153, %get3A_1154] {strides = array<i32>} : memref<2x16x128xf32, #tpu.memory_space<vmem>>, vector<1x1x16xf32>,
        %get3A_1156 = vector.shape_cast %get3A_1155 : vector<1x1x16xf32> to vector<16xf32>
        %add3A_1157 = arith.addf %add3A_1149, %get3A_1156 : vector<16xf32>
        %get3A_1158 = arith.constant 1 : i32
        %get3A_1159 = arith.constant 5 : i32
        %get3A_1160 = arith.index_cast %get3A_1158 : i32 to index
        %get3A_1161 = arith.index_cast %get3A_1159 : i32 to index
        %get3A_1162 = arith.constant 0 : index
        %get3A_1163 = tpu.vector_load %arg7[%get3A_1160, %get3A_1161, %get3A_1162] {strides = array<i32>} : memref<2x16x128xf32, #tpu.memory_space<vmem>>, vector<1x1x16xf32>,
        %get3A_1164 = vector.shape_cast %get3A_1163 : vector<1x1x16xf32> to vector<16xf32>
        %add3A_1165 = arith.addf %add3A_1157, %get3A_1164 : vector<16xf32>
        %get3A_1166 = arith.constant 1 : i32
        %get3A_1167 = arith.constant 6 : i32
        %get3A_1168 = arith.index_cast %get3A_1166 : i32 to index
        %get3A_1169 = arith.index_cast %get3A_1167 : i32 to index
        %get3A_1170 = arith.constant 0 : index
        %get3A_1171 = tpu.vector_load %arg7[%get3A_1168, %get3A_1169, %get3A_1170] {strides = array<i32>} : memref<2x16x128xf32, #tpu.memory_space<vmem>>, vector<1x1x16xf32>,
        %get3A_1172 = vector.shape_cast %get3A_1171 : vector<1x1x16xf32> to vector<16xf32>
        %add3A_1173 = arith.addf %add3A_1165, %get3A_1172 : vector<16xf32>
        %get3A_1174 = arith.constant 1 : i32
        %get3A_1175 = arith.constant 7 : i32
        %get3A_1176 = arith.index_cast %get3A_1174 : i32 to index
        %get3A_1177 = arith.index_cast %get3A_1175 : i32 to index
        %get3A_1178 = arith.constant 0 : index
        %get3A_1179 = tpu.vector_load %arg7[%get3A_1176, %get3A_1177, %get3A_1178] {strides = array<i32>} : memref<2x16x128xf32, #tpu.memory_space<vmem>>, vector<1x1x16xf32>,
        %get3A_1180 = vector.shape_cast %get3A_1179 : vector<1x1x16xf32> to vector<16xf32>
        %add3A_1181 = arith.addf %add3A_1173, %get3A_1180 : vector<16xf32>
        %get3A_1182 = arith.constant 1 : i32
        %get3A_1183 = arith.constant 8 : i32
        %get3A_1184 = arith.index_cast %get3A_1182 : i32 to index
        %get3A_1185 = arith.index_cast %get3A_1183 : i32 to index
        %get3A_1186 = arith.constant 0 : index
        %get3A_1187 = tpu.vector_load %arg7[%get3A_1184, %get3A_1185, %get3A_1186] {strides = array<i32>} : memref<2x16x128xf32, #tpu.memory_space<vmem>>, vector<1x1x16xf32>,
        %get3A_1188 = vector.shape_cast %get3A_1187 : vector<1x1x16xf32> to vector<16xf32>
        %add3A_1189 = arith.addf %add3A_1181, %get3A_1188 : vector<16xf32>
        %get3A_1190 = arith.constant 1 : i32
        %get3A_1191 = arith.constant 9 : i32
        %get3A_1192 = arith.index_cast %get3A_1190 : i32 to index
        %get3A_1193 = arith.index_cast %get3A_1191 : i32 to index
        %get3A_1194 = arith.constant 0 : index
        %get3A_1195 = tpu.vector_load %arg7[%get3A_1192, %get3A_1193, %get3A_1194] {strides = array<i32>} : memref<2x16x128xf32, #tpu.memory_space<vmem>>, vector<1x1x16xf32>,
        %get3A_1196 = vector.shape_cast %get3A_1195 : vector<1x1x16xf32> to vector<16xf32>
        %add3A_1197 = arith.addf %add3A_1189, %get3A_1196 : vector<16xf32>
        %get3A_1198 = arith.constant 1 : i32
        %get3A_1199 = arith.constant 10 : i32
        %get3A_1200 = arith.index_cast %get3A_1198 : i32 to index
        %get3A_1201 = arith.index_cast %get3A_1199 : i32 to index
        %get3A_1202 = arith.constant 0 : index
        %get3A_1203 = tpu.vector_load %arg7[%get3A_1200, %get3A_1201, %get3A_1202] {strides = array<i32>} : memref<2x16x128xf32, #tpu.memory_space<vmem>>, vector<1x1x16xf32>,
        %get3A_1204 = vector.shape_cast %get3A_1203 : vector<1x1x16xf32> to vector<16xf32>
        %add3A_1205 = arith.addf %add3A_1197, %get3A_1204 : vector<16xf32>
        %get3A_1206 = arith.constant 1 : i32
        %get3A_1207 = arith.constant 11 : i32
        %get3A_1208 = arith.index_cast %get3A_1206 : i32 to index
        %get3A_1209 = arith.index_cast %get3A_1207 : i32 to index
        %get3A_1210 = arith.constant 0 : index
        %get3A_1211 = tpu.vector_load %arg7[%get3A_1208, %get3A_1209, %get3A_1210] {strides = array<i32>} : memref<2x16x128xf32, #tpu.memory_space<vmem>>, vector<1x1x16xf32>,
        %get3A_1212 = vector.shape_cast %get3A_1211 : vector<1x1x16xf32> to vector<16xf32>
        %add3A_1213 = arith.addf %add3A_1205, %get3A_1212 : vector<16xf32>
        %get3A_1214 = arith.constant 1 : i32
        %get3A_1215 = arith.constant 12 : i32
        %get3A_1216 = arith.index_cast %get3A_1214 : i32 to index
        %get3A_1217 = arith.index_cast %get3A_1215 : i32 to index
        %get3A_1218 = arith.constant 0 : index
        %get3A_1219 = tpu.vector_load %arg7[%get3A_1216, %get3A_1217, %get3A_1218] {strides = array<i32>} : memref<2x16x128xf32, #tpu.memory_space<vmem>>, vector<1x1x16xf32>,
        %get3A_1220 = vector.shape_cast %get3A_1219 : vector<1x1x16xf32> to vector<16xf32>
        %add3A_1221 = arith.addf %add3A_1213, %get3A_1220 : vector<16xf32>
        %get3A_1222 = arith.constant 1 : i32
        %get3A_1223 = arith.constant 13 : i32
        %get3A_1224 = arith.index_cast %get3A_1222 : i32 to index
        %get3A_1225 = arith.index_cast %get3A_1223 : i32 to index
        %get3A_1226 = arith.constant 0 : index
        %get3A_1227 = tpu.vector_load %arg7[%get3A_1224, %get3A_1225, %get3A_1226] {strides = array<i32>} : memref<2x16x128xf32, #tpu.memory_space<vmem>>, vector<1x1x16xf32>,
        %get3A_1228 = vector.shape_cast %get3A_1227 : vector<1x1x16xf32> to vector<16xf32>
        %add3A_1229 = arith.addf %add3A_1221, %get3A_1228 : vector<16xf32>
        %get3A_1230 = arith.constant 1 : i32
        %get3A_1231 = arith.constant 14 : i32
        %get3A_1232 = arith.index_cast %get3A_1230 : i32 to index
        %get3A_1233 = arith.index_cast %get3A_1231 : i32 to index
        %get3A_1234 = arith.constant 0 : index
        %get3A_1235 = tpu.vector_load %arg7[%get3A_1232, %get3A_1233, %get3A_1234] {strides = array<i32>} : memref<2x16x128xf32, #tpu.memory_space<vmem>>, vector<1x1x16xf32>,
        %get3A_1236 = vector.shape_cast %get3A_1235 : vector<1x1x16xf32> to vector<16xf32>
        %add3A_1237 = arith.addf %add3A_1229, %get3A_1236 : vector<16xf32>
        %get3A_1238 = arith.constant 1 : i32
        %get3A_1239 = arith.constant 15 : i32
        %get3A_1240 = arith.index_cast %get3A_1238 : i32 to index
        %get3A_1241 = arith.index_cast %get3A_1239 : i32 to index
        %get3A_1242 = arith.constant 0 : index
        %get3A_1243 = tpu.vector_load %arg7[%get3A_1240, %get3A_1241, %get3A_1242] {strides = array<i32>} : memref<2x16x128xf32, #tpu.memory_space<vmem>>, vector<1x1x16xf32>,
        %get3A_1244 = vector.shape_cast %get3A_1243 : vector<1x1x16xf32> to vector<16xf32>
        %add3A_1245 = arith.addf %add3A_1237, %get3A_1244 : vector<16xf32>
        %swap3A_1246 = arith.index_cast %add3A_1118 : i32 to index
        %swap3A_1247 = arith.constant 0 : index
        %swap3A_1248 = tpu.vector_load %arg6[%swap3A_1246, %swap3A_1247] {strides = array<i32>} : memref<288x128xf32, #tpu.memory_space<vmem>>, vector<1x16xf32>,
        %swap3A_1249 = vector.shape_cast %swap3A_1248 : vector<1x16xf32> to vector<16xf32>
        %swap3A_1250 = vector.shape_cast %add3A_1245 : vector<16xf32> to vector<1x16xf32>
        tpu.vector_store %arg6[%swap3A_1246, %swap3A_1247], %swap3A_1250 {strides = array<i32>} : memref<288x128xf32, #tpu.memory_space<vmem>>, vector<1x16xf32>,
        %get3A_1251 = arith.constant 1 : i32
        %get3A_1252 = arith.constant 0 : i32
        %get3A_1253 = arith.index_cast %get3A_1251 : i32 to index
        %get3A_1254 = arith.index_cast %get3A_1252 : i32 to index
        %get3A_1255 = arith.constant 16 : index
        %get3A_1256 = tpu.vector_load %arg7[%get3A_1253, %get3A_1254, %get3A_1255] {strides = array<i32>} : memref<2x16x128xf32, #tpu.memory_space<vmem>>, vector<1x1x16xf32>,
        %get3A_1257 = vector.shape_cast %get3A_1256 : vector<1x1x16xf32> to vector<16xf32>
        %get3A_1258 = arith.constant 1 : i32
        %get3A_1259 = arith.constant 1 : i32
        %get3A_1260 = arith.index_cast %get3A_1258 : i32 to index
        %get3A_1261 = arith.index_cast %get3A_1259 : i32 to index
        %get3A_1262 = arith.constant 16 : index
        %get3A_1263 = tpu.vector_load %arg7[%get3A_1260, %get3A_1261, %get3A_1262] {strides = array<i32>} : memref<2x16x128xf32, #tpu.memory_space<vmem>>, vector<1x1x16xf32>,
        %get3A_1264 = vector.shape_cast %get3A_1263 : vector<1x1x16xf32> to vector<16xf32>
        %add3A_1265 = arith.addf %get3A_1257, %get3A_1264 : vector<16xf32>
        %get3A_1266 = arith.constant 1 : i32
        %get3A_1267 = arith.constant 2 : i32
        %get3A_1268 = arith.index_cast %get3A_1266 : i32 to index
        %get3A_1269 = arith.index_cast %get3A_1267 : i32 to index
        %get3A_1270 = arith.constant 16 : index
        %get3A_1271 = tpu.vector_load %arg7[%get3A_1268, %get3A_1269, %get3A_1270] {strides = array<i32>} : memref<2x16x128xf32, #tpu.memory_space<vmem>>, vector<1x1x16xf32>,
        %get3A_1272 = vector.shape_cast %get3A_1271 : vector<1x1x16xf32> to vector<16xf32>
        %add3A_1273 = arith.addf %add3A_1265, %get3A_1272 : vector<16xf32>
        %get3A_1274 = arith.constant 1 : i32
        %get3A_1275 = arith.constant 3 : i32
        %get3A_1276 = arith.index_cast %get3A_1274 : i32 to index
        %get3A_1277 = arith.index_cast %get3A_1275 : i32 to index
        %get3A_1278 = arith.constant 16 : index
        %get3A_1279 = tpu.vector_load %arg7[%get3A_1276, %get3A_1277, %get3A_1278] {strides = array<i32>} : memref<2x16x128xf32, #tpu.memory_space<vmem>>, vector<1x1x16xf32>,
        %get3A_1280 = vector.shape_cast %get3A_1279 : vector<1x1x16xf32> to vector<16xf32>
        %add3A_1281 = arith.addf %add3A_1273, %get3A_1280 : vector<16xf32>
        %get3A_1282 = arith.constant 1 : i32
        %get3A_1283 = arith.constant 4 : i32
        %get3A_1284 = arith.index_cast %get3A_1282 : i32 to index
        %get3A_1285 = arith.index_cast %get3A_1283 : i32 to index
        %get3A_1286 = arith.constant 16 : index
        %get3A_1287 = tpu.vector_load %arg7[%get3A_1284, %get3A_1285, %get3A_1286] {strides = array<i32>} : memref<2x16x128xf32, #tpu.memory_space<vmem>>, vector<1x1x16xf32>,
        %get3A_1288 = vector.shape_cast %get3A_1287 : vector<1x1x16xf32> to vector<16xf32>
        %add3A_1289 = arith.addf %add3A_1281, %get3A_1288 : vector<16xf32>
        %get3A_1290 = arith.constant 1 : i32
        %get3A_1291 = arith.constant 5 : i32
        %get3A_1292 = arith.index_cast %get3A_1290 : i32 to index
        %get3A_1293 = arith.index_cast %get3A_1291 : i32 to index
        %get3A_1294 = arith.constant 16 : index
        %get3A_1295 = tpu.vector_load %arg7[%get3A_1292, %get3A_1293, %get3A_1294] {strides = array<i32>} : memref<2x16x128xf32, #tpu.memory_space<vmem>>, vector<1x1x16xf32>,
        %get3A_1296 = vector.shape_cast %get3A_1295 : vector<1x1x16xf32> to vector<16xf32>
        %add3A_1297 = arith.addf %add3A_1289, %get3A_1296 : vector<16xf32>
        %get3A_1298 = arith.constant 1 : i32
        %get3A_1299 = arith.constant 6 : i32
        %get3A_1300 = arith.index_cast %get3A_1298 : i32 to index
        %get3A_1301 = arith.index_cast %get3A_1299 : i32 to index
        %get3A_1302 = arith.constant 16 : index
        %get3A_1303 = tpu.vector_load %arg7[%get3A_1300, %get3A_1301, %get3A_1302] {strides = array<i32>} : memref<2x16x128xf32, #tpu.memory_space<vmem>>, vector<1x1x16xf32>,
        %get3A_1304 = vector.shape_cast %get3A_1303 : vector<1x1x16xf32> to vector<16xf32>
        %add3A_1305 = arith.addf %add3A_1297, %get3A_1304 : vector<16xf32>
        %get3A_1306 = arith.constant 1 : i32
        %get3A_1307 = arith.constant 7 : i32
        %get3A_1308 = arith.index_cast %get3A_1306 : i32 to index
        %get3A_1309 = arith.index_cast %get3A_1307 : i32 to index
        %get3A_1310 = arith.constant 16 : index
        %get3A_1311 = tpu.vector_load %arg7[%get3A_1308, %get3A_1309, %get3A_1310] {strides = array<i32>} : memref<2x16x128xf32, #tpu.memory_space<vmem>>, vector<1x1x16xf32>,
        %get3A_1312 = vector.shape_cast %get3A_1311 : vector<1x1x16xf32> to vector<16xf32>
        %add3A_1313 = arith.addf %add3A_1305, %get3A_1312 : vector<16xf32>
        %get3A_1314 = arith.constant 1 : i32
        %get3A_1315 = arith.constant 8 : i32
        %get3A_1316 = arith.index_cast %get3A_1314 : i32 to index
        %get3A_1317 = arith.index_cast %get3A_1315 : i32 to index
        %get3A_1318 = arith.constant 16 : index
        %get3A_1319 = tpu.vector_load %arg7[%get3A_1316, %get3A_1317, %get3A_1318] {strides = array<i32>} : memref<2x16x128xf32, #tpu.memory_space<vmem>>, vector<1x1x16xf32>,
        %get3A_1320 = vector.shape_cast %get3A_1319 : vector<1x1x16xf32> to vector<16xf32>
        %add3A_1321 = arith.addf %add3A_1313, %get3A_1320 : vector<16xf32>
        %get3A_1322 = arith.constant 1 : i32
        %get3A_1323 = arith.constant 9 : i32
        %get3A_1324 = arith.index_cast %get3A_1322 : i32 to index
        %get3A_1325 = arith.index_cast %get3A_1323 : i32 to index
        %get3A_1326 = arith.constant 16 : index
        %get3A_1327 = tpu.vector_load %arg7[%get3A_1324, %get3A_1325, %get3A_1326] {strides = array<i32>} : memref<2x16x128xf32, #tpu.memory_space<vmem>>, vector<1x1x16xf32>,
        %get3A_1328 = vector.shape_cast %get3A_1327 : vector<1x1x16xf32> to vector<16xf32>
        %add3A_1329 = arith.addf %add3A_1321, %get3A_1328 : vector<16xf32>
        %get3A_1330 = arith.constant 1 : i32
        %get3A_1331 = arith.constant 10 : i32
        %get3A_1332 = arith.index_cast %get3A_1330 : i32 to index
        %get3A_1333 = arith.index_cast %get3A_1331 : i32 to index
        %get3A_1334 = arith.constant 16 : index
        %get3A_1335 = tpu.vector_load %arg7[%get3A_1332, %get3A_1333, %get3A_1334] {strides = array<i32>} : memref<2x16x128xf32, #tpu.memory_space<vmem>>, vector<1x1x16xf32>,
        %get3A_1336 = vector.shape_cast %get3A_1335 : vector<1x1x16xf32> to vector<16xf32>
        %add3A_1337 = arith.addf %add3A_1329, %get3A_1336 : vector<16xf32>
        %get3A_1338 = arith.constant 1 : i32
        %get3A_1339 = arith.constant 11 : i32
        %get3A_1340 = arith.index_cast %get3A_1338 : i32 to index
        %get3A_1341 = arith.index_cast %get3A_1339 : i32 to index
        %get3A_1342 = arith.constant 16 : index
        %get3A_1343 = tpu.vector_load %arg7[%get3A_1340, %get3A_1341, %get3A_1342] {strides = array<i32>} : memref<2x16x128xf32, #tpu.memory_space<vmem>>, vector<1x1x16xf32>,
        %get3A_1344 = vector.shape_cast %get3A_1343 : vector<1x1x16xf32> to vector<16xf32>
        %add3A_1345 = arith.addf %add3A_1337, %get3A_1344 : vector<16xf32>
        %get3A_1346 = arith.constant 1 : i32
        %get3A_1347 = arith.constant 12 : i32
        %get3A_1348 = arith.index_cast %get3A_1346 : i32 to index
        %get3A_1349 = arith.index_cast %get3A_1347 : i32 to index
        %get3A_1350 = arith.constant 16 : index
        %get3A_1351 = tpu.vector_load %arg7[%get3A_1348, %get3A_1349, %get3A_1350] {strides = array<i32>} : memref<2x16x128xf32, #tpu.memory_space<vmem>>, vector<1x1x16xf32>,
        %get3A_1352 = vector.shape_cast %get3A_1351 : vector<1x1x16xf32> to vector<16xf32>
        %add3A_1353 = arith.addf %add3A_1345, %get3A_1352 : vector<16xf32>
        %get3A_1354 = arith.constant 1 : i32
        %get3A_1355 = arith.constant 13 : i32
        %get3A_1356 = arith.index_cast %get3A_1354 : i32 to index
        %get3A_1357 = arith.index_cast %get3A_1355 : i32 to index
        %get3A_1358 = arith.constant 16 : index
        %get3A_1359 = tpu.vector_load %arg7[%get3A_1356, %get3A_1357, %get3A_1358] {strides = array<i32>} : memref<2x16x128xf32, #tpu.memory_space<vmem>>, vector<1x1x16xf32>,
        %get3A_1360 = vector.shape_cast %get3A_1359 : vector<1x1x16xf32> to vector<16xf32>
        %add3A_1361 = arith.addf %add3A_1353, %get3A_1360 : vector<16xf32>
        %get3A_1362 = arith.constant 1 : i32
        %get3A_1363 = arith.constant 14 : i32
        %get3A_1364 = arith.index_cast %get3A_1362 : i32 to index
        %get3A_1365 = arith.index_cast %get3A_1363 : i32 to index
        %get3A_1366 = arith.constant 16 : index
        %get3A_1367 = tpu.vector_load %arg7[%get3A_1364, %get3A_1365, %get3A_1366] {strides = array<i32>} : memref<2x16x128xf32, #tpu.memory_space<vmem>>, vector<1x1x16xf32>,
        %get3A_1368 = vector.shape_cast %get3A_1367 : vector<1x1x16xf32> to vector<16xf32>
        %add3A_1369 = arith.addf %add3A_1361, %get3A_1368 : vector<16xf32>
        %get3A_1370 = arith.constant 1 : i32
        %get3A_1371 = arith.constant 15 : i32
        %get3A_1372 = arith.index_cast %get3A_1370 : i32 to index
        %get3A_1373 = arith.index_cast %get3A_1371 : i32 to index
        %get3A_1374 = arith.constant 16 : index
        %get3A_1375 = tpu.vector_load %arg7[%get3A_1372, %get3A_1373, %get3A_1374] {strides = array<i32>} : memref<2x16x128xf32, #tpu.memory_space<vmem>>, vector<1x1x16xf32>,
        %get3A_1376 = vector.shape_cast %get3A_1375 : vector<1x1x16xf32> to vector<16xf32>
        %add3A_1377 = arith.addf %add3A_1369, %get3A_1376 : vector<16xf32>
        %swap3A_1378 = arith.index_cast %add3A_1118 : i32 to index
        %swap3A_1379 = arith.constant 16 : index
        %swap3A_1380 = tpu.vector_load %arg6[%swap3A_1378, %swap3A_1379] {strides = array<i32>} : memref<288x128xf32, #tpu.memory_space<vmem>>, vector<1x16xf32>,
        %swap3A_1381 = vector.shape_cast %swap3A_1380 : vector<1x16xf32> to vector<16xf32>
        %swap3A_1382 = vector.shape_cast %add3A_1377 : vector<16xf32> to vector<1x16xf32>
        tpu.vector_store %arg6[%swap3A_1378, %swap3A_1379], %swap3A_1382 {strides = array<i32>} : memref<288x128xf32, #tpu.memory_space<vmem>>, vector<1x16xf32>,
        %get3A_1383 = arith.constant 1 : i32
        %get3A_1384 = arith.constant 0 : i32
        %get3A_1385 = arith.index_cast %get3A_1383 : i32 to index
        %get3A_1386 = arith.index_cast %get3A_1384 : i32 to index
        %get3A_1387 = arith.constant 32 : index
        %get3A_1388 = tpu.vector_load %arg7[%get3A_1385, %get3A_1386, %get3A_1387] {strides = array<i32>} : memref<2x16x128xf32, #tpu.memory_space<vmem>>, vector<1x1x16xf32>,
        %get3A_1389 = vector.shape_cast %get3A_1388 : vector<1x1x16xf32> to vector<16xf32>
        %get3A_1390 = arith.constant 1 : i32
        %get3A_1391 = arith.constant 1 : i32
        %get3A_1392 = arith.index_cast %get3A_1390 : i32 to index
        %get3A_1393 = arith.index_cast %get3A_1391 : i32 to index
        %get3A_1394 = arith.constant 32 : index
        %get3A_1395 = tpu.vector_load %arg7[%get3A_1392, %get3A_1393, %get3A_1394] {strides = array<i32>} : memref<2x16x128xf32, #tpu.memory_space<vmem>>, vector<1x1x16xf32>,
        %get3A_1396 = vector.shape_cast %get3A_1395 : vector<1x1x16xf32> to vector<16xf32>
        %add3A_1397 = arith.addf %get3A_1389, %get3A_1396 : vector<16xf32>
        %get3A_1398 = arith.constant 1 : i32
        %get3A_1399 = arith.constant 2 : i32
        %get3A_1400 = arith.index_cast %get3A_1398 : i32 to index
        %get3A_1401 = arith.index_cast %get3A_1399 : i32 to index
        %get3A_1402 = arith.constant 32 : index
        %get3A_1403 = tpu.vector_load %arg7[%get3A_1400, %get3A_1401, %get3A_1402] {strides = array<i32>} : memref<2x16x128xf32, #tpu.memory_space<vmem>>, vector<1x1x16xf32>,
        %get3A_1404 = vector.shape_cast %get3A_1403 : vector<1x1x16xf32> to vector<16xf32>
        %add3A_1405 = arith.addf %add3A_1397, %get3A_1404 : vector<16xf32>
        %get3A_1406 = arith.constant 1 : i32
        %get3A_1407 = arith.constant 3 : i32
        %get3A_1408 = arith.index_cast %get3A_1406 : i32 to index
        %get3A_1409 = arith.index_cast %get3A_1407 : i32 to index
        %get3A_1410 = arith.constant 32 : index
        %get3A_1411 = tpu.vector_load %arg7[%get3A_1408, %get3A_1409, %get3A_1410] {strides = array<i32>} : memref<2x16x128xf32, #tpu.memory_space<vmem>>, vector<1x1x16xf32>,
        %get3A_1412 = vector.shape_cast %get3A_1411 : vector<1x1x16xf32> to vector<16xf32>
        %add3A_1413 = arith.addf %add3A_1405, %get3A_1412 : vector<16xf32>
        %get3A_1414 = arith.constant 1 : i32
        %get3A_1415 = arith.constant 4 : i32
        %get3A_1416 = arith.index_cast %get3A_1414 : i32 to index
        %get3A_1417 = arith.index_cast %get3A_1415 : i32 to index
        %get3A_1418 = arith.constant 32 : index
        %get3A_1419 = tpu.vector_load %arg7[%get3A_1416, %get3A_1417, %get3A_1418] {strides = array<i32>} : memref<2x16x128xf32, #tpu.memory_space<vmem>>, vector<1x1x16xf32>,
        %get3A_1420 = vector.shape_cast %get3A_1419 : vector<1x1x16xf32> to vector<16xf32>
        %add3A_1421 = arith.addf %add3A_1413, %get3A_1420 : vector<16xf32>
        %get3A_1422 = arith.constant 1 : i32
        %get3A_1423 = arith.constant 5 : i32
        %get3A_1424 = arith.index_cast %get3A_1422 : i32 to index
        %get3A_1425 = arith.index_cast %get3A_1423 : i32 to index
        %get3A_1426 = arith.constant 32 : index
        %get3A_1427 = tpu.vector_load %arg7[%get3A_1424, %get3A_1425, %get3A_1426] {strides = array<i32>} : memref<2x16x128xf32, #tpu.memory_space<vmem>>, vector<1x1x16xf32>,
        %get3A_1428 = vector.shape_cast %get3A_1427 : vector<1x1x16xf32> to vector<16xf32>
        %add3A_1429 = arith.addf %add3A_1421, %get3A_1428 : vector<16xf32>
        %get3A_1430 = arith.constant 1 : i32
        %get3A_1431 = arith.constant 6 : i32
        %get3A_1432 = arith.index_cast %get3A_1430 : i32 to index
        %get3A_1433 = arith.index_cast %get3A_1431 : i32 to index
        %get3A_1434 = arith.constant 32 : index
        %get3A_1435 = tpu.vector_load %arg7[%get3A_1432, %get3A_1433, %get3A_1434] {strides = array<i32>} : memref<2x16x128xf32, #tpu.memory_space<vmem>>, vector<1x1x16xf32>,
        %get3A_1436 = vector.shape_cast %get3A_1435 : vector<1x1x16xf32> to vector<16xf32>
        %add3A_1437 = arith.addf %add3A_1429, %get3A_1436 : vector<16xf32>
        %get3A_1438 = arith.constant 1 : i32
        %get3A_1439 = arith.constant 7 : i32
        %get3A_1440 = arith.index_cast %get3A_1438 : i32 to index
        %get3A_1441 = arith.index_cast %get3A_1439 : i32 to index
        %get3A_1442 = arith.constant 32 : index
        %get3A_1443 = tpu.vector_load %arg7[%get3A_1440, %get3A_1441, %get3A_1442] {strides = array<i32>} : memref<2x16x128xf32, #tpu.memory_space<vmem>>, vector<1x1x16xf32>,
        %get3A_1444 = vector.shape_cast %get3A_1443 : vector<1x1x16xf32> to vector<16xf32>
        %add3A_1445 = arith.addf %add3A_1437, %get3A_1444 : vector<16xf32>
        %get3A_1446 = arith.constant 1 : i32
        %get3A_1447 = arith.constant 8 : i32
        %get3A_1448 = arith.index_cast %get3A_1446 : i32 to index
        %get3A_1449 = arith.index_cast %get3A_1447 : i32 to index
        %get3A_1450 = arith.constant 32 : index
        %get3A_1451 = tpu.vector_load %arg7[%get3A_1448, %get3A_1449, %get3A_1450] {strides = array<i32>} : memref<2x16x128xf32, #tpu.memory_space<vmem>>, vector<1x1x16xf32>,
        %get3A_1452 = vector.shape_cast %get3A_1451 : vector<1x1x16xf32> to vector<16xf32>
        %add3A_1453 = arith.addf %add3A_1445, %get3A_1452 : vector<16xf32>
        %get3A_1454 = arith.constant 1 : i32
        %get3A_1455 = arith.constant 9 : i32
        %get3A_1456 = arith.index_cast %get3A_1454 : i32 to index
        %get3A_1457 = arith.index_cast %get3A_1455 : i32 to index
        %get3A_1458 = arith.constant 32 : index
        %get3A_1459 = tpu.vector_load %arg7[%get3A_1456, %get3A_1457, %get3A_1458] {strides = array<i32>} : memref<2x16x128xf32, #tpu.memory_space<vmem>>, vector<1x1x16xf32>,
        %get3A_1460 = vector.shape_cast %get3A_1459 : vector<1x1x16xf32> to vector<16xf32>
        %add3A_1461 = arith.addf %add3A_1453, %get3A_1460 : vector<16xf32>
        %get3A_1462 = arith.constant 1 : i32
        %get3A_1463 = arith.constant 10 : i32
        %get3A_1464 = arith.index_cast %get3A_1462 : i32 to index
        %get3A_1465 = arith.index_cast %get3A_1463 : i32 to index
        %get3A_1466 = arith.constant 32 : index
        %get3A_1467 = tpu.vector_load %arg7[%get3A_1464, %get3A_1465, %get3A_1466] {strides = array<i32>} : memref<2x16x128xf32, #tpu.memory_space<vmem>>, vector<1x1x16xf32>,
        %get3A_1468 = vector.shape_cast %get3A_1467 : vector<1x1x16xf32> to vector<16xf32>
        %add3A_1469 = arith.addf %add3A_1461, %get3A_1468 : vector<16xf32>
        %get3A_1470 = arith.constant 1 : i32
        %get3A_1471 = arith.constant 11 : i32
        %get3A_1472 = arith.index_cast %get3A_1470 : i32 to index
        %get3A_1473 = arith.index_cast %get3A_1471 : i32 to index
        %get3A_1474 = arith.constant 32 : index
        %get3A_1475 = tpu.vector_load %arg7[%get3A_1472, %get3A_1473, %get3A_1474] {strides = array<i32>} : memref<2x16x128xf32, #tpu.memory_space<vmem>>, vector<1x1x16xf32>,
        %get3A_1476 = vector.shape_cast %get3A_1475 : vector<1x1x16xf32> to vector<16xf32>
        %add3A_1477 = arith.addf %add3A_1469, %get3A_1476 : vector<16xf32>
        %get3A_1478 = arith.constant 1 : i32
        %get3A_1479 = arith.constant 12 : i32
        %get3A_1480 = arith.index_cast %get3A_1478 : i32 to index
        %get3A_1481 = arith.index_cast %get3A_1479 : i32 to index
        %get3A_1482 = arith.constant 32 : index
        %get3A_1483 = tpu.vector_load %arg7[%get3A_1480, %get3A_1481, %get3A_1482] {strides = array<i32>} : memref<2x16x128xf32, #tpu.memory_space<vmem>>, vector<1x1x16xf32>,
        %get3A_1484 = vector.shape_cast %get3A_1483 : vector<1x1x16xf32> to vector<16xf32>
        %add3A_1485 = arith.addf %add3A_1477, %get3A_1484 : vector<16xf32>
        %get3A_1486 = arith.constant 1 : i32
        %get3A_1487 = arith.constant 13 : i32
        %get3A_1488 = arith.index_cast %get3A_1486 : i32 to index
        %get3A_1489 = arith.index_cast %get3A_1487 : i32 to index
        %get3A_1490 = arith.constant 32 : index
        %get3A_1491 = tpu.vector_load %arg7[%get3A_1488, %get3A_1489, %get3A_1490] {strides = array<i32>} : memref<2x16x128xf32, #tpu.memory_space<vmem>>, vector<1x1x16xf32>,
        %get3A_1492 = vector.shape_cast %get3A_1491 : vector<1x1x16xf32> to vector<16xf32>
        %add3A_1493 = arith.addf %add3A_1485, %get3A_1492 : vector<16xf32>
        %get3A_1494 = arith.constant 1 : i32
        %get3A_1495 = arith.constant 14 : i32
        %get3A_1496 = arith.index_cast %get3A_1494 : i32 to index
        %get3A_1497 = arith.index_cast %get3A_1495 : i32 to index
        %get3A_1498 = arith.constant 32 : index
        %get3A_1499 = tpu.vector_load %arg7[%get3A_1496, %get3A_1497, %get3A_1498] {strides = array<i32>} : memref<2x16x128xf32, #tpu.memory_space<vmem>>, vector<1x1x16xf32>,
        %get3A_1500 = vector.shape_cast %get3A_1499 : vector<1x1x16xf32> to vector<16xf32>
        %add3A_1501 = arith.addf %add3A_1493, %get3A_1500 : vector<16xf32>
        %get3A_1502 = arith.constant 1 : i32
        %get3A_1503 = arith.constant 15 : i32
        %get3A_1504 = arith.index_cast %get3A_1502 : i32 to index
        %get3A_1505 = arith.index_cast %get3A_1503 : i32 to index
        %get3A_1506 = arith.constant 32 : index
        %get3A_1507 = tpu.vector_load %arg7[%get3A_1504, %get3A_1505, %get3A_1506] {strides = array<i32>} : memref<2x16x128xf32, #tpu.memory_space<vmem>>, vector<1x1x16xf32>,
        %get3A_1508 = vector.shape_cast %get3A_1507 : vector<1x1x16xf32> to vector<16xf32>
        %add3A_1509 = arith.addf %add3A_1501, %get3A_1508 : vector<16xf32>
        %swap3A_1510 = arith.index_cast %add3A_1118 : i32 to index
        %swap3A_1511 = arith.constant 32 : index
        %swap3A_1512 = tpu.vector_load %arg6[%swap3A_1510, %swap3A_1511] {strides = array<i32>} : memref<288x128xf32, #tpu.memory_space<vmem>>, vector<1x16xf32>,
        %swap3A_1513 = vector.shape_cast %swap3A_1512 : vector<1x16xf32> to vector<16xf32>
        %swap3A_1514 = vector.shape_cast %add3A_1509 : vector<16xf32> to vector<1x16xf32>
        tpu.vector_store %arg6[%swap3A_1510, %swap3A_1511], %swap3A_1514 {strides = array<i32>} : memref<288x128xf32, #tpu.memory_space<vmem>>, vector<1x16xf32>,
        %get3A_1515 = arith.constant 1 : i32
        %get3A_1516 = arith.constant 0 : i32
        %get3A_1517 = arith.index_cast %get3A_1515 : i32 to index
        %get3A_1518 = arith.index_cast %get3A_1516 : i32 to index
        %get3A_1519 = arith.constant 48 : index
        %get3A_1520 = tpu.vector_load %arg7[%get3A_1517, %get3A_1518, %get3A_1519] {strides = array<i32>} : memref<2x16x128xf32, #tpu.memory_space<vmem>>, vector<1x1x16xf32>,
        %get3A_1521 = vector.shape_cast %get3A_1520 : vector<1x1x16xf32> to vector<16xf32>
        %get3A_1522 = arith.constant 1 : i32
        %get3A_1523 = arith.constant 1 : i32
        %get3A_1524 = arith.index_cast %get3A_1522 : i32 to index
        %get3A_1525 = arith.index_cast %get3A_1523 : i32 to index
        %get3A_1526 = arith.constant 48 : index
        %get3A_1527 = tpu.vector_load %arg7[%get3A_1524, %get3A_1525, %get3A_1526] {strides = array<i32>} : memref<2x16x128xf32, #tpu.memory_space<vmem>>, vector<1x1x16xf32>,
        %get3A_1528 = vector.shape_cast %get3A_1527 : vector<1x1x16xf32> to vector<16xf32>
        %add3A_1529 = arith.addf %get3A_1521, %get3A_1528 : vector<16xf32>
        %get3A_1530 = arith.constant 1 : i32
        %get3A_1531 = arith.constant 2 : i32
        %get3A_1532 = arith.index_cast %get3A_1530 : i32 to index
        %get3A_1533 = arith.index_cast %get3A_1531 : i32 to index
        %get3A_1534 = arith.constant 48 : index
        %get3A_1535 = tpu.vector_load %arg7[%get3A_1532, %get3A_1533, %get3A_1534] {strides = array<i32>} : memref<2x16x128xf32, #tpu.memory_space<vmem>>, vector<1x1x16xf32>,
        %get3A_1536 = vector.shape_cast %get3A_1535 : vector<1x1x16xf32> to vector<16xf32>
        %add3A_1537 = arith.addf %add3A_1529, %get3A_1536 : vector<16xf32>
        %get3A_1538 = arith.constant 1 : i32
        %get3A_1539 = arith.constant 3 : i32
        %get3A_1540 = arith.index_cast %get3A_1538 : i32 to index
        %get3A_1541 = arith.index_cast %get3A_1539 : i32 to index
        %get3A_1542 = arith.constant 48 : index
        %get3A_1543 = tpu.vector_load %arg7[%get3A_1540, %get3A_1541, %get3A_1542] {strides = array<i32>} : memref<2x16x128xf32, #tpu.memory_space<vmem>>, vector<1x1x16xf32>,
        %get3A_1544 = vector.shape_cast %get3A_1543 : vector<1x1x16xf32> to vector<16xf32>
        %add3A_1545 = arith.addf %add3A_1537, %get3A_1544 : vector<16xf32>
        %get3A_1546 = arith.constant 1 : i32
        %get3A_1547 = arith.constant 4 : i32
        %get3A_1548 = arith.index_cast %get3A_1546 : i32 to index
        %get3A_1549 = arith.index_cast %get3A_1547 : i32 to index
        %get3A_1550 = arith.constant 48 : index
        %get3A_1551 = tpu.vector_load %arg7[%get3A_1548, %get3A_1549, %get3A_1550] {strides = array<i32>} : memref<2x16x128xf32, #tpu.memory_space<vmem>>, vector<1x1x16xf32>,
        %get3A_1552 = vector.shape_cast %get3A_1551 : vector<1x1x16xf32> to vector<16xf32>
        %add3A_1553 = arith.addf %add3A_1545, %get3A_1552 : vector<16xf32>
        %get3A_1554 = arith.constant 1 : i32
        %get3A_1555 = arith.constant 5 : i32
        %get3A_1556 = arith.index_cast %get3A_1554 : i32 to index
        %get3A_1557 = arith.index_cast %get3A_1555 : i32 to index
        %get3A_1558 = arith.constant 48 : index
        %get3A_1559 = tpu.vector_load %arg7[%get3A_1556, %get3A_1557, %get3A_1558] {strides = array<i32>} : memref<2x16x128xf32, #tpu.memory_space<vmem>>, vector<1x1x16xf32>,
        %get3A_1560 = vector.shape_cast %get3A_1559 : vector<1x1x16xf32> to vector<16xf32>
        %add3A_1561 = arith.addf %add3A_1553, %get3A_1560 : vector<16xf32>
        %get3A_1562 = arith.constant 1 : i32
        %get3A_1563 = arith.constant 6 : i32
        %get3A_1564 = arith.index_cast %get3A_1562 : i32 to index
        %get3A_1565 = arith.index_cast %get3A_1563 : i32 to index
        %get3A_1566 = arith.constant 48 : index
        %get3A_1567 = tpu.vector_load %arg7[%get3A_1564, %get3A_1565, %get3A_1566] {strides = array<i32>} : memref<2x16x128xf32, #tpu.memory_space<vmem>>, vector<1x1x16xf32>,
        %get3A_1568 = vector.shape_cast %get3A_1567 : vector<1x1x16xf32> to vector<16xf32>
        %add3A_1569 = arith.addf %add3A_1561, %get3A_1568 : vector<16xf32>
        %get3A_1570 = arith.constant 1 : i32
        %get3A_1571 = arith.constant 7 : i32
        %get3A_1572 = arith.index_cast %get3A_1570 : i32 to index
        %get3A_1573 = arith.index_cast %get3A_1571 : i32 to index
        %get3A_1574 = arith.constant 48 : index
        %get3A_1575 = tpu.vector_load %arg7[%get3A_1572, %get3A_1573, %get3A_1574] {strides = array<i32>} : memref<2x16x128xf32, #tpu.memory_space<vmem>>, vector<1x1x16xf32>,
        %get3A_1576 = vector.shape_cast %get3A_1575 : vector<1x1x16xf32> to vector<16xf32>
        %add3A_1577 = arith.addf %add3A_1569, %get3A_1576 : vector<16xf32>
        %get3A_1578 = arith.constant 1 : i32
        %get3A_1579 = arith.constant 8 : i32
        %get3A_1580 = arith.index_cast %get3A_1578 : i32 to index
        %get3A_1581 = arith.index_cast %get3A_1579 : i32 to index
        %get3A_1582 = arith.constant 48 : index
        %get3A_1583 = tpu.vector_load %arg7[%get3A_1580, %get3A_1581, %get3A_1582] {strides = array<i32>} : memref<2x16x128xf32, #tpu.memory_space<vmem>>, vector<1x1x16xf32>,
        %get3A_1584 = vector.shape_cast %get3A_1583 : vector<1x1x16xf32> to vector<16xf32>
        %add3A_1585 = arith.addf %add3A_1577, %get3A_1584 : vector<16xf32>
        %get3A_1586 = arith.constant 1 : i32
        %get3A_1587 = arith.constant 9 : i32
        %get3A_1588 = arith.index_cast %get3A_1586 : i32 to index
        %get3A_1589 = arith.index_cast %get3A_1587 : i32 to index
        %get3A_1590 = arith.constant 48 : index
        %get3A_1591 = tpu.vector_load %arg7[%get3A_1588, %get3A_1589, %get3A_1590] {strides = array<i32>} : memref<2x16x128xf32, #tpu.memory_space<vmem>>, vector<1x1x16xf32>,
        %get3A_1592 = vector.shape_cast %get3A_1591 : vector<1x1x16xf32> to vector<16xf32>
        %add3A_1593 = arith.addf %add3A_1585, %get3A_1592 : vector<16xf32>
        %get3A_1594 = arith.constant 1 : i32
        %get3A_1595 = arith.constant 10 : i32
        %get3A_1596 = arith.index_cast %get3A_1594 : i32 to index
        %get3A_1597 = arith.index_cast %get3A_1595 : i32 to index
        %get3A_1598 = arith.constant 48 : index
        %get3A_1599 = tpu.vector_load %arg7[%get3A_1596, %get3A_1597, %get3A_1598] {strides = array<i32>} : memref<2x16x128xf32, #tpu.memory_space<vmem>>, vector<1x1x16xf32>,
        %get3A_1600 = vector.shape_cast %get3A_1599 : vector<1x1x16xf32> to vector<16xf32>
        %add3A_1601 = arith.addf %add3A_1593, %get3A_1600 : vector<16xf32>
        %get3A_1602 = arith.constant 1 : i32
        %get3A_1603 = arith.constant 11 : i32
        %get3A_1604 = arith.index_cast %get3A_1602 : i32 to index
        %get3A_1605 = arith.index_cast %get3A_1603 : i32 to index
        %get3A_1606 = arith.constant 48 : index
        %get3A_1607 = tpu.vector_load %arg7[%get3A_1604, %get3A_1605, %get3A_1606] {strides = array<i32>} : memref<2x16x128xf32, #tpu.memory_space<vmem>>, vector<1x1x16xf32>,
        %get3A_1608 = vector.shape_cast %get3A_1607 : vector<1x1x16xf32> to vector<16xf32>
        %add3A_1609 = arith.addf %add3A_1601, %get3A_1608 : vector<16xf32>
        %get3A_1610 = arith.constant 1 : i32
        %get3A_1611 = arith.constant 12 : i32
        %get3A_1612 = arith.index_cast %get3A_1610 : i32 to index
        %get3A_1613 = arith.index_cast %get3A_1611 : i32 to index
        %get3A_1614 = arith.constant 48 : index
        %get3A_1615 = tpu.vector_load %arg7[%get3A_1612, %get3A_1613, %get3A_1614] {strides = array<i32>} : memref<2x16x128xf32, #tpu.memory_space<vmem>>, vector<1x1x16xf32>,
        %get3A_1616 = vector.shape_cast %get3A_1615 : vector<1x1x16xf32> to vector<16xf32>
        %add3A_1617 = arith.addf %add3A_1609, %get3A_1616 : vector<16xf32>
        %get3A_1618 = arith.constant 1 : i32
        %get3A_1619 = arith.constant 13 : i32
        %get3A_1620 = arith.index_cast %get3A_1618 : i32 to index
        %get3A_1621 = arith.index_cast %get3A_1619 : i32 to index
        %get3A_1622 = arith.constant 48 : index
        %get3A_1623 = tpu.vector_load %arg7[%get3A_1620, %get3A_1621, %get3A_1622] {strides = array<i32>} : memref<2x16x128xf32, #tpu.memory_space<vmem>>, vector<1x1x16xf32>,
        %get3A_1624 = vector.shape_cast %get3A_1623 : vector<1x1x16xf32> to vector<16xf32>
        %add3A_1625 = arith.addf %add3A_1617, %get3A_1624 : vector<16xf32>
        %get3A_1626 = arith.constant 1 : i32
        %get3A_1627 = arith.constant 14 : i32
        %get3A_1628 = arith.index_cast %get3A_1626 : i32 to index
        %get3A_1629 = arith.index_cast %get3A_1627 : i32 to index
        %get3A_1630 = arith.constant 48 : index
        %get3A_1631 = tpu.vector_load %arg7[%get3A_1628, %get3A_1629, %get3A_1630] {strides = array<i32>} : memref<2x16x128xf32, #tpu.memory_space<vmem>>, vector<1x1x16xf32>,
        %get3A_1632 = vector.shape_cast %get3A_1631 : vector<1x1x16xf32> to vector<16xf32>
        %add3A_1633 = arith.addf %add3A_1625, %get3A_1632 : vector<16xf32>
        %get3A_1634 = arith.constant 1 : i32
        %get3A_1635 = arith.constant 15 : i32
        %get3A_1636 = arith.index_cast %get3A_1634 : i32 to index
        %get3A_1637 = arith.index_cast %get3A_1635 : i32 to index
        %get3A_1638 = arith.constant 48 : index
        %get3A_1639 = tpu.vector_load %arg7[%get3A_1636, %get3A_1637, %get3A_1638] {strides = array<i32>} : memref<2x16x128xf32, #tpu.memory_space<vmem>>, vector<1x1x16xf32>,
        %get3A_1640 = vector.shape_cast %get3A_1639 : vector<1x1x16xf32> to vector<16xf32>
        %add3A_1641 = arith.addf %add3A_1633, %get3A_1640 : vector<16xf32>
        %swap3A_1642 = arith.index_cast %add3A_1118 : i32 to index
        %swap3A_1643 = arith.constant 48 : index
        %swap3A_1644 = tpu.vector_load %arg6[%swap3A_1642, %swap3A_1643] {strides = array<i32>} : memref<288x128xf32, #tpu.memory_space<vmem>>, vector<1x16xf32>,
        %swap3A_1645 = vector.shape_cast %swap3A_1644 : vector<1x16xf32> to vector<16xf32>
        %swap3A_1646 = vector.shape_cast %add3A_1641 : vector<16xf32> to vector<1x16xf32>
        tpu.vector_store %arg6[%swap3A_1642, %swap3A_1643], %swap3A_1646 {strides = array<i32>} : memref<288x128xf32, #tpu.memory_space<vmem>>, vector<1x16xf32>,
        %get3A_1647 = arith.constant 1 : i32
        %get3A_1648 = arith.constant 0 : i32
        %get3A_1649 = arith.index_cast %get3A_1647 : i32 to index
        %get3A_1650 = arith.index_cast %get3A_1648 : i32 to index
        %get3A_1651 = arith.constant 64 : index
        %get3A_1652 = tpu.vector_load %arg7[%get3A_1649, %get3A_1650, %get3A_1651] {strides = array<i32>} : memref<2x16x128xf32, #tpu.memory_space<vmem>>, vector<1x1x16xf32>,
        %get3A_1653 = vector.shape_cast %get3A_1652 : vector<1x1x16xf32> to vector<16xf32>
        %get3A_1654 = arith.constant 1 : i32
        %get3A_1655 = arith.constant 1 : i32
        %get3A_1656 = arith.index_cast %get3A_1654 : i32 to index
        %get3A_1657 = arith.index_cast %get3A_1655 : i32 to index
        %get3A_1658 = arith.constant 64 : index
        %get3A_1659 = tpu.vector_load %arg7[%get3A_1656, %get3A_1657, %get3A_1658] {strides = array<i32>} : memref<2x16x128xf32, #tpu.memory_space<vmem>>, vector<1x1x16xf32>,
        %get3A_1660 = vector.shape_cast %get3A_1659 : vector<1x1x16xf32> to vector<16xf32>
        %add3A_1661 = arith.addf %get3A_1653, %get3A_1660 : vector<16xf32>
        %get3A_1662 = arith.constant 1 : i32
        %get3A_1663 = arith.constant 2 : i32
        %get3A_1664 = arith.index_cast %get3A_1662 : i32 to index
        %get3A_1665 = arith.index_cast %get3A_1663 : i32 to index
        %get3A_1666 = arith.constant 64 : index
        %get3A_1667 = tpu.vector_load %arg7[%get3A_1664, %get3A_1665, %get3A_1666] {strides = array<i32>} : memref<2x16x128xf32, #tpu.memory_space<vmem>>, vector<1x1x16xf32>,
        %get3A_1668 = vector.shape_cast %get3A_1667 : vector<1x1x16xf32> to vector<16xf32>
        %add3A_1669 = arith.addf %add3A_1661, %get3A_1668 : vector<16xf32>
        %get3A_1670 = arith.constant 1 : i32
        %get3A_1671 = arith.constant 3 : i32
        %get3A_1672 = arith.index_cast %get3A_1670 : i32 to index
        %get3A_1673 = arith.index_cast %get3A_1671 : i32 to index
        %get3A_1674 = arith.constant 64 : index
        %get3A_1675 = tpu.vector_load %arg7[%get3A_1672, %get3A_1673, %get3A_1674] {strides = array<i32>} : memref<2x16x128xf32, #tpu.memory_space<vmem>>, vector<1x1x16xf32>,
        %get3A_1676 = vector.shape_cast %get3A_1675 : vector<1x1x16xf32> to vector<16xf32>
        %add3A_1677 = arith.addf %add3A_1669, %get3A_1676 : vector<16xf32>
        %get3A_1678 = arith.constant 1 : i32
        %get3A_1679 = arith.constant 4 : i32
        %get3A_1680 = arith.index_cast %get3A_1678 : i32 to index
        %get3A_1681 = arith.index_cast %get3A_1679 : i32 to index
        %get3A_1682 = arith.constant 64 : index
        %get3A_1683 = tpu.vector_load %arg7[%get3A_1680, %get3A_1681, %get3A_1682] {strides = array<i32>} : memref<2x16x128xf32, #tpu.memory_space<vmem>>, vector<1x1x16xf32>,
        %get3A_1684 = vector.shape_cast %get3A_1683 : vector<1x1x16xf32> to vector<16xf32>
        %add3A_1685 = arith.addf %add3A_1677, %get3A_1684 : vector<16xf32>
        %get3A_1686 = arith.constant 1 : i32
        %get3A_1687 = arith.constant 5 : i32
        %get3A_1688 = arith.index_cast %get3A_1686 : i32 to index
        %get3A_1689 = arith.index_cast %get3A_1687 : i32 to index
        %get3A_1690 = arith.constant 64 : index
        %get3A_1691 = tpu.vector_load %arg7[%get3A_1688, %get3A_1689, %get3A_1690] {strides = array<i32>} : memref<2x16x128xf32, #tpu.memory_space<vmem>>, vector<1x1x16xf32>,
        %get3A_1692 = vector.shape_cast %get3A_1691 : vector<1x1x16xf32> to vector<16xf32>
        %add3A_1693 = arith.addf %add3A_1685, %get3A_1692 : vector<16xf32>
        %get3A_1694 = arith.constant 1 : i32
        %get3A_1695 = arith.constant 6 : i32
        %get3A_1696 = arith.index_cast %get3A_1694 : i32 to index
        %get3A_1697 = arith.index_cast %get3A_1695 : i32 to index
        %get3A_1698 = arith.constant 64 : index
        %get3A_1699 = tpu.vector_load %arg7[%get3A_1696, %get3A_1697, %get3A_1698] {strides = array<i32>} : memref<2x16x128xf32, #tpu.memory_space<vmem>>, vector<1x1x16xf32>,
        %get3A_1700 = vector.shape_cast %get3A_1699 : vector<1x1x16xf32> to vector<16xf32>
        %add3A_1701 = arith.addf %add3A_1693, %get3A_1700 : vector<16xf32>
        %get3A_1702 = arith.constant 1 : i32
        %get3A_1703 = arith.constant 7 : i32
        %get3A_1704 = arith.index_cast %get3A_1702 : i32 to index
        %get3A_1705 = arith.index_cast %get3A_1703 : i32 to index
        %get3A_1706 = arith.constant 64 : index
        %get3A_1707 = tpu.vector_load %arg7[%get3A_1704, %get3A_1705, %get3A_1706] {strides = array<i32>} : memref<2x16x128xf32, #tpu.memory_space<vmem>>, vector<1x1x16xf32>,
        %get3A_1708 = vector.shape_cast %get3A_1707 : vector<1x1x16xf32> to vector<16xf32>
        %add3A_1709 = arith.addf %add3A_1701, %get3A_1708 : vector<16xf32>
        %get3A_1710 = arith.constant 1 : i32
        %get3A_1711 = arith.constant 8 : i32
        %get3A_1712 = arith.index_cast %get3A_1710 : i32 to index
        %get3A_1713 = arith.index_cast %get3A_1711 : i32 to index
        %get3A_1714 = arith.constant 64 : index
        %get3A_1715 = tpu.vector_load %arg7[%get3A_1712, %get3A_1713, %get3A_1714] {strides = array<i32>} : memref<2x16x128xf32, #tpu.memory_space<vmem>>, vector<1x1x16xf32>,
        %get3A_1716 = vector.shape_cast %get3A_1715 : vector<1x1x16xf32> to vector<16xf32>
        %add3A_1717 = arith.addf %add3A_1709, %get3A_1716 : vector<16xf32>
        %get3A_1718 = arith.constant 1 : i32
        %get3A_1719 = arith.constant 9 : i32
        %get3A_1720 = arith.index_cast %get3A_1718 : i32 to index
        %get3A_1721 = arith.index_cast %get3A_1719 : i32 to index
        %get3A_1722 = arith.constant 64 : index
        %get3A_1723 = tpu.vector_load %arg7[%get3A_1720, %get3A_1721, %get3A_1722] {strides = array<i32>} : memref<2x16x128xf32, #tpu.memory_space<vmem>>, vector<1x1x16xf32>,
        %get3A_1724 = vector.shape_cast %get3A_1723 : vector<1x1x16xf32> to vector<16xf32>
        %add3A_1725 = arith.addf %add3A_1717, %get3A_1724 : vector<16xf32>
        %get3A_1726 = arith.constant 1 : i32
        %get3A_1727 = arith.constant 10 : i32
        %get3A_1728 = arith.index_cast %get3A_1726 : i32 to index
        %get3A_1729 = arith.index_cast %get3A_1727 : i32 to index
        %get3A_1730 = arith.constant 64 : index
        %get3A_1731 = tpu.vector_load %arg7[%get3A_1728, %get3A_1729, %get3A_1730] {strides = array<i32>} : memref<2x16x128xf32, #tpu.memory_space<vmem>>, vector<1x1x16xf32>,
        %get3A_1732 = vector.shape_cast %get3A_1731 : vector<1x1x16xf32> to vector<16xf32>
        %add3A_1733 = arith.addf %add3A_1725, %get3A_1732 : vector<16xf32>
        %get3A_1734 = arith.constant 1 : i32
        %get3A_1735 = arith.constant 11 : i32
        %get3A_1736 = arith.index_cast %get3A_1734 : i32 to index
        %get3A_1737 = arith.index_cast %get3A_1735 : i32 to index
        %get3A_1738 = arith.constant 64 : index
        %get3A_1739 = tpu.vector_load %arg7[%get3A_1736, %get3A_1737, %get3A_1738] {strides = array<i32>} : memref<2x16x128xf32, #tpu.memory_space<vmem>>, vector<1x1x16xf32>,
        %get3A_1740 = vector.shape_cast %get3A_1739 : vector<1x1x16xf32> to vector<16xf32>
        %add3A_1741 = arith.addf %add3A_1733, %get3A_1740 : vector<16xf32>
        %get3A_1742 = arith.constant 1 : i32
        %get3A_1743 = arith.constant 12 : i32
        %get3A_1744 = arith.index_cast %get3A_1742 : i32 to index
        %get3A_1745 = arith.index_cast %get3A_1743 : i32 to index
        %get3A_1746 = arith.constant 64 : index
        %get3A_1747 = tpu.vector_load %arg7[%get3A_1744, %get3A_1745, %get3A_1746] {strides = array<i32>} : memref<2x16x128xf32, #tpu.memory_space<vmem>>, vector<1x1x16xf32>,
        %get3A_1748 = vector.shape_cast %get3A_1747 : vector<1x1x16xf32> to vector<16xf32>
        %add3A_1749 = arith.addf %add3A_1741, %get3A_1748 : vector<16xf32>
        %get3A_1750 = arith.constant 1 : i32
        %get3A_1751 = arith.constant 13 : i32
        %get3A_1752 = arith.index_cast %get3A_1750 : i32 to index
        %get3A_1753 = arith.index_cast %get3A_1751 : i32 to index
        %get3A_1754 = arith.constant 64 : index
        %get3A_1755 = tpu.vector_load %arg7[%get3A_1752, %get3A_1753, %get3A_1754] {strides = array<i32>} : memref<2x16x128xf32, #tpu.memory_space<vmem>>, vector<1x1x16xf32>,
        %get3A_1756 = vector.shape_cast %get3A_1755 : vector<1x1x16xf32> to vector<16xf32>
        %add3A_1757 = arith.addf %add3A_1749, %get3A_1756 : vector<16xf32>
        %get3A_1758 = arith.constant 1 : i32
        %get3A_1759 = arith.constant 14 : i32
        %get3A_1760 = arith.index_cast %get3A_1758 : i32 to index
        %get3A_1761 = arith.index_cast %get3A_1759 : i32 to index
        %get3A_1762 = arith.constant 64 : index
        %get3A_1763 = tpu.vector_load %arg7[%get3A_1760, %get3A_1761, %get3A_1762] {strides = array<i32>} : memref<2x16x128xf32, #tpu.memory_space<vmem>>, vector<1x1x16xf32>,
        %get3A_1764 = vector.shape_cast %get3A_1763 : vector<1x1x16xf32> to vector<16xf32>
        %add3A_1765 = arith.addf %add3A_1757, %get3A_1764 : vector<16xf32>
        %get3A_1766 = arith.constant 1 : i32
        %get3A_1767 = arith.constant 15 : i32
        %get3A_1768 = arith.index_cast %get3A_1766 : i32 to index
        %get3A_1769 = arith.index_cast %get3A_1767 : i32 to index
        %get3A_1770 = arith.constant 64 : index
        %get3A_1771 = tpu.vector_load %arg7[%get3A_1768, %get3A_1769, %get3A_1770] {strides = array<i32>} : memref<2x16x128xf32, #tpu.memory_space<vmem>>, vector<1x1x16xf32>,
        %get3A_1772 = vector.shape_cast %get3A_1771 : vector<1x1x16xf32> to vector<16xf32>
        %add3A_1773 = arith.addf %add3A_1765, %get3A_1772 : vector<16xf32>
        %swap3A_1774 = arith.index_cast %add3A_1118 : i32 to index
        %swap3A_1775 = arith.constant 64 : index
        %swap3A_1776 = tpu.vector_load %arg6[%swap3A_1774, %swap3A_1775] {strides = array<i32>} : memref<288x128xf32, #tpu.memory_space<vmem>>, vector<1x16xf32>,
        %swap3A_1777 = vector.shape_cast %swap3A_1776 : vector<1x16xf32> to vector<16xf32>
        %swap3A_1778 = vector.shape_cast %add3A_1773 : vector<16xf32> to vector<1x16xf32>
        tpu.vector_store %arg6[%swap3A_1774, %swap3A_1775], %swap3A_1778 {strides = array<i32>} : memref<288x128xf32, #tpu.memory_space<vmem>>, vector<1x16xf32>,
        %get3A_1779 = arith.constant 1 : i32
        %get3A_1780 = arith.constant 0 : i32
        %get3A_1781 = arith.index_cast %get3A_1779 : i32 to index
        %get3A_1782 = arith.index_cast %get3A_1780 : i32 to index
        %get3A_1783 = arith.constant 80 : index
        %get3A_1784 = tpu.vector_load %arg7[%get3A_1781, %get3A_1782, %get3A_1783] {strides = array<i32>} : memref<2x16x128xf32, #tpu.memory_space<vmem>>, vector<1x1x16xf32>,
        %get3A_1785 = vector.shape_cast %get3A_1784 : vector<1x1x16xf32> to vector<16xf32>
        %get3A_1786 = arith.constant 1 : i32
        %get3A_1787 = arith.constant 1 : i32
        %get3A_1788 = arith.index_cast %get3A_1786 : i32 to index
        %get3A_1789 = arith.index_cast %get3A_1787 : i32 to index
        %get3A_1790 = arith.constant 80 : index
        %get3A_1791 = tpu.vector_load %arg7[%get3A_1788, %get3A_1789, %get3A_1790] {strides = array<i32>} : memref<2x16x128xf32, #tpu.memory_space<vmem>>, vector<1x1x16xf32>,
        %get3A_1792 = vector.shape_cast %get3A_1791 : vector<1x1x16xf32> to vector<16xf32>
        %add3A_1793 = arith.addf %get3A_1785, %get3A_1792 : vector<16xf32>
        %get3A_1794 = arith.constant 1 : i32
        %get3A_1795 = arith.constant 2 : i32
        %get3A_1796 = arith.index_cast %get3A_1794 : i32 to index
        %get3A_1797 = arith.index_cast %get3A_1795 : i32 to index
        %get3A_1798 = arith.constant 80 : index
        %get3A_1799 = tpu.vector_load %arg7[%get3A_1796, %get3A_1797, %get3A_1798] {strides = array<i32>} : memref<2x16x128xf32, #tpu.memory_space<vmem>>, vector<1x1x16xf32>,
        %get3A_1800 = vector.shape_cast %get3A_1799 : vector<1x1x16xf32> to vector<16xf32>
        %add3A_1801 = arith.addf %add3A_1793, %get3A_1800 : vector<16xf32>
        %get3A_1802 = arith.constant 1 : i32
        %get3A_1803 = arith.constant 3 : i32
        %get3A_1804 = arith.index_cast %get3A_1802 : i32 to index
        %get3A_1805 = arith.index_cast %get3A_1803 : i32 to index
        %get3A_1806 = arith.constant 80 : index
        %get3A_1807 = tpu.vector_load %arg7[%get3A_1804, %get3A_1805, %get3A_1806] {strides = array<i32>} : memref<2x16x128xf32, #tpu.memory_space<vmem>>, vector<1x1x16xf32>,
        %get3A_1808 = vector.shape_cast %get3A_1807 : vector<1x1x16xf32> to vector<16xf32>
        %add3A_1809 = arith.addf %add3A_1801, %get3A_1808 : vector<16xf32>
        %get3A_1810 = arith.constant 1 : i32
        %get3A_1811 = arith.constant 4 : i32
        %get3A_1812 = arith.index_cast %get3A_1810 : i32 to index
        %get3A_1813 = arith.index_cast %get3A_1811 : i32 to index
        %get3A_1814 = arith.constant 80 : index
        %get3A_1815 = tpu.vector_load %arg7[%get3A_1812, %get3A_1813, %get3A_1814] {strides = array<i32>} : memref<2x16x128xf32, #tpu.memory_space<vmem>>, vector<1x1x16xf32>,
        %get3A_1816 = vector.shape_cast %get3A_1815 : vector<1x1x16xf32> to vector<16xf32>
        %add3A_1817 = arith.addf %add3A_1809, %get3A_1816 : vector<16xf32>
        %get3A_1818 = arith.constant 1 : i32
        %get3A_1819 = arith.constant 5 : i32
        %get3A_1820 = arith.index_cast %get3A_1818 : i32 to index
        %get3A_1821 = arith.index_cast %get3A_1819 : i32 to index
        %get3A_1822 = arith.constant 80 : index
        %get3A_1823 = tpu.vector_load %arg7[%get3A_1820, %get3A_1821, %get3A_1822] {strides = array<i32>} : memref<2x16x128xf32, #tpu.memory_space<vmem>>, vector<1x1x16xf32>,
        %get3A_1824 = vector.shape_cast %get3A_1823 : vector<1x1x16xf32> to vector<16xf32>
        %add3A_1825 = arith.addf %add3A_1817, %get3A_1824 : vector<16xf32>
        %get3A_1826 = arith.constant 1 : i32
        %get3A_1827 = arith.constant 6 : i32
        %get3A_1828 = arith.index_cast %get3A_1826 : i32 to index
        %get3A_1829 = arith.index_cast %get3A_1827 : i32 to index
        %get3A_1830 = arith.constant 80 : index
        %get3A_1831 = tpu.vector_load %arg7[%get3A_1828, %get3A_1829, %get3A_1830] {strides = array<i32>} : memref<2x16x128xf32, #tpu.memory_space<vmem>>, vector<1x1x16xf32>,
        %get3A_1832 = vector.shape_cast %get3A_1831 : vector<1x1x16xf32> to vector<16xf32>
        %add3A_1833 = arith.addf %add3A_1825, %get3A_1832 : vector<16xf32>
        %get3A_1834 = arith.constant 1 : i32
        %get3A_1835 = arith.constant 7 : i32
        %get3A_1836 = arith.index_cast %get3A_1834 : i32 to index
        %get3A_1837 = arith.index_cast %get3A_1835 : i32 to index
        %get3A_1838 = arith.constant 80 : index
        %get3A_1839 = tpu.vector_load %arg7[%get3A_1836, %get3A_1837, %get3A_1838] {strides = array<i32>} : memref<2x16x128xf32, #tpu.memory_space<vmem>>, vector<1x1x16xf32>,
        %get3A_1840 = vector.shape_cast %get3A_1839 : vector<1x1x16xf32> to vector<16xf32>
        %add3A_1841 = arith.addf %add3A_1833, %get3A_1840 : vector<16xf32>
        %get3A_1842 = arith.constant 1 : i32
        %get3A_1843 = arith.constant 8 : i32
        %get3A_1844 = arith.index_cast %get3A_1842 : i32 to index
        %get3A_1845 = arith.index_cast %get3A_1843 : i32 to index
        %get3A_1846 = arith.constant 80 : index
        %get3A_1847 = tpu.vector_load %arg7[%get3A_1844, %get3A_1845, %get3A_1846] {strides = array<i32>} : memref<2x16x128xf32, #tpu.memory_space<vmem>>, vector<1x1x16xf32>,
        %get3A_1848 = vector.shape_cast %get3A_1847 : vector<1x1x16xf32> to vector<16xf32>
        %add3A_1849 = arith.addf %add3A_1841, %get3A_1848 : vector<16xf32>
        %get3A_1850 = arith.constant 1 : i32
        %get3A_1851 = arith.constant 9 : i32
        %get3A_1852 = arith.index_cast %get3A_1850 : i32 to index
        %get3A_1853 = arith.index_cast %get3A_1851 : i32 to index
        %get3A_1854 = arith.constant 80 : index
        %get3A_1855 = tpu.vector_load %arg7[%get3A_1852, %get3A_1853, %get3A_1854] {strides = array<i32>} : memref<2x16x128xf32, #tpu.memory_space<vmem>>, vector<1x1x16xf32>,
        %get3A_1856 = vector.shape_cast %get3A_1855 : vector<1x1x16xf32> to vector<16xf32>
        %add3A_1857 = arith.addf %add3A_1849, %get3A_1856 : vector<16xf32>
        %get3A_1858 = arith.constant 1 : i32
        %get3A_1859 = arith.constant 10 : i32
        %get3A_1860 = arith.index_cast %get3A_1858 : i32 to index
        %get3A_1861 = arith.index_cast %get3A_1859 : i32 to index
        %get3A_1862 = arith.constant 80 : index
        %get3A_1863 = tpu.vector_load %arg7[%get3A_1860, %get3A_1861, %get3A_1862] {strides = array<i32>} : memref<2x16x128xf32, #tpu.memory_space<vmem>>, vector<1x1x16xf32>,
        %get3A_1864 = vector.shape_cast %get3A_1863 : vector<1x1x16xf32> to vector<16xf32>
        %add3A_1865 = arith.addf %add3A_1857, %get3A_1864 : vector<16xf32>
        %get3A_1866 = arith.constant 1 : i32
        %get3A_1867 = arith.constant 11 : i32
        %get3A_1868 = arith.index_cast %get3A_1866 : i32 to index
        %get3A_1869 = arith.index_cast %get3A_1867 : i32 to index
        %get3A_1870 = arith.constant 80 : index
        %get3A_1871 = tpu.vector_load %arg7[%get3A_1868, %get3A_1869, %get3A_1870] {strides = array<i32>} : memref<2x16x128xf32, #tpu.memory_space<vmem>>, vector<1x1x16xf32>,
        %get3A_1872 = vector.shape_cast %get3A_1871 : vector<1x1x16xf32> to vector<16xf32>
        %add3A_1873 = arith.addf %add3A_1865, %get3A_1872 : vector<16xf32>
        %get3A_1874 = arith.constant 1 : i32
        %get3A_1875 = arith.constant 12 : i32
        %get3A_1876 = arith.index_cast %get3A_1874 : i32 to index
        %get3A_1877 = arith.index_cast %get3A_1875 : i32 to index
        %get3A_1878 = arith.constant 80 : index
        %get3A_1879 = tpu.vector_load %arg7[%get3A_1876, %get3A_1877, %get3A_1878] {strides = array<i32>} : memref<2x16x128xf32, #tpu.memory_space<vmem>>, vector<1x1x16xf32>,
        %get3A_1880 = vector.shape_cast %get3A_1879 : vector<1x1x16xf32> to vector<16xf32>
        %add3A_1881 = arith.addf %add3A_1873, %get3A_1880 : vector<16xf32>
        %get3A_1882 = arith.constant 1 : i32
        %get3A_1883 = arith.constant 13 : i32
        %get3A_1884 = arith.index_cast %get3A_1882 : i32 to index
        %get3A_1885 = arith.index_cast %get3A_1883 : i32 to index
        %get3A_1886 = arith.constant 80 : index
        %get3A_1887 = tpu.vector_load %arg7[%get3A_1884, %get3A_1885, %get3A_1886] {strides = array<i32>} : memref<2x16x128xf32, #tpu.memory_space<vmem>>, vector<1x1x16xf32>,
        %get3A_1888 = vector.shape_cast %get3A_1887 : vector<1x1x16xf32> to vector<16xf32>
        %add3A_1889 = arith.addf %add3A_1881, %get3A_1888 : vector<16xf32>
        %get3A_1890 = arith.constant 1 : i32
        %get3A_1891 = arith.constant 14 : i32
        %get3A_1892 = arith.index_cast %get3A_1890 : i32 to index
        %get3A_1893 = arith.index_cast %get3A_1891 : i32 to index
        %get3A_1894 = arith.constant 80 : index
        %get3A_1895 = tpu.vector_load %arg7[%get3A_1892, %get3A_1893, %get3A_1894] {strides = array<i32>} : memref<2x16x128xf32, #tpu.memory_space<vmem>>, vector<1x1x16xf32>,
        %get3A_1896 = vector.shape_cast %get3A_1895 : vector<1x1x16xf32> to vector<16xf32>
        %add3A_1897 = arith.addf %add3A_1889, %get3A_1896 : vector<16xf32>
        %get3A_1898 = arith.constant 1 : i32
        %get3A_1899 = arith.constant 15 : i32
        %get3A_1900 = arith.index_cast %get3A_1898 : i32 to index
        %get3A_1901 = arith.index_cast %get3A_1899 : i32 to index
        %get3A_1902 = arith.constant 80 : index
        %get3A_1903 = tpu.vector_load %arg7[%get3A_1900, %get3A_1901, %get3A_1902] {strides = array<i32>} : memref<2x16x128xf32, #tpu.memory_space<vmem>>, vector<1x1x16xf32>,
        %get3A_1904 = vector.shape_cast %get3A_1903 : vector<1x1x16xf32> to vector<16xf32>
        %add3A_1905 = arith.addf %add3A_1897, %get3A_1904 : vector<16xf32>
        %swap3A_1906 = arith.index_cast %add3A_1118 : i32 to index
        %swap3A_1907 = arith.constant 80 : index
        %swap3A_1908 = tpu.vector_load %arg6[%swap3A_1906, %swap3A_1907] {strides = array<i32>} : memref<288x128xf32, #tpu.memory_space<vmem>>, vector<1x16xf32>,
        %swap3A_1909 = vector.shape_cast %swap3A_1908 : vector<1x16xf32> to vector<16xf32>
        %swap3A_1910 = vector.shape_cast %add3A_1905 : vector<16xf32> to vector<1x16xf32>
        tpu.vector_store %arg6[%swap3A_1906, %swap3A_1907], %swap3A_1910 {strides = array<i32>} : memref<288x128xf32, #tpu.memory_space<vmem>>, vector<1x16xf32>,
        %get3A_1911 = arith.constant 1 : i32
        %get3A_1912 = arith.constant 0 : i32
        %get3A_1913 = arith.index_cast %get3A_1911 : i32 to index
        %get3A_1914 = arith.index_cast %get3A_1912 : i32 to index
        %get3A_1915 = arith.constant 96 : index
        %get3A_1916 = tpu.vector_load %arg7[%get3A_1913, %get3A_1914, %get3A_1915] {strides = array<i32>} : memref<2x16x128xf32, #tpu.memory_space<vmem>>, vector<1x1x16xf32>,
        %get3A_1917 = vector.shape_cast %get3A_1916 : vector<1x1x16xf32> to vector<16xf32>
        %get3A_1918 = arith.constant 1 : i32
        %get3A_1919 = arith.constant 1 : i32
        %get3A_1920 = arith.index_cast %get3A_1918 : i32 to index
        %get3A_1921 = arith.index_cast %get3A_1919 : i32 to index
        %get3A_1922 = arith.constant 96 : index
        %get3A_1923 = tpu.vector_load %arg7[%get3A_1920, %get3A_1921, %get3A_1922] {strides = array<i32>} : memref<2x16x128xf32, #tpu.memory_space<vmem>>, vector<1x1x16xf32>,
        %get3A_1924 = vector.shape_cast %get3A_1923 : vector<1x1x16xf32> to vector<16xf32>
        %add3A_1925 = arith.addf %get3A_1917, %get3A_1924 : vector<16xf32>
        %get3A_1926 = arith.constant 1 : i32
        %get3A_1927 = arith.constant 2 : i32
        %get3A_1928 = arith.index_cast %get3A_1926 : i32 to index
        %get3A_1929 = arith.index_cast %get3A_1927 : i32 to index
        %get3A_1930 = arith.constant 96 : index
        %get3A_1931 = tpu.vector_load %arg7[%get3A_1928, %get3A_1929, %get3A_1930] {strides = array<i32>} : memref<2x16x128xf32, #tpu.memory_space<vmem>>, vector<1x1x16xf32>,
        %get3A_1932 = vector.shape_cast %get3A_1931 : vector<1x1x16xf32> to vector<16xf32>
        %add3A_1933 = arith.addf %add3A_1925, %get3A_1932 : vector<16xf32>
        %get3A_1934 = arith.constant 1 : i32
        %get3A_1935 = arith.constant 3 : i32
        %get3A_1936 = arith.index_cast %get3A_1934 : i32 to index
        %get3A_1937 = arith.index_cast %get3A_1935 : i32 to index
        %get3A_1938 = arith.constant 96 : index
        %get3A_1939 = tpu.vector_load %arg7[%get3A_1936, %get3A_1937, %get3A_1938] {strides = array<i32>} : memref<2x16x128xf32, #tpu.memory_space<vmem>>, vector<1x1x16xf32>,
        %get3A_1940 = vector.shape_cast %get3A_1939 : vector<1x1x16xf32> to vector<16xf32>
        %add3A_1941 = arith.addf %add3A_1933, %get3A_1940 : vector<16xf32>
        %get3A_1942 = arith.constant 1 : i32
        %get3A_1943 = arith.constant 4 : i32
        %get3A_1944 = arith.index_cast %get3A_1942 : i32 to index
        %get3A_1945 = arith.index_cast %get3A_1943 : i32 to index
        %get3A_1946 = arith.constant 96 : index
        %get3A_1947 = tpu.vector_load %arg7[%get3A_1944, %get3A_1945, %get3A_1946] {strides = array<i32>} : memref<2x16x128xf32, #tpu.memory_space<vmem>>, vector<1x1x16xf32>,
        %get3A_1948 = vector.shape_cast %get3A_1947 : vector<1x1x16xf32> to vector<16xf32>
        %add3A_1949 = arith.addf %add3A_1941, %get3A_1948 : vector<16xf32>
        %get3A_1950 = arith.constant 1 : i32
        %get3A_1951 = arith.constant 5 : i32
        %get3A_1952 = arith.index_cast %get3A_1950 : i32 to index
        %get3A_1953 = arith.index_cast %get3A_1951 : i32 to index
        %get3A_1954 = arith.constant 96 : index
        %get3A_1955 = tpu.vector_load %arg7[%get3A_1952, %get3A_1953, %get3A_1954] {strides = array<i32>} : memref<2x16x128xf32, #tpu.memory_space<vmem>>, vector<1x1x16xf32>,
        %get3A_1956 = vector.shape_cast %get3A_1955 : vector<1x1x16xf32> to vector<16xf32>
        %add3A_1957 = arith.addf %add3A_1949, %get3A_1956 : vector<16xf32>
        %get3A_1958 = arith.constant 1 : i32
        %get3A_1959 = arith.constant 6 : i32
        %get3A_1960 = arith.index_cast %get3A_1958 : i32 to index
        %get3A_1961 = arith.index_cast %get3A_1959 : i32 to index
        %get3A_1962 = arith.constant 96 : index
        %get3A_1963 = tpu.vector_load %arg7[%get3A_1960, %get3A_1961, %get3A_1962] {strides = array<i32>} : memref<2x16x128xf32, #tpu.memory_space<vmem>>, vector<1x1x16xf32>,
        %get3A_1964 = vector.shape_cast %get3A_1963 : vector<1x1x16xf32> to vector<16xf32>
        %add3A_1965 = arith.addf %add3A_1957, %get3A_1964 : vector<16xf32>
        %get3A_1966 = arith.constant 1 : i32
        %get3A_1967 = arith.constant 7 : i32
        %get3A_1968 = arith.index_cast %get3A_1966 : i32 to index
        %get3A_1969 = arith.index_cast %get3A_1967 : i32 to index
        %get3A_1970 = arith.constant 96 : index
        %get3A_1971 = tpu.vector_load %arg7[%get3A_1968, %get3A_1969, %get3A_1970] {strides = array<i32>} : memref<2x16x128xf32, #tpu.memory_space<vmem>>, vector<1x1x16xf32>,
        %get3A_1972 = vector.shape_cast %get3A_1971 : vector<1x1x16xf32> to vector<16xf32>
        %add3A_1973 = arith.addf %add3A_1965, %get3A_1972 : vector<16xf32>
        %get3A_1974 = arith.constant 1 : i32
        %get3A_1975 = arith.constant 8 : i32
        %get3A_1976 = arith.index_cast %get3A_1974 : i32 to index
        %get3A_1977 = arith.index_cast %get3A_1975 : i32 to index
        %get3A_1978 = arith.constant 96 : index
        %get3A_1979 = tpu.vector_load %arg7[%get3A_1976, %get3A_1977, %get3A_1978] {strides = array<i32>} : memref<2x16x128xf32, #tpu.memory_space<vmem>>, vector<1x1x16xf32>,
        %get3A_1980 = vector.shape_cast %get3A_1979 : vector<1x1x16xf32> to vector<16xf32>
        %add3A_1981 = arith.addf %add3A_1973, %get3A_1980 : vector<16xf32>
        %get3A_1982 = arith.constant 1 : i32
        %get3A_1983 = arith.constant 9 : i32
        %get3A_1984 = arith.index_cast %get3A_1982 : i32 to index
        %get3A_1985 = arith.index_cast %get3A_1983 : i32 to index
        %get3A_1986 = arith.constant 96 : index
        %get3A_1987 = tpu.vector_load %arg7[%get3A_1984, %get3A_1985, %get3A_1986] {strides = array<i32>} : memref<2x16x128xf32, #tpu.memory_space<vmem>>, vector<1x1x16xf32>,
        %get3A_1988 = vector.shape_cast %get3A_1987 : vector<1x1x16xf32> to vector<16xf32>
        %add3A_1989 = arith.addf %add3A_1981, %get3A_1988 : vector<16xf32>
        %get3A_1990 = arith.constant 1 : i32
        %get3A_1991 = arith.constant 10 : i32
        %get3A_1992 = arith.index_cast %get3A_1990 : i32 to index
        %get3A_1993 = arith.index_cast %get3A_1991 : i32 to index
        %get3A_1994 = arith.constant 96 : index
        %get3A_1995 = tpu.vector_load %arg7[%get3A_1992, %get3A_1993, %get3A_1994] {strides = array<i32>} : memref<2x16x128xf32, #tpu.memory_space<vmem>>, vector<1x1x16xf32>,
        %get3A_1996 = vector.shape_cast %get3A_1995 : vector<1x1x16xf32> to vector<16xf32>
        %add3A_1997 = arith.addf %add3A_1989, %get3A_1996 : vector<16xf32>
        %get3A_1998 = arith.constant 1 : i32
        %get3A_1999 = arith.constant 11 : i32
        %get3A_2000 = arith.index_cast %get3A_1998 : i32 to index
        %get3A_2001 = arith.index_cast %get3A_1999 : i32 to index
        %get3A_2002 = arith.constant 96 : index
        %get3A_2003 = tpu.vector_load %arg7[%get3A_2000, %get3A_2001, %get3A_2002] {strides = array<i32>} : memref<2x16x128xf32, #tpu.memory_space<vmem>>, vector<1x1x16xf32>,
        %get3A_2004 = vector.shape_cast %get3A_2003 : vector<1x1x16xf32> to vector<16xf32>
        %add3A_2005 = arith.addf %add3A_1997, %get3A_2004 : vector<16xf32>
        %get3A_2006 = arith.constant 1 : i32
        %get3A_2007 = arith.constant 12 : i32
        %get3A_2008 = arith.index_cast %get3A_2006 : i32 to index
        %get3A_2009 = arith.index_cast %get3A_2007 : i32 to index
        %get3A_2010 = arith.constant 96 : index
        %get3A_2011 = tpu.vector_load %arg7[%get3A_2008, %get3A_2009, %get3A_2010] {strides = array<i32>} : memref<2x16x128xf32, #tpu.memory_space<vmem>>, vector<1x1x16xf32>,
        %get3A_2012 = vector.shape_cast %get3A_2011 : vector<1x1x16xf32> to vector<16xf32>
        %add3A_2013 = arith.addf %add3A_2005, %get3A_2012 : vector<16xf32>
        %get3A_2014 = arith.constant 1 : i32
        %get3A_2015 = arith.constant 13 : i32
        %get3A_2016 = arith.index_cast %get3A_2014 : i32 to index
        %get3A_2017 = arith.index_cast %get3A_2015 : i32 to index
        %get3A_2018 = arith.constant 96 : index
        %get3A_2019 = tpu.vector_load %arg7[%get3A_2016, %get3A_2017, %get3A_2018] {strides = array<i32>} : memref<2x16x128xf32, #tpu.memory_space<vmem>>, vector<1x1x16xf32>,
        %get3A_2020 = vector.shape_cast %get3A_2019 : vector<1x1x16xf32> to vector<16xf32>
        %add3A_2021 = arith.addf %add3A_2013, %get3A_2020 : vector<16xf32>
        %get3A_2022 = arith.constant 1 : i32
        %get3A_2023 = arith.constant 14 : i32
        %get3A_2024 = arith.index_cast %get3A_2022 : i32 to index
        %get3A_2025 = arith.index_cast %get3A_2023 : i32 to index
        %get3A_2026 = arith.constant 96 : index
        %get3A_2027 = tpu.vector_load %arg7[%get3A_2024, %get3A_2025, %get3A_2026] {strides = array<i32>} : memref<2x16x128xf32, #tpu.memory_space<vmem>>, vector<1x1x16xf32>,
        %get3A_2028 = vector.shape_cast %get3A_2027 : vector<1x1x16xf32> to vector<16xf32>
        %add3A_2029 = arith.addf %add3A_2021, %get3A_2028 : vector<16xf32>
        %get3A_2030 = arith.constant 1 : i32
        %get3A_2031 = arith.constant 15 : i32
        %get3A_2032 = arith.index_cast %get3A_2030 : i32 to index
        %get3A_2033 = arith.index_cast %get3A_2031 : i32 to index
        %get3A_2034 = arith.constant 96 : index
        %get3A_2035 = tpu.vector_load %arg7[%get3A_2032, %get3A_2033, %get3A_2034] {strides = array<i32>} : memref<2x16x128xf32, #tpu.memory_space<vmem>>, vector<1x1x16xf32>,
        %get3A_2036 = vector.shape_cast %get3A_2035 : vector<1x1x16xf32> to vector<16xf32>
        %add3A_2037 = arith.addf %add3A_2029, %get3A_2036 : vector<16xf32>
        %swap3A_2038 = arith.index_cast %add3A_1118 : i32 to index
        %swap3A_2039 = arith.constant 96 : index
        %swap3A_2040 = tpu.vector_load %arg6[%swap3A_2038, %swap3A_2039] {strides = array<i32>} : memref<288x128xf32, #tpu.memory_space<vmem>>, vector<1x16xf32>,
        %swap3A_2041 = vector.shape_cast %swap3A_2040 : vector<1x16xf32> to vector<16xf32>
        %swap3A_2042 = vector.shape_cast %add3A_2037 : vector<16xf32> to vector<1x16xf32>
        tpu.vector_store %arg6[%swap3A_2038, %swap3A_2039], %swap3A_2042 {strides = array<i32>} : memref<288x128xf32, #tpu.memory_space<vmem>>, vector<1x16xf32>,
        %get3A_2043 = arith.constant 1 : i32
        %get3A_2044 = arith.constant 0 : i32
        %get3A_2045 = arith.index_cast %get3A_2043 : i32 to index
        %get3A_2046 = arith.index_cast %get3A_2044 : i32 to index
        %get3A_2047 = arith.constant 112 : index
        %get3A_2048 = tpu.vector_load %arg7[%get3A_2045, %get3A_2046, %get3A_2047] {strides = array<i32>} : memref<2x16x128xf32, #tpu.memory_space<vmem>>, vector<1x1x16xf32>,
        %get3A_2049 = vector.shape_cast %get3A_2048 : vector<1x1x16xf32> to vector<16xf32>
        %get3A_2050 = arith.constant 1 : i32
        %get3A_2051 = arith.constant 1 : i32
        %get3A_2052 = arith.index_cast %get3A_2050 : i32 to index
        %get3A_2053 = arith.index_cast %get3A_2051 : i32 to index
        %get3A_2054 = arith.constant 112 : index
        %get3A_2055 = tpu.vector_load %arg7[%get3A_2052, %get3A_2053, %get3A_2054] {strides = array<i32>} : memref<2x16x128xf32, #tpu.memory_space<vmem>>, vector<1x1x16xf32>,
        %get3A_2056 = vector.shape_cast %get3A_2055 : vector<1x1x16xf32> to vector<16xf32>
        %add3A_2057 = arith.addf %get3A_2049, %get3A_2056 : vector<16xf32>
        %get3A_2058 = arith.constant 1 : i32
        %get3A_2059 = arith.constant 2 : i32
        %get3A_2060 = arith.index_cast %get3A_2058 : i32 to index
        %get3A_2061 = arith.index_cast %get3A_2059 : i32 to index
        %get3A_2062 = arith.constant 112 : index
        %get3A_2063 = tpu.vector_load %arg7[%get3A_2060, %get3A_2061, %get3A_2062] {strides = array<i32>} : memref<2x16x128xf32, #tpu.memory_space<vmem>>, vector<1x1x16xf32>,
        %get3A_2064 = vector.shape_cast %get3A_2063 : vector<1x1x16xf32> to vector<16xf32>
        %add3A_2065 = arith.addf %add3A_2057, %get3A_2064 : vector<16xf32>
        %get3A_2066 = arith.constant 1 : i32
        %get3A_2067 = arith.constant 3 : i32
        %get3A_2068 = arith.index_cast %get3A_2066 : i32 to index
        %get3A_2069 = arith.index_cast %get3A_2067 : i32 to index
        %get3A_2070 = arith.constant 112 : index
        %get3A_2071 = tpu.vector_load %arg7[%get3A_2068, %get3A_2069, %get3A_2070] {strides = array<i32>} : memref<2x16x128xf32, #tpu.memory_space<vmem>>, vector<1x1x16xf32>,
        %get3A_2072 = vector.shape_cast %get3A_2071 : vector<1x1x16xf32> to vector<16xf32>
        %add3A_2073 = arith.addf %add3A_2065, %get3A_2072 : vector<16xf32>
        %get3A_2074 = arith.constant 1 : i32
        %get3A_2075 = arith.constant 4 : i32
        %get3A_2076 = arith.index_cast %get3A_2074 : i32 to index
        %get3A_2077 = arith.index_cast %get3A_2075 : i32 to index
        %get3A_2078 = arith.constant 112 : index
        %get3A_2079 = tpu.vector_load %arg7[%get3A_2076, %get3A_2077, %get3A_2078] {strides = array<i32>} : memref<2x16x128xf32, #tpu.memory_space<vmem>>, vector<1x1x16xf32>,
        %get3A_2080 = vector.shape_cast %get3A_2079 : vector<1x1x16xf32> to vector<16xf32>
        %add3A_2081 = arith.addf %add3A_2073, %get3A_2080 : vector<16xf32>
        %get3A_2082 = arith.constant 1 : i32
        %get3A_2083 = arith.constant 5 : i32
        %get3A_2084 = arith.index_cast %get3A_2082 : i32 to index
        %get3A_2085 = arith.index_cast %get3A_2083 : i32 to index
        %get3A_2086 = arith.constant 112 : index
        %get3A_2087 = tpu.vector_load %arg7[%get3A_2084, %get3A_2085, %get3A_2086] {strides = array<i32>} : memref<2x16x128xf32, #tpu.memory_space<vmem>>, vector<1x1x16xf32>,
        %get3A_2088 = vector.shape_cast %get3A_2087 : vector<1x1x16xf32> to vector<16xf32>
        %add3A_2089 = arith.addf %add3A_2081, %get3A_2088 : vector<16xf32>
        %get3A_2090 = arith.constant 1 : i32
        %get3A_2091 = arith.constant 6 : i32
        %get3A_2092 = arith.index_cast %get3A_2090 : i32 to index
        %get3A_2093 = arith.index_cast %get3A_2091 : i32 to index
        %get3A_2094 = arith.constant 112 : index
        %get3A_2095 = tpu.vector_load %arg7[%get3A_2092, %get3A_2093, %get3A_2094] {strides = array<i32>} : memref<2x16x128xf32, #tpu.memory_space<vmem>>, vector<1x1x16xf32>,
        %get3A_2096 = vector.shape_cast %get3A_2095 : vector<1x1x16xf32> to vector<16xf32>
        %add3A_2097 = arith.addf %add3A_2089, %get3A_2096 : vector<16xf32>
        %get3A_2098 = arith.constant 1 : i32
        %get3A_2099 = arith.constant 7 : i32
        %get3A_2100 = arith.index_cast %get3A_2098 : i32 to index
        %get3A_2101 = arith.index_cast %get3A_2099 : i32 to index
        %get3A_2102 = arith.constant 112 : index
        %get3A_2103 = tpu.vector_load %arg7[%get3A_2100, %get3A_2101, %get3A_2102] {strides = array<i32>} : memref<2x16x128xf32, #tpu.memory_space<vmem>>, vector<1x1x16xf32>,
        %get3A_2104 = vector.shape_cast %get3A_2103 : vector<1x1x16xf32> to vector<16xf32>
        %add3A_2105 = arith.addf %add3A_2097, %get3A_2104 : vector<16xf32>
        %get3A_2106 = arith.constant 1 : i32
        %get3A_2107 = arith.constant 8 : i32
        %get3A_2108 = arith.index_cast %get3A_2106 : i32 to index
        %get3A_2109 = arith.index_cast %get3A_2107 : i32 to index
        %get3A_2110 = arith.constant 112 : index
        %get3A_2111 = tpu.vector_load %arg7[%get3A_2108, %get3A_2109, %get3A_2110] {strides = array<i32>} : memref<2x16x128xf32, #tpu.memory_space<vmem>>, vector<1x1x16xf32>,
        %get3A_2112 = vector.shape_cast %get3A_2111 : vector<1x1x16xf32> to vector<16xf32>
        %add3A_2113 = arith.addf %add3A_2105, %get3A_2112 : vector<16xf32>
        %get3A_2114 = arith.constant 1 : i32
        %get3A_2115 = arith.constant 9 : i32
        %get3A_2116 = arith.index_cast %get3A_2114 : i32 to index
        %get3A_2117 = arith.index_cast %get3A_2115 : i32 to index
        %get3A_2118 = arith.constant 112 : index
        %get3A_2119 = tpu.vector_load %arg7[%get3A_2116, %get3A_2117, %get3A_2118] {strides = array<i32>} : memref<2x16x128xf32, #tpu.memory_space<vmem>>, vector<1x1x16xf32>,
        %get3A_2120 = vector.shape_cast %get3A_2119 : vector<1x1x16xf32> to vector<16xf32>
        %add3A_2121 = arith.addf %add3A_2113, %get3A_2120 : vector<16xf32>
        %get3A_2122 = arith.constant 1 : i32
        %get3A_2123 = arith.constant 10 : i32
        %get3A_2124 = arith.index_cast %get3A_2122 : i32 to index
        %get3A_2125 = arith.index_cast %get3A_2123 : i32 to index
        %get3A_2126 = arith.constant 112 : index
        %get3A_2127 = tpu.vector_load %arg7[%get3A_2124, %get3A_2125, %get3A_2126] {strides = array<i32>} : memref<2x16x128xf32, #tpu.memory_space<vmem>>, vector<1x1x16xf32>,
        %get3A_2128 = vector.shape_cast %get3A_2127 : vector<1x1x16xf32> to vector<16xf32>
        %add3A_2129 = arith.addf %add3A_2121, %get3A_2128 : vector<16xf32>
        %get3A_2130 = arith.constant 1 : i32
        %get3A_2131 = arith.constant 11 : i32
        %get3A_2132 = arith.index_cast %get3A_2130 : i32 to index
        %get3A_2133 = arith.index_cast %get3A_2131 : i32 to index
        %get3A_2134 = arith.constant 112 : index
        %get3A_2135 = tpu.vector_load %arg7[%get3A_2132, %get3A_2133, %get3A_2134] {strides = array<i32>} : memref<2x16x128xf32, #tpu.memory_space<vmem>>, vector<1x1x16xf32>,
        %get3A_2136 = vector.shape_cast %get3A_2135 : vector<1x1x16xf32> to vector<16xf32>
        %add3A_2137 = arith.addf %add3A_2129, %get3A_2136 : vector<16xf32>
        %get3A_2138 = arith.constant 1 : i32
        %get3A_2139 = arith.constant 12 : i32
        %get3A_2140 = arith.index_cast %get3A_2138 : i32 to index
        %get3A_2141 = arith.index_cast %get3A_2139 : i32 to index
        %get3A_2142 = arith.constant 112 : index
        %get3A_2143 = tpu.vector_load %arg7[%get3A_2140, %get3A_2141, %get3A_2142] {strides = array<i32>} : memref<2x16x128xf32, #tpu.memory_space<vmem>>, vector<1x1x16xf32>,
        %get3A_2144 = vector.shape_cast %get3A_2143 : vector<1x1x16xf32> to vector<16xf32>
        %add3A_2145 = arith.addf %add3A_2137, %get3A_2144 : vector<16xf32>
        %get3A_2146 = arith.constant 1 : i32
        %get3A_2147 = arith.constant 13 : i32
        %get3A_2148 = arith.index_cast %get3A_2146 : i32 to index
        %get3A_2149 = arith.index_cast %get3A_2147 : i32 to index
        %get3A_2150 = arith.constant 112 : index
        %get3A_2151 = tpu.vector_load %arg7[%get3A_2148, %get3A_2149, %get3A_2150] {strides = array<i32>} : memref<2x16x128xf32, #tpu.memory_space<vmem>>, vector<1x1x16xf32>,
        %get3A_2152 = vector.shape_cast %get3A_2151 : vector<1x1x16xf32> to vector<16xf32>
        %add3A_2153 = arith.addf %add3A_2145, %get3A_2152 : vector<16xf32>
        %get3A_2154 = arith.constant 1 : i32
        %get3A_2155 = arith.constant 14 : i32
        %get3A_2156 = arith.index_cast %get3A_2154 : i32 to index
        %get3A_2157 = arith.index_cast %get3A_2155 : i32 to index
        %get3A_2158 = arith.constant 112 : index
        %get3A_2159 = tpu.vector_load %arg7[%get3A_2156, %get3A_2157, %get3A_2158] {strides = array<i32>} : memref<2x16x128xf32, #tpu.memory_space<vmem>>, vector<1x1x16xf32>,
        %get3A_2160 = vector.shape_cast %get3A_2159 : vector<1x1x16xf32> to vector<16xf32>
        %add3A_2161 = arith.addf %add3A_2153, %get3A_2160 : vector<16xf32>
        %get3A_2162 = arith.constant 1 : i32
        %get3A_2163 = arith.constant 15 : i32
        %get3A_2164 = arith.index_cast %get3A_2162 : i32 to index
        %get3A_2165 = arith.index_cast %get3A_2163 : i32 to index
        %get3A_2166 = arith.constant 112 : index
        %get3A_2167 = tpu.vector_load %arg7[%get3A_2164, %get3A_2165, %get3A_2166] {strides = array<i32>} : memref<2x16x128xf32, #tpu.memory_space<vmem>>, vector<1x1x16xf32>,
        %get3A_2168 = vector.shape_cast %get3A_2167 : vector<1x1x16xf32> to vector<16xf32>
        %add3A_2169 = arith.addf %add3A_2161, %get3A_2168 : vector<16xf32>
        %swap3A_2170 = arith.index_cast %add3A_1118 : i32 to index
        %swap3A_2171 = arith.constant 112 : index
        %swap3A_2172 = tpu.vector_load %arg6[%swap3A_2170, %swap3A_2171] {strides = array<i32>} : memref<288x128xf32, #tpu.memory_space<vmem>>, vector<1x16xf32>,
        %swap3A_2173 = vector.shape_cast %swap3A_2172 : vector<1x16xf32> to vector<16xf32>
        %swap3A_2174 = vector.shape_cast %add3A_2169 : vector<16xf32> to vector<1x16xf32>
        tpu.vector_store %arg6[%swap3A_2170, %swap3A_2171], %swap3A_2174 {strides = array<i32>} : memref<288x128xf32, #tpu.memory_space<vmem>>, vector<1x16xf32>,
      } else {
      }
    }
    %scan3A_18 = arith.constant 144 : i32
    "tpu.region"() ({
      %run_scoped3A = tpu.sem_alloc : memref<!tpu.dma_semaphore, #tpu.memory_space<semaphore_mem>>
      %dma_start3A_19 = arith.constant 0 : i32
      %dma_start3A_20 = tpu.memref_slice %arg4[%mul3A_2, %dma_start3A_19] : memref<9216x128xf32, #tpu.memory_space<hbm>> -> memref<288x128xf32, #tpu.memory_space<hbm>>
      %dma_start3A_21 = arith.constant 0 : i32
      %dma_start3A_22 = tpu.memref_slice %arg4[%mul3A_2, %dma_start3A_21] : memref<9216x128xf32, #tpu.memory_space<hbm>> -> memref<288x128xf32, #tpu.memory_space<hbm>>
      tpu.enqueue_dma source(%arg6 : memref<288x128xf32, #tpu.memory_space<vmem>>) target(%dma_start3A_22 : memref<288x128xf32, #tpu.memory_space<hbm>>) target_semaphore(%run_scoped3A : memref<!tpu.dma_semaphore, #tpu.memory_space<semaphore_mem>>)
      %dma_wait3A = arith.constant 0 : i32
      %dma_wait3A_23 = tpu.memref_slice %arg4[%mul3A_2, %dma_wait3A] : memref<9216x128xf32, #tpu.memory_space<hbm>> -> memref<288x128xf32, #tpu.memory_space<hbm>>
      %dma_wait3A_24 = arith.constant 0 : i32
      %dma_wait3A_25 = tpu.memref_slice %arg4[%mul3A_2, %dma_wait3A_24] : memref<9216x128xf32, #tpu.memory_space<hbm>> -> memref<288x128xf32, #tpu.memory_space<hbm>>
      tpu.wait_dma2 semaphore(%run_scoped3A : memref<!tpu.dma_semaphore, #tpu.memory_space<semaphore_mem>>) src(%arg6 : memref<288x128xf32, #tpu.memory_space<vmem>>) dst(%dma_wait3A_25 : memref<288x128xf32, #tpu.memory_space<hbm>>)
      tpu.yield
    }) : () -> ()
    return
  }
}

module attributes {stable_mosaic.version = 14 : i64} {
  func.func @_scale_kernel(%arg0: i32, %arg1: memref<1x1x2304xf32, #tpu.memory_space<vmem>>, %arg2: memref<1x1x2304xf32, #tpu.memory_space<vmem>>, %arg3: memref<1x128x2304xf32, #tpu.memory_space<vmem>>, %arg4: memref<1x1x2304xf32, #tpu.memory_space<vmem>>, %arg5: memref<1x128x2304xf32, #tpu.memory_space<vmem>>) attributes {dimension_semantics = [#tpu.dimension_semantics<arbitrary>], iteration_bounds = array<i64: 4>, scalar_prefetch = 0 : i64, scratch_operands = 0 : i64, tpu.core_type = #tpu.core_type<tc>, window_params = [{transform_indices = @transform_0, window_bounds = array<i64: 1, 1, 2304>}, {transform_indices = @transform_1, window_bounds = array<i64: 1, 1, 2304>}, {transform_indices = @transform_2, window_bounds = array<i64: 1, 128, 2304>}, {transform_indices = @transform_3, window_bounds = array<i64: 1, 1, 2304>}, {transform_indices = @transform_4, window_bounds = array<i64: 1, 128, 2304>}]} {
    %get3A = arith.constant 0 : index
    %get3A_0 = arith.constant 0 : index
    %get3A_1 = arith.constant 0 : index
    %get3A_2 = vector.load %arg1[%get3A, %get3A_0, %get3A_1] : memref<1x1x2304xf32, #tpu.memory_space<vmem>>, vector<1x1x2304xf32>
    %get3A_3 = arith.constant 0 : index
    %get3A_4 = arith.constant 0 : index
    %get3A_5 = arith.constant 0 : index
    %get3A_6 = vector.load %arg2[%get3A_3, %get3A_4, %get3A_5] : memref<1x1x2304xf32, #tpu.memory_space<vmem>>, vector<1x1x2304xf32>
    %sub3A = arith.subf %get3A_2, %get3A_6 : vector<1x1x2304xf32>
    %gt3A = arith.constant 0.000000e+00 : f32
    %gt3A_7 = vector.broadcast %gt3A : f32 to vector<1x1x2304xf32>
    %gt3A_8 = arith.cmpf ogt, %sub3A, %gt3A_7 : vector<1x1x2304xf32>
    %jit3A = arith.constant 1.000000e+00 : f32
    %broadcast_in_dim3A = vector.broadcast %jit3A : f32 to vector<1x1x2304xf32>
    %select_n3A = arith.select %gt3A_8, %sub3A, %broadcast_in_dim3A : vector<1x1x2304xi1>, vector<1x1x2304xf32>
    %gt3A_9 = arith.constant 0.000000e+00 : f32
    %gt3A_10 = vector.broadcast %gt3A_9 : f32 to vector<1x1x2304xf32>
    %gt3A_11 = arith.cmpf ogt, %sub3A, %gt3A_10 : vector<1x1x2304xf32>
    %sqrt3A = math.sqrt %select_n3A : vector<1x1x2304xf32>
    %div3A = arith.constant 1.000000e+00 : f32
    %div3A_12 = vector.broadcast %div3A : f32 to vector<1x1x2304xf32>
    %div3A_13 = arith.divf %div3A_12, %sqrt3A : vector<1x1x2304xf32>
    %jit3A_14 = arith.constant 0.000000e+00 : f32
    %broadcast_in_dim3A_15 = vector.broadcast %jit3A_14 : f32 to vector<1x1x2304xf32>
    %select_n3A_16 = arith.select %gt3A_11, %div3A_13, %broadcast_in_dim3A_15 : vector<1x1x2304xi1>, vector<1x1x2304xf32>
    %swap3A = arith.constant 0 : index
    %swap3A_17 = arith.constant 0 : index
    %swap3A_18 = arith.constant 0 : index
    %swap3A_19 = vector.load %arg4[%swap3A, %swap3A_17, %swap3A_18] : memref<1x1x2304xf32, #tpu.memory_space<vmem>>, vector<1x1x2304xf32>
    tpu.vector_store %arg4[%swap3A, %swap3A_17, %swap3A_18], %select_n3A_16 {strides = array<i32>} : memref<1x1x2304xf32, #tpu.memory_space<vmem>>, vector<1x1x2304xf32>,
    %get3A_20 = arith.constant 0 : index
    %get3A_21 = arith.constant 0 : index
    %get3A_22 = arith.constant 0 : index
    %get3A_23 = vector.load %arg3[%get3A_20, %get3A_21, %get3A_22] : memref<1x128x2304xf32, #tpu.memory_space<vmem>>, vector<1x128x2304xf32>
    %get3A_24 = vector.shape_cast %get3A_23 : vector<1x128x2304xf32> to vector<128x2304xf32>
    %squeeze3A = vector.shape_cast %select_n3A_16 : vector<1x1x2304xf32> to vector<1x2304xf32>
    %mul3A = vector.broadcast %squeeze3A : vector<1x2304xf32> to vector<128x2304xf32>
    %mul3A_25 = arith.mulf %get3A_24, %mul3A : vector<128x2304xf32>
    %swap3A_26 = arith.constant 0 : index
    %swap3A_27 = arith.constant 0 : index
    %swap3A_28 = arith.constant 0 : index
    %swap3A_29 = vector.load %arg5[%swap3A_26, %swap3A_27, %swap3A_28] : memref<1x128x2304xf32, #tpu.memory_space<vmem>>, vector<1x128x2304xf32>
    %swap3A_30 = vector.shape_cast %swap3A_29 : vector<1x128x2304xf32> to vector<128x2304xf32>
    %swap3A_31 = vector.shape_cast %mul3A_25 : vector<128x2304xf32> to vector<1x128x2304xf32>
    tpu.vector_store %arg5[%swap3A_26, %swap3A_27, %swap3A_28], %swap3A_31 {strides = array<i32>} : memref<1x128x2304xf32, #tpu.memory_space<vmem>>, vector<1x128x2304xf32>,
    return
  }
  func.func @transform_0(%arg0: i32) -> (i32, i32, i32) {
    %c0_i32 = arith.constant 0 : i32
    %c0_i32_0 = arith.constant 0 : i32
    %c0_i32_1 = arith.constant 0 : i32
    return %arg0, %c0_i32, %c0_i32_0 : i32, i32, i32
  }
  func.func @transform_1(%arg0: i32) -> (i32, i32, i32) {
    %c0_i32 = arith.constant 0 : i32
    %c0_i32_0 = arith.constant 0 : i32
    %c0_i32_1 = arith.constant 0 : i32
    return %arg0, %c0_i32, %c0_i32_0 : i32, i32, i32
  }
  func.func @transform_2(%arg0: i32) -> (i32, i32, i32) {
    %c0_i32 = arith.constant 0 : i32
    %c0_i32_0 = arith.constant 0 : i32
    %c0_i32_1 = arith.constant 0 : i32
    return %arg0, %c0_i32, %c0_i32_0 : i32, i32, i32
  }
  func.func @transform_3(%arg0: i32) -> (i32, i32, i32) {
    %c0_i32 = arith.constant 0 : i32
    %c0_i32_0 = arith.constant 0 : i32
    %c0_i32_1 = arith.constant 0 : i32
    return %arg0, %c0_i32, %c0_i32_0 : i32, i32, i32
  }
  func.func @transform_4(%arg0: i32) -> (i32, i32, i32) {
    %c0_i32 = arith.constant 0 : i32
    %c0_i32_0 = arith.constant 0 : i32
    %c0_i32_1 = arith.constant 0 : i32
    return %arg0, %c0_i32, %c0_i32_0 : i32, i32, i32
  }
}

module attributes {stable_mosaic.version = 14 : i64} {
  func.func @_knn_kernel(%arg0: i32, %arg1: i32, %arg2: memref<1x128x128xf32, #tpu.memory_space<vmem>>, %arg3: memref<1x128x2304xf32, #tpu.memory_space<vmem>>, %arg4: memref<128x128xi32, #tpu.memory_space<vmem>>, %arg5: memref<1x1x2304xf32, #tpu.memory_space<vmem>>, %arg6: memref<1x1x2304xf32, #tpu.memory_space<vmem>>) attributes {dimension_semantics = [#tpu.dimension_semantics<arbitrary>, #tpu.dimension_semantics<arbitrary>], iteration_bounds = array<i64: 4, 18>, scalar_prefetch = 0 : i64, scratch_operands = 0 : i64, tpu.core_type = #tpu.core_type<tc>, window_params = [{transform_indices = @transform_0, window_bounds = array<i64: 1, 128, 128>}, {transform_indices = @transform_1, window_bounds = array<i64: 1, 128, 2304>}, {transform_indices = @transform_2, window_bounds = array<i64: 128, 128>}, {transform_indices = @transform_3, window_bounds = array<i64: 1, 1, 2304>}, {transform_indices = @transform_4, window_bounds = array<i64: 1, 1, 2304>}]} {
    %get3A = arith.constant 0 : index
    %get3A_0 = arith.constant 0 : index
    %get3A_1 = arith.constant 0 : index
    %get3A_2 = vector.load %arg2[%get3A, %get3A_0, %get3A_1] : memref<1x128x128xf32, #tpu.memory_space<vmem>>, vector<1x128x128xf32>
    %get3A_3 = vector.shape_cast %get3A_2 : vector<1x128x128xf32> to vector<128x128xf32>
    %get3A_4 = arith.constant 0 : index
    %get3A_5 = arith.constant 0 : index
    %get3A_6 = arith.constant 0 : index
    %get3A_7 = vector.load %arg3[%get3A_4, %get3A_5, %get3A_6] : memref<1x128x2304xf32, #tpu.memory_space<vmem>>, vector<1x128x2304xf32>
    %get3A_8 = vector.shape_cast %get3A_7 : vector<1x128x2304xf32> to vector<128x2304xf32>
    %mul3A = arith.mulf %get3A_8, %get3A_8 : vector<128x2304xf32>
    %reduce_sum3A = arith.constant dense<0.000000e+00> : vector<2304xf32>
    %reduce_sum3A_9 = vector.multi_reduction <add>, %mul3A, %reduce_sum3A [0] : vector<128x2304xf32> to vector<2304xf32>
    %broadcast_in_dim3A = vector.shape_cast %reduce_sum3A_9 : vector<2304xf32> to vector<1x2304xf32>
    %dot_general3A = arith.constant dense<0.000000e+00> : vector<128x2304xf32>
    %dot_general3A_10 = tpu.matmul %get3A_3, %get3A_8, %dot_general3A {dimension_numbers = #tpu.dot_dimension_numbers<[1], [0], [0], [1], [0, 0, 1, 1], [], []>, transpose_lhs_hint = false} : vector<128x128xf32>, vector<128x2304xf32>, vector<128x2304xf32> -> vector<128x2304xf32>
    %mul3A_11 = arith.constant 2.000000e+00 : f32
    %mul3A_12 = vector.broadcast %mul3A_11 : f32 to vector<128x2304xf32>
    %mul3A_13 = arith.mulf %mul3A_12, %dot_general3A_10 : vector<128x2304xf32>
    %sub3A = vector.broadcast %broadcast_in_dim3A : vector<1x2304xf32> to vector<128x2304xf32>
    %sub3A_14 = arith.subf %sub3A, %mul3A_13 : vector<128x2304xf32>
    %iota3A = tpu.iota {dimensions = array<i32: 1>} : vector<128x2304xi32>
    %convert_element_type3A = arith.sitofp %iota3A : vector<128x2304xi32> to vector<128x2304xf32>
    %eq3A = arith.constant 3 : i32
    %eq3A_15 = arith.cmpi eq, %arg0, %eq3A : i32
    %jit3A = arith.constant 2.303000e+03 : f32
    %jit3A_16 = arith.constant 2.304000e+03 : f32
    %select_n3A = arith.select %eq3A_15, %jit3A, %jit3A_16 : f32
    %lt3A = vector.broadcast %select_n3A : f32 to vector<128x2304xf32>
    %lt3A_17 = arith.cmpf olt, %convert_element_type3A, %lt3A : vector<128x2304xf32>
    %jit3A_18 = arith.constant 1.000000e+30 : f32
    %broadcast_in_dim3A_19 = vector.broadcast %jit3A_18 : f32 to vector<128x2304xf32>
    %select_n3A_20 = arith.select %lt3A_17, %sub3A_14, %broadcast_in_dim3A_19 : vector<128x2304xi1>, vector<128x2304xf32>
    %iota3A_21 = tpu.iota {dimensions = array<i32: 1>} : vector<128x128xi32>
    %convert_element_type3A_22 = arith.sitofp %iota3A_21 : vector<128x128xi32> to vector<128x128xf32>
    %broadcast_in_dim3A_23 = arith.constant 1.000000e+30 : f32
    %broadcast_in_dim3A_24 = vector.broadcast %broadcast_in_dim3A_23 : f32 to vector<128x128xf32>
    %broadcast_in_dim3A_25 = arith.constant 0.000000e+00 : f32
    %broadcast_in_dim3A_26 = vector.broadcast %broadcast_in_dim3A_25 : f32 to vector<128x128xf32>
    %slice3A = vector.extract_strided_slice %select_n3A_20 {offsets = [0, 0], sizes = [128, 128], strides = [1, 1]} : vector<128x2304xf32> to vector<128x128xf32>
    %lt3A_27 = arith.cmpf olt, %slice3A, %broadcast_in_dim3A_24 : vector<128x128xf32>
    %select_n3A_28 = arith.select %lt3A_27, %broadcast_in_dim3A_24, %slice3A : vector<128x128xi1>, vector<128x128xf32>
    %jit3A_29 = arith.constant 0.000000e+00 : f32
    %broadcast_in_dim3A_30 = vector.broadcast %jit3A_29 : f32 to vector<128x128xf32>
    %select_n3A_31 = arith.select %lt3A_27, %broadcast_in_dim3A_26, %broadcast_in_dim3A_30 : vector<128x128xi1>, vector<128x128xf32>
    %select_n3A_32 = arith.select %lt3A_27, %slice3A, %broadcast_in_dim3A_24 : vector<128x128xi1>, vector<128x128xf32>
    %jit3A_33 = arith.constant 0.000000e+00 : f32
    %broadcast_in_dim3A_34 = vector.broadcast %jit3A_33 : f32 to vector<128x128xf32>
    %select_n3A_35 = arith.select %lt3A_27, %broadcast_in_dim3A_34, %broadcast_in_dim3A_26 : vector<128x128xi1>, vector<128x128xf32>
    %lt3A_36 = arith.cmpf olt, %select_n3A_28, %broadcast_in_dim3A_24 : vector<128x128xf32>
    %select_n3A_37 = arith.select %lt3A_36, %broadcast_in_dim3A_24, %select_n3A_28 : vector<128x128xi1>, vector<128x128xf32>
    %select_n3A_38 = arith.select %lt3A_36, %broadcast_in_dim3A_26, %select_n3A_31 : vector<128x128xi1>, vector<128x128xf32>
    %select_n3A_39 = arith.select %lt3A_36, %select_n3A_28, %broadcast_in_dim3A_24 : vector<128x128xi1>, vector<128x128xf32>
    %select_n3A_40 = arith.select %lt3A_36, %select_n3A_31, %broadcast_in_dim3A_26 : vector<128x128xi1>, vector<128x128xf32>
    %lt3A_41 = arith.cmpf olt, %select_n3A_37, %broadcast_in_dim3A_24 : vector<128x128xf32>
    %select_n3A_42 = arith.select %lt3A_41, %broadcast_in_dim3A_24, %select_n3A_37 : vector<128x128xi1>, vector<128x128xf32>
    %select_n3A_43 = arith.select %lt3A_41, %broadcast_in_dim3A_26, %select_n3A_38 : vector<128x128xi1>, vector<128x128xf32>
    %select_n3A_44 = arith.select %lt3A_41, %select_n3A_37, %broadcast_in_dim3A_24 : vector<128x128xi1>, vector<128x128xf32>
    %select_n3A_45 = arith.select %lt3A_41, %select_n3A_38, %broadcast_in_dim3A_26 : vector<128x128xi1>, vector<128x128xf32>
    %lt3A_46 = arith.cmpf olt, %select_n3A_42, %broadcast_in_dim3A_24 : vector<128x128xf32>
    %select_n3A_47 = arith.select %lt3A_46, %select_n3A_42, %broadcast_in_dim3A_24 : vector<128x128xi1>, vector<128x128xf32>
    %select_n3A_48 = arith.select %lt3A_46, %select_n3A_43, %broadcast_in_dim3A_26 : vector<128x128xi1>, vector<128x128xf32>
    %slice3A_49 = vector.extract_strided_slice %select_n3A_20 {offsets = [0, 128], sizes = [128, 128], strides = [1, 1]} : vector<128x2304xf32> to vector<128x128xf32>
    %lt3A_50 = arith.cmpf olt, %slice3A_49, %select_n3A_32 : vector<128x128xf32>
    %select_n3A_51 = arith.select %lt3A_50, %select_n3A_32, %slice3A_49 : vector<128x128xi1>, vector<128x128xf32>
    %jit3A_52 = arith.constant 1.000000e+00 : f32
    %broadcast_in_dim3A_53 = vector.broadcast %jit3A_52 : f32 to vector<128x128xf32>
    %select_n3A_54 = arith.select %lt3A_50, %select_n3A_35, %broadcast_in_dim3A_53 : vector<128x128xi1>, vector<128x128xf32>
    %select_n3A_55 = arith.select %lt3A_50, %slice3A_49, %select_n3A_32 : vector<128x128xi1>, vector<128x128xf32>
    %jit3A_56 = arith.constant 1.000000e+00 : f32
    %broadcast_in_dim3A_57 = vector.broadcast %jit3A_56 : f32 to vector<128x128xf32>
    %select_n3A_58 = arith.select %lt3A_50, %broadcast_in_dim3A_57, %select_n3A_35 : vector<128x128xi1>, vector<128x128xf32>
    %lt3A_59 = arith.cmpf olt, %select_n3A_51, %select_n3A_39 : vector<128x128xf32>
    %select_n3A_60 = arith.select %lt3A_59, %select_n3A_39, %select_n3A_51 : vector<128x128xi1>, vector<128x128xf32>
    %select_n3A_61 = arith.select %lt3A_59, %select_n3A_40, %select_n3A_54 : vector<128x128xi1>, vector<128x128xf32>
    %select_n3A_62 = arith.select %lt3A_59, %select_n3A_51, %select_n3A_39 : vector<128x128xi1>, vector<128x128xf32>
    %select_n3A_63 = arith.select %lt3A_59, %select_n3A_54, %select_n3A_40 : vector<128x128xi1>, vector<128x128xf32>
    %lt3A_64 = arith.cmpf olt, %select_n3A_60, %select_n3A_44 : vector<128x128xf32>
    %select_n3A_65 = arith.select %lt3A_64, %select_n3A_44, %select_n3A_60 : vector<128x128xi1>, vector<128x128xf32>
    %select_n3A_66 = arith.select %lt3A_64, %select_n3A_45, %select_n3A_61 : vector<128x128xi1>, vector<128x128xf32>
    %select_n3A_67 = arith.select %lt3A_64, %select_n3A_60, %select_n3A_44 : vector<128x128xi1>, vector<128x128xf32>
    %select_n3A_68 = arith.select %lt3A_64, %select_n3A_61, %select_n3A_45 : vector<128x128xi1>, vector<128x128xf32>
    %lt3A_69 = arith.cmpf olt, %select_n3A_65, %select_n3A_47 : vector<128x128xf32>
    %select_n3A_70 = arith.select %lt3A_69, %select_n3A_65, %select_n3A_47 : vector<128x128xi1>, vector<128x128xf32>
    %select_n3A_71 = arith.select %lt3A_69, %select_n3A_66, %select_n3A_48 : vector<128x128xi1>, vector<128x128xf32>
    %slice3A_72 = vector.extract_strided_slice %select_n3A_20 {offsets = [0, 256], sizes = [128, 128], strides = [1, 1]} : vector<128x2304xf32> to vector<128x128xf32>
    %lt3A_73 = arith.cmpf olt, %slice3A_72, %select_n3A_55 : vector<128x128xf32>
    %select_n3A_74 = arith.select %lt3A_73, %select_n3A_55, %slice3A_72 : vector<128x128xi1>, vector<128x128xf32>
    %jit3A_75 = arith.constant 2.000000e+00 : f32
    %broadcast_in_dim3A_76 = vector.broadcast %jit3A_75 : f32 to vector<128x128xf32>
    %select_n3A_77 = arith.select %lt3A_73, %select_n3A_58, %broadcast_in_dim3A_76 : vector<128x128xi1>, vector<128x128xf32>
    %select_n3A_78 = arith.select %lt3A_73, %slice3A_72, %select_n3A_55 : vector<128x128xi1>, vector<128x128xf32>
    %jit3A_79 = arith.constant 2.000000e+00 : f32
    %broadcast_in_dim3A_80 = vector.broadcast %jit3A_79 : f32 to vector<128x128xf32>
    %select_n3A_81 = arith.select %lt3A_73, %broadcast_in_dim3A_80, %select_n3A_58 : vector<128x128xi1>, vector<128x128xf32>
    %lt3A_82 = arith.cmpf olt, %select_n3A_74, %select_n3A_62 : vector<128x128xf32>
    %select_n3A_83 = arith.select %lt3A_82, %select_n3A_62, %select_n3A_74 : vector<128x128xi1>, vector<128x128xf32>
    %select_n3A_84 = arith.select %lt3A_82, %select_n3A_63, %select_n3A_77 : vector<128x128xi1>, vector<128x128xf32>
    %select_n3A_85 = arith.select %lt3A_82, %select_n3A_74, %select_n3A_62 : vector<128x128xi1>, vector<128x128xf32>
    %select_n3A_86 = arith.select %lt3A_82, %select_n3A_77, %select_n3A_63 : vector<128x128xi1>, vector<128x128xf32>
    %lt3A_87 = arith.cmpf olt, %select_n3A_83, %select_n3A_67 : vector<128x128xf32>
    %select_n3A_88 = arith.select %lt3A_87, %select_n3A_67, %select_n3A_83 : vector<128x128xi1>, vector<128x128xf32>
    %select_n3A_89 = arith.select %lt3A_87, %select_n3A_68, %select_n3A_84 : vector<128x128xi1>, vector<128x128xf32>
    %select_n3A_90 = arith.select %lt3A_87, %select_n3A_83, %select_n3A_67 : vector<128x128xi1>, vector<128x128xf32>
    %select_n3A_91 = arith.select %lt3A_87, %select_n3A_84, %select_n3A_68 : vector<128x128xi1>, vector<128x128xf32>
    %lt3A_92 = arith.cmpf olt, %select_n3A_88, %select_n3A_70 : vector<128x128xf32>
    %select_n3A_93 = arith.select %lt3A_92, %select_n3A_88, %select_n3A_70 : vector<128x128xi1>, vector<128x128xf32>
    %select_n3A_94 = arith.select %lt3A_92, %select_n3A_89, %select_n3A_71 : vector<128x128xi1>, vector<128x128xf32>
    %slice3A_95 = vector.extract_strided_slice %select_n3A_20 {offsets = [0, 384], sizes = [128, 128], strides = [1, 1]} : vector<128x2304xf32> to vector<128x128xf32>
    %lt3A_96 = arith.cmpf olt, %slice3A_95, %select_n3A_78 : vector<128x128xf32>
    %select_n3A_97 = arith.select %lt3A_96, %select_n3A_78, %slice3A_95 : vector<128x128xi1>, vector<128x128xf32>
    %jit3A_98 = arith.constant 3.000000e+00 : f32
    %broadcast_in_dim3A_99 = vector.broadcast %jit3A_98 : f32 to vector<128x128xf32>
    %select_n3A_100 = arith.select %lt3A_96, %select_n3A_81, %broadcast_in_dim3A_99 : vector<128x128xi1>, vector<128x128xf32>
    %select_n3A_101 = arith.select %lt3A_96, %slice3A_95, %select_n3A_78 : vector<128x128xi1>, vector<128x128xf32>
    %jit3A_102 = arith.constant 3.000000e+00 : f32
    %broadcast_in_dim3A_103 = vector.broadcast %jit3A_102 : f32 to vector<128x128xf32>
    %select_n3A_104 = arith.select %lt3A_96, %broadcast_in_dim3A_103, %select_n3A_81 : vector<128x128xi1>, vector<128x128xf32>
    %lt3A_105 = arith.cmpf olt, %select_n3A_97, %select_n3A_85 : vector<128x128xf32>
    %select_n3A_106 = arith.select %lt3A_105, %select_n3A_85, %select_n3A_97 : vector<128x128xi1>, vector<128x128xf32>
    %select_n3A_107 = arith.select %lt3A_105, %select_n3A_86, %select_n3A_100 : vector<128x128xi1>, vector<128x128xf32>
    %select_n3A_108 = arith.select %lt3A_105, %select_n3A_97, %select_n3A_85 : vector<128x128xi1>, vector<128x128xf32>
    %select_n3A_109 = arith.select %lt3A_105, %select_n3A_100, %select_n3A_86 : vector<128x128xi1>, vector<128x128xf32>
    %lt3A_110 = arith.cmpf olt, %select_n3A_106, %select_n3A_90 : vector<128x128xf32>
    %select_n3A_111 = arith.select %lt3A_110, %select_n3A_90, %select_n3A_106 : vector<128x128xi1>, vector<128x128xf32>
    %select_n3A_112 = arith.select %lt3A_110, %select_n3A_91, %select_n3A_107 : vector<128x128xi1>, vector<128x128xf32>
    %select_n3A_113 = arith.select %lt3A_110, %select_n3A_106, %select_n3A_90 : vector<128x128xi1>, vector<128x128xf32>
    %select_n3A_114 = arith.select %lt3A_110, %select_n3A_107, %select_n3A_91 : vector<128x128xi1>, vector<128x128xf32>
    %lt3A_115 = arith.cmpf olt, %select_n3A_111, %select_n3A_93 : vector<128x128xf32>
    %select_n3A_116 = arith.select %lt3A_115, %select_n3A_111, %select_n3A_93 : vector<128x128xi1>, vector<128x128xf32>
    %select_n3A_117 = arith.select %lt3A_115, %select_n3A_112, %select_n3A_94 : vector<128x128xi1>, vector<128x128xf32>
    %slice3A_118 = vector.extract_strided_slice %select_n3A_20 {offsets = [0, 512], sizes = [128, 128], strides = [1, 1]} : vector<128x2304xf32> to vector<128x128xf32>
    %lt3A_119 = arith.cmpf olt, %slice3A_118, %select_n3A_101 : vector<128x128xf32>
    %select_n3A_120 = arith.select %lt3A_119, %select_n3A_101, %slice3A_118 : vector<128x128xi1>, vector<128x128xf32>
    %jit3A_121 = arith.constant 4.000000e+00 : f32
    %broadcast_in_dim3A_122 = vector.broadcast %jit3A_121 : f32 to vector<128x128xf32>
    %select_n3A_123 = arith.select %lt3A_119, %select_n3A_104, %broadcast_in_dim3A_122 : vector<128x128xi1>, vector<128x128xf32>
    %select_n3A_124 = arith.select %lt3A_119, %slice3A_118, %select_n3A_101 : vector<128x128xi1>, vector<128x128xf32>
    %jit3A_125 = arith.constant 4.000000e+00 : f32
    %broadcast_in_dim3A_126 = vector.broadcast %jit3A_125 : f32 to vector<128x128xf32>
    %select_n3A_127 = arith.select %lt3A_119, %broadcast_in_dim3A_126, %select_n3A_104 : vector<128x128xi1>, vector<128x128xf32>
    %lt3A_128 = arith.cmpf olt, %select_n3A_120, %select_n3A_108 : vector<128x128xf32>
    %select_n3A_129 = arith.select %lt3A_128, %select_n3A_108, %select_n3A_120 : vector<128x128xi1>, vector<128x128xf32>
    %select_n3A_130 = arith.select %lt3A_128, %select_n3A_109, %select_n3A_123 : vector<128x128xi1>, vector<128x128xf32>
    %select_n3A_131 = arith.select %lt3A_128, %select_n3A_120, %select_n3A_108 : vector<128x128xi1>, vector<128x128xf32>
    %select_n3A_132 = arith.select %lt3A_128, %select_n3A_123, %select_n3A_109 : vector<128x128xi1>, vector<128x128xf32>
    %lt3A_133 = arith.cmpf olt, %select_n3A_129, %select_n3A_113 : vector<128x128xf32>
    %select_n3A_134 = arith.select %lt3A_133, %select_n3A_113, %select_n3A_129 : vector<128x128xi1>, vector<128x128xf32>
    %select_n3A_135 = arith.select %lt3A_133, %select_n3A_114, %select_n3A_130 : vector<128x128xi1>, vector<128x128xf32>
    %select_n3A_136 = arith.select %lt3A_133, %select_n3A_129, %select_n3A_113 : vector<128x128xi1>, vector<128x128xf32>
    %select_n3A_137 = arith.select %lt3A_133, %select_n3A_130, %select_n3A_114 : vector<128x128xi1>, vector<128x128xf32>
    %lt3A_138 = arith.cmpf olt, %select_n3A_134, %select_n3A_116 : vector<128x128xf32>
    %select_n3A_139 = arith.select %lt3A_138, %select_n3A_134, %select_n3A_116 : vector<128x128xi1>, vector<128x128xf32>
    %select_n3A_140 = arith.select %lt3A_138, %select_n3A_135, %select_n3A_117 : vector<128x128xi1>, vector<128x128xf32>
    %slice3A_141 = vector.extract_strided_slice %select_n3A_20 {offsets = [0, 640], sizes = [128, 128], strides = [1, 1]} : vector<128x2304xf32> to vector<128x128xf32>
    %lt3A_142 = arith.cmpf olt, %slice3A_141, %select_n3A_124 : vector<128x128xf32>
    %select_n3A_143 = arith.select %lt3A_142, %select_n3A_124, %slice3A_141 : vector<128x128xi1>, vector<128x128xf32>
    %jit3A_144 = arith.constant 5.000000e+00 : f32
    %broadcast_in_dim3A_145 = vector.broadcast %jit3A_144 : f32 to vector<128x128xf32>
    %select_n3A_146 = arith.select %lt3A_142, %select_n3A_127, %broadcast_in_dim3A_145 : vector<128x128xi1>, vector<128x128xf32>
    %select_n3A_147 = arith.select %lt3A_142, %slice3A_141, %select_n3A_124 : vector<128x128xi1>, vector<128x128xf32>
    %jit3A_148 = arith.constant 5.000000e+00 : f32
    %broadcast_in_dim3A_149 = vector.broadcast %jit3A_148 : f32 to vector<128x128xf32>
    %select_n3A_150 = arith.select %lt3A_142, %broadcast_in_dim3A_149, %select_n3A_127 : vector<128x128xi1>, vector<128x128xf32>
    %lt3A_151 = arith.cmpf olt, %select_n3A_143, %select_n3A_131 : vector<128x128xf32>
    %select_n3A_152 = arith.select %lt3A_151, %select_n3A_131, %select_n3A_143 : vector<128x128xi1>, vector<128x128xf32>
    %select_n3A_153 = arith.select %lt3A_151, %select_n3A_132, %select_n3A_146 : vector<128x128xi1>, vector<128x128xf32>
    %select_n3A_154 = arith.select %lt3A_151, %select_n3A_143, %select_n3A_131 : vector<128x128xi1>, vector<128x128xf32>
    %select_n3A_155 = arith.select %lt3A_151, %select_n3A_146, %select_n3A_132 : vector<128x128xi1>, vector<128x128xf32>
    %lt3A_156 = arith.cmpf olt, %select_n3A_152, %select_n3A_136 : vector<128x128xf32>
    %select_n3A_157 = arith.select %lt3A_156, %select_n3A_136, %select_n3A_152 : vector<128x128xi1>, vector<128x128xf32>
    %select_n3A_158 = arith.select %lt3A_156, %select_n3A_137, %select_n3A_153 : vector<128x128xi1>, vector<128x128xf32>
    %select_n3A_159 = arith.select %lt3A_156, %select_n3A_152, %select_n3A_136 : vector<128x128xi1>, vector<128x128xf32>
    %select_n3A_160 = arith.select %lt3A_156, %select_n3A_153, %select_n3A_137 : vector<128x128xi1>, vector<128x128xf32>
    %lt3A_161 = arith.cmpf olt, %select_n3A_157, %select_n3A_139 : vector<128x128xf32>
    %select_n3A_162 = arith.select %lt3A_161, %select_n3A_157, %select_n3A_139 : vector<128x128xi1>, vector<128x128xf32>
    %select_n3A_163 = arith.select %lt3A_161, %select_n3A_158, %select_n3A_140 : vector<128x128xi1>, vector<128x128xf32>
    %slice3A_164 = vector.extract_strided_slice %select_n3A_20 {offsets = [0, 768], sizes = [128, 128], strides = [1, 1]} : vector<128x2304xf32> to vector<128x128xf32>
    %lt3A_165 = arith.cmpf olt, %slice3A_164, %select_n3A_147 : vector<128x128xf32>
    %select_n3A_166 = arith.select %lt3A_165, %select_n3A_147, %slice3A_164 : vector<128x128xi1>, vector<128x128xf32>
    %jit3A_167 = arith.constant 6.000000e+00 : f32
    %broadcast_in_dim3A_168 = vector.broadcast %jit3A_167 : f32 to vector<128x128xf32>
    %select_n3A_169 = arith.select %lt3A_165, %select_n3A_150, %broadcast_in_dim3A_168 : vector<128x128xi1>, vector<128x128xf32>
    %select_n3A_170 = arith.select %lt3A_165, %slice3A_164, %select_n3A_147 : vector<128x128xi1>, vector<128x128xf32>
    %jit3A_171 = arith.constant 6.000000e+00 : f32
    %broadcast_in_dim3A_172 = vector.broadcast %jit3A_171 : f32 to vector<128x128xf32>
    %select_n3A_173 = arith.select %lt3A_165, %broadcast_in_dim3A_172, %select_n3A_150 : vector<128x128xi1>, vector<128x128xf32>
    %lt3A_174 = arith.cmpf olt, %select_n3A_166, %select_n3A_154 : vector<128x128xf32>
    %select_n3A_175 = arith.select %lt3A_174, %select_n3A_154, %select_n3A_166 : vector<128x128xi1>, vector<128x128xf32>
    %select_n3A_176 = arith.select %lt3A_174, %select_n3A_155, %select_n3A_169 : vector<128x128xi1>, vector<128x128xf32>
    %select_n3A_177 = arith.select %lt3A_174, %select_n3A_166, %select_n3A_154 : vector<128x128xi1>, vector<128x128xf32>
    %select_n3A_178 = arith.select %lt3A_174, %select_n3A_169, %select_n3A_155 : vector<128x128xi1>, vector<128x128xf32>
    %lt3A_179 = arith.cmpf olt, %select_n3A_175, %select_n3A_159 : vector<128x128xf32>
    %select_n3A_180 = arith.select %lt3A_179, %select_n3A_159, %select_n3A_175 : vector<128x128xi1>, vector<128x128xf32>
    %select_n3A_181 = arith.select %lt3A_179, %select_n3A_160, %select_n3A_176 : vector<128x128xi1>, vector<128x128xf32>
    %select_n3A_182 = arith.select %lt3A_179, %select_n3A_175, %select_n3A_159 : vector<128x128xi1>, vector<128x128xf32>
    %select_n3A_183 = arith.select %lt3A_179, %select_n3A_176, %select_n3A_160 : vector<128x128xi1>, vector<128x128xf32>
    %lt3A_184 = arith.cmpf olt, %select_n3A_180, %select_n3A_162 : vector<128x128xf32>
    %select_n3A_185 = arith.select %lt3A_184, %select_n3A_180, %select_n3A_162 : vector<128x128xi1>, vector<128x128xf32>
    %select_n3A_186 = arith.select %lt3A_184, %select_n3A_181, %select_n3A_163 : vector<128x128xi1>, vector<128x128xf32>
    %slice3A_187 = vector.extract_strided_slice %select_n3A_20 {offsets = [0, 896], sizes = [128, 128], strides = [1, 1]} : vector<128x2304xf32> to vector<128x128xf32>
    %lt3A_188 = arith.cmpf olt, %slice3A_187, %select_n3A_170 : vector<128x128xf32>
    %select_n3A_189 = arith.select %lt3A_188, %select_n3A_170, %slice3A_187 : vector<128x128xi1>, vector<128x128xf32>
    %jit3A_190 = arith.constant 7.000000e+00 : f32
    %broadcast_in_dim3A_191 = vector.broadcast %jit3A_190 : f32 to vector<128x128xf32>
    %select_n3A_192 = arith.select %lt3A_188, %select_n3A_173, %broadcast_in_dim3A_191 : vector<128x128xi1>, vector<128x128xf32>
    %select_n3A_193 = arith.select %lt3A_188, %slice3A_187, %select_n3A_170 : vector<128x128xi1>, vector<128x128xf32>
    %jit3A_194 = arith.constant 7.000000e+00 : f32
    %broadcast_in_dim3A_195 = vector.broadcast %jit3A_194 : f32 to vector<128x128xf32>
    %select_n3A_196 = arith.select %lt3A_188, %broadcast_in_dim3A_195, %select_n3A_173 : vector<128x128xi1>, vector<128x128xf32>
    %lt3A_197 = arith.cmpf olt, %select_n3A_189, %select_n3A_177 : vector<128x128xf32>
    %select_n3A_198 = arith.select %lt3A_197, %select_n3A_177, %select_n3A_189 : vector<128x128xi1>, vector<128x128xf32>
    %select_n3A_199 = arith.select %lt3A_197, %select_n3A_178, %select_n3A_192 : vector<128x128xi1>, vector<128x128xf32>
    %select_n3A_200 = arith.select %lt3A_197, %select_n3A_189, %select_n3A_177 : vector<128x128xi1>, vector<128x128xf32>
    %select_n3A_201 = arith.select %lt3A_197, %select_n3A_192, %select_n3A_178 : vector<128x128xi1>, vector<128x128xf32>
    %lt3A_202 = arith.cmpf olt, %select_n3A_198, %select_n3A_182 : vector<128x128xf32>
    %select_n3A_203 = arith.select %lt3A_202, %select_n3A_182, %select_n3A_198 : vector<128x128xi1>, vector<128x128xf32>
    %select_n3A_204 = arith.select %lt3A_202, %select_n3A_183, %select_n3A_199 : vector<128x128xi1>, vector<128x128xf32>
    %select_n3A_205 = arith.select %lt3A_202, %select_n3A_198, %select_n3A_182 : vector<128x128xi1>, vector<128x128xf32>
    %select_n3A_206 = arith.select %lt3A_202, %select_n3A_199, %select_n3A_183 : vector<128x128xi1>, vector<128x128xf32>
    %lt3A_207 = arith.cmpf olt, %select_n3A_203, %select_n3A_185 : vector<128x128xf32>
    %select_n3A_208 = arith.select %lt3A_207, %select_n3A_203, %select_n3A_185 : vector<128x128xi1>, vector<128x128xf32>
    %select_n3A_209 = arith.select %lt3A_207, %select_n3A_204, %select_n3A_186 : vector<128x128xi1>, vector<128x128xf32>
    %slice3A_210 = vector.extract_strided_slice %select_n3A_20 {offsets = [0, 1024], sizes = [128, 128], strides = [1, 1]} : vector<128x2304xf32> to vector<128x128xf32>
    %lt3A_211 = arith.cmpf olt, %slice3A_210, %select_n3A_193 : vector<128x128xf32>
    %select_n3A_212 = arith.select %lt3A_211, %select_n3A_193, %slice3A_210 : vector<128x128xi1>, vector<128x128xf32>
    %jit3A_213 = arith.constant 8.000000e+00 : f32
    %broadcast_in_dim3A_214 = vector.broadcast %jit3A_213 : f32 to vector<128x128xf32>
    %select_n3A_215 = arith.select %lt3A_211, %select_n3A_196, %broadcast_in_dim3A_214 : vector<128x128xi1>, vector<128x128xf32>
    %select_n3A_216 = arith.select %lt3A_211, %slice3A_210, %select_n3A_193 : vector<128x128xi1>, vector<128x128xf32>
    %jit3A_217 = arith.constant 8.000000e+00 : f32
    %broadcast_in_dim3A_218 = vector.broadcast %jit3A_217 : f32 to vector<128x128xf32>
    %select_n3A_219 = arith.select %lt3A_211, %broadcast_in_dim3A_218, %select_n3A_196 : vector<128x128xi1>, vector<128x128xf32>
    %lt3A_220 = arith.cmpf olt, %select_n3A_212, %select_n3A_200 : vector<128x128xf32>
    %select_n3A_221 = arith.select %lt3A_220, %select_n3A_200, %select_n3A_212 : vector<128x128xi1>, vector<128x128xf32>
    %select_n3A_222 = arith.select %lt3A_220, %select_n3A_201, %select_n3A_215 : vector<128x128xi1>, vector<128x128xf32>
    %select_n3A_223 = arith.select %lt3A_220, %select_n3A_212, %select_n3A_200 : vector<128x128xi1>, vector<128x128xf32>
    %select_n3A_224 = arith.select %lt3A_220, %select_n3A_215, %select_n3A_201 : vector<128x128xi1>, vector<128x128xf32>
    %lt3A_225 = arith.cmpf olt, %select_n3A_221, %select_n3A_205 : vector<128x128xf32>
    %select_n3A_226 = arith.select %lt3A_225, %select_n3A_205, %select_n3A_221 : vector<128x128xi1>, vector<128x128xf32>
    %select_n3A_227 = arith.select %lt3A_225, %select_n3A_206, %select_n3A_222 : vector<128x128xi1>, vector<128x128xf32>
    %select_n3A_228 = arith.select %lt3A_225, %select_n3A_221, %select_n3A_205 : vector<128x128xi1>, vector<128x128xf32>
    %select_n3A_229 = arith.select %lt3A_225, %select_n3A_222, %select_n3A_206 : vector<128x128xi1>, vector<128x128xf32>
    %lt3A_230 = arith.cmpf olt, %select_n3A_226, %select_n3A_208 : vector<128x128xf32>
    %select_n3A_231 = arith.select %lt3A_230, %select_n3A_226, %select_n3A_208 : vector<128x128xi1>, vector<128x128xf32>
    %select_n3A_232 = arith.select %lt3A_230, %select_n3A_227, %select_n3A_209 : vector<128x128xi1>, vector<128x128xf32>
    %slice3A_233 = vector.extract_strided_slice %select_n3A_20 {offsets = [0, 1152], sizes = [128, 128], strides = [1, 1]} : vector<128x2304xf32> to vector<128x128xf32>
    %lt3A_234 = arith.cmpf olt, %slice3A_233, %select_n3A_216 : vector<128x128xf32>
    %select_n3A_235 = arith.select %lt3A_234, %select_n3A_216, %slice3A_233 : vector<128x128xi1>, vector<128x128xf32>
    %jit3A_236 = arith.constant 9.000000e+00 : f32
    %broadcast_in_dim3A_237 = vector.broadcast %jit3A_236 : f32 to vector<128x128xf32>
    %select_n3A_238 = arith.select %lt3A_234, %select_n3A_219, %broadcast_in_dim3A_237 : vector<128x128xi1>, vector<128x128xf32>
    %select_n3A_239 = arith.select %lt3A_234, %slice3A_233, %select_n3A_216 : vector<128x128xi1>, vector<128x128xf32>
    %jit3A_240 = arith.constant 9.000000e+00 : f32
    %broadcast_in_dim3A_241 = vector.broadcast %jit3A_240 : f32 to vector<128x128xf32>
    %select_n3A_242 = arith.select %lt3A_234, %broadcast_in_dim3A_241, %select_n3A_219 : vector<128x128xi1>, vector<128x128xf32>
    %lt3A_243 = arith.cmpf olt, %select_n3A_235, %select_n3A_223 : vector<128x128xf32>
    %select_n3A_244 = arith.select %lt3A_243, %select_n3A_223, %select_n3A_235 : vector<128x128xi1>, vector<128x128xf32>
    %select_n3A_245 = arith.select %lt3A_243, %select_n3A_224, %select_n3A_238 : vector<128x128xi1>, vector<128x128xf32>
    %select_n3A_246 = arith.select %lt3A_243, %select_n3A_235, %select_n3A_223 : vector<128x128xi1>, vector<128x128xf32>
    %select_n3A_247 = arith.select %lt3A_243, %select_n3A_238, %select_n3A_224 : vector<128x128xi1>, vector<128x128xf32>
    %lt3A_248 = arith.cmpf olt, %select_n3A_244, %select_n3A_228 : vector<128x128xf32>
    %select_n3A_249 = arith.select %lt3A_248, %select_n3A_228, %select_n3A_244 : vector<128x128xi1>, vector<128x128xf32>
    %select_n3A_250 = arith.select %lt3A_248, %select_n3A_229, %select_n3A_245 : vector<128x128xi1>, vector<128x128xf32>
    %select_n3A_251 = arith.select %lt3A_248, %select_n3A_244, %select_n3A_228 : vector<128x128xi1>, vector<128x128xf32>
    %select_n3A_252 = arith.select %lt3A_248, %select_n3A_245, %select_n3A_229 : vector<128x128xi1>, vector<128x128xf32>
    %lt3A_253 = arith.cmpf olt, %select_n3A_249, %select_n3A_231 : vector<128x128xf32>
    %select_n3A_254 = arith.select %lt3A_253, %select_n3A_249, %select_n3A_231 : vector<128x128xi1>, vector<128x128xf32>
    %select_n3A_255 = arith.select %lt3A_253, %select_n3A_250, %select_n3A_232 : vector<128x128xi1>, vector<128x128xf32>
    %slice3A_256 = vector.extract_strided_slice %select_n3A_20 {offsets = [0, 1280], sizes = [128, 128], strides = [1, 1]} : vector<128x2304xf32> to vector<128x128xf32>
    %lt3A_257 = arith.cmpf olt, %slice3A_256, %select_n3A_239 : vector<128x128xf32>
    %select_n3A_258 = arith.select %lt3A_257, %select_n3A_239, %slice3A_256 : vector<128x128xi1>, vector<128x128xf32>
    %jit3A_259 = arith.constant 1.000000e+01 : f32
    %broadcast_in_dim3A_260 = vector.broadcast %jit3A_259 : f32 to vector<128x128xf32>
    %select_n3A_261 = arith.select %lt3A_257, %select_n3A_242, %broadcast_in_dim3A_260 : vector<128x128xi1>, vector<128x128xf32>
    %select_n3A_262 = arith.select %lt3A_257, %slice3A_256, %select_n3A_239 : vector<128x128xi1>, vector<128x128xf32>
    %jit3A_263 = arith.constant 1.000000e+01 : f32
    %broadcast_in_dim3A_264 = vector.broadcast %jit3A_263 : f32 to vector<128x128xf32>
    %select_n3A_265 = arith.select %lt3A_257, %broadcast_in_dim3A_264, %select_n3A_242 : vector<128x128xi1>, vector<128x128xf32>
    %lt3A_266 = arith.cmpf olt, %select_n3A_258, %select_n3A_246 : vector<128x128xf32>
    %select_n3A_267 = arith.select %lt3A_266, %select_n3A_246, %select_n3A_258 : vector<128x128xi1>, vector<128x128xf32>
    %select_n3A_268 = arith.select %lt3A_266, %select_n3A_247, %select_n3A_261 : vector<128x128xi1>, vector<128x128xf32>
    %select_n3A_269 = arith.select %lt3A_266, %select_n3A_258, %select_n3A_246 : vector<128x128xi1>, vector<128x128xf32>
    %select_n3A_270 = arith.select %lt3A_266, %select_n3A_261, %select_n3A_247 : vector<128x128xi1>, vector<128x128xf32>
    %lt3A_271 = arith.cmpf olt, %select_n3A_267, %select_n3A_251 : vector<128x128xf32>
    %select_n3A_272 = arith.select %lt3A_271, %select_n3A_251, %select_n3A_267 : vector<128x128xi1>, vector<128x128xf32>
    %select_n3A_273 = arith.select %lt3A_271, %select_n3A_252, %select_n3A_268 : vector<128x128xi1>, vector<128x128xf32>
    %select_n3A_274 = arith.select %lt3A_271, %select_n3A_267, %select_n3A_251 : vector<128x128xi1>, vector<128x128xf32>
    %select_n3A_275 = arith.select %lt3A_271, %select_n3A_268, %select_n3A_252 : vector<128x128xi1>, vector<128x128xf32>
    %lt3A_276 = arith.cmpf olt, %select_n3A_272, %select_n3A_254 : vector<128x128xf32>
    %select_n3A_277 = arith.select %lt3A_276, %select_n3A_272, %select_n3A_254 : vector<128x128xi1>, vector<128x128xf32>
    %select_n3A_278 = arith.select %lt3A_276, %select_n3A_273, %select_n3A_255 : vector<128x128xi1>, vector<128x128xf32>
    %slice3A_279 = vector.extract_strided_slice %select_n3A_20 {offsets = [0, 1408], sizes = [128, 128], strides = [1, 1]} : vector<128x2304xf32> to vector<128x128xf32>
    %lt3A_280 = arith.cmpf olt, %slice3A_279, %select_n3A_262 : vector<128x128xf32>
    %select_n3A_281 = arith.select %lt3A_280, %select_n3A_262, %slice3A_279 : vector<128x128xi1>, vector<128x128xf32>
    %jit3A_282 = arith.constant 1.100000e+01 : f32
    %broadcast_in_dim3A_283 = vector.broadcast %jit3A_282 : f32 to vector<128x128xf32>
    %select_n3A_284 = arith.select %lt3A_280, %select_n3A_265, %broadcast_in_dim3A_283 : vector<128x128xi1>, vector<128x128xf32>
    %select_n3A_285 = arith.select %lt3A_280, %slice3A_279, %select_n3A_262 : vector<128x128xi1>, vector<128x128xf32>
    %jit3A_286 = arith.constant 1.100000e+01 : f32
    %broadcast_in_dim3A_287 = vector.broadcast %jit3A_286 : f32 to vector<128x128xf32>
    %select_n3A_288 = arith.select %lt3A_280, %broadcast_in_dim3A_287, %select_n3A_265 : vector<128x128xi1>, vector<128x128xf32>
    %lt3A_289 = arith.cmpf olt, %select_n3A_281, %select_n3A_269 : vector<128x128xf32>
    %select_n3A_290 = arith.select %lt3A_289, %select_n3A_269, %select_n3A_281 : vector<128x128xi1>, vector<128x128xf32>
    %select_n3A_291 = arith.select %lt3A_289, %select_n3A_270, %select_n3A_284 : vector<128x128xi1>, vector<128x128xf32>
    %select_n3A_292 = arith.select %lt3A_289, %select_n3A_281, %select_n3A_269 : vector<128x128xi1>, vector<128x128xf32>
    %select_n3A_293 = arith.select %lt3A_289, %select_n3A_284, %select_n3A_270 : vector<128x128xi1>, vector<128x128xf32>
    %lt3A_294 = arith.cmpf olt, %select_n3A_290, %select_n3A_274 : vector<128x128xf32>
    %select_n3A_295 = arith.select %lt3A_294, %select_n3A_274, %select_n3A_290 : vector<128x128xi1>, vector<128x128xf32>
    %select_n3A_296 = arith.select %lt3A_294, %select_n3A_275, %select_n3A_291 : vector<128x128xi1>, vector<128x128xf32>
    %select_n3A_297 = arith.select %lt3A_294, %select_n3A_290, %select_n3A_274 : vector<128x128xi1>, vector<128x128xf32>
    %select_n3A_298 = arith.select %lt3A_294, %select_n3A_291, %select_n3A_275 : vector<128x128xi1>, vector<128x128xf32>
    %lt3A_299 = arith.cmpf olt, %select_n3A_295, %select_n3A_277 : vector<128x128xf32>
    %select_n3A_300 = arith.select %lt3A_299, %select_n3A_295, %select_n3A_277 : vector<128x128xi1>, vector<128x128xf32>
    %select_n3A_301 = arith.select %lt3A_299, %select_n3A_296, %select_n3A_278 : vector<128x128xi1>, vector<128x128xf32>
    %slice3A_302 = vector.extract_strided_slice %select_n3A_20 {offsets = [0, 1536], sizes = [128, 128], strides = [1, 1]} : vector<128x2304xf32> to vector<128x128xf32>
    %lt3A_303 = arith.cmpf olt, %slice3A_302, %select_n3A_285 : vector<128x128xf32>
    %select_n3A_304 = arith.select %lt3A_303, %select_n3A_285, %slice3A_302 : vector<128x128xi1>, vector<128x128xf32>
    %jit3A_305 = arith.constant 1.200000e+01 : f32
    %broadcast_in_dim3A_306 = vector.broadcast %jit3A_305 : f32 to vector<128x128xf32>
    %select_n3A_307 = arith.select %lt3A_303, %select_n3A_288, %broadcast_in_dim3A_306 : vector<128x128xi1>, vector<128x128xf32>
    %select_n3A_308 = arith.select %lt3A_303, %slice3A_302, %select_n3A_285 : vector<128x128xi1>, vector<128x128xf32>
    %jit3A_309 = arith.constant 1.200000e+01 : f32
    %broadcast_in_dim3A_310 = vector.broadcast %jit3A_309 : f32 to vector<128x128xf32>
    %select_n3A_311 = arith.select %lt3A_303, %broadcast_in_dim3A_310, %select_n3A_288 : vector<128x128xi1>, vector<128x128xf32>
    %lt3A_312 = arith.cmpf olt, %select_n3A_304, %select_n3A_292 : vector<128x128xf32>
    %select_n3A_313 = arith.select %lt3A_312, %select_n3A_292, %select_n3A_304 : vector<128x128xi1>, vector<128x128xf32>
    %select_n3A_314 = arith.select %lt3A_312, %select_n3A_293, %select_n3A_307 : vector<128x128xi1>, vector<128x128xf32>
    %select_n3A_315 = arith.select %lt3A_312, %select_n3A_304, %select_n3A_292 : vector<128x128xi1>, vector<128x128xf32>
    %select_n3A_316 = arith.select %lt3A_312, %select_n3A_307, %select_n3A_293 : vector<128x128xi1>, vector<128x128xf32>
    %lt3A_317 = arith.cmpf olt, %select_n3A_313, %select_n3A_297 : vector<128x128xf32>
    %select_n3A_318 = arith.select %lt3A_317, %select_n3A_297, %select_n3A_313 : vector<128x128xi1>, vector<128x128xf32>
    %select_n3A_319 = arith.select %lt3A_317, %select_n3A_298, %select_n3A_314 : vector<128x128xi1>, vector<128x128xf32>
    %select_n3A_320 = arith.select %lt3A_317, %select_n3A_313, %select_n3A_297 : vector<128x128xi1>, vector<128x128xf32>
    %select_n3A_321 = arith.select %lt3A_317, %select_n3A_314, %select_n3A_298 : vector<128x128xi1>, vector<128x128xf32>
    %lt3A_322 = arith.cmpf olt, %select_n3A_318, %select_n3A_300 : vector<128x128xf32>
    %select_n3A_323 = arith.select %lt3A_322, %select_n3A_318, %select_n3A_300 : vector<128x128xi1>, vector<128x128xf32>
    %select_n3A_324 = arith.select %lt3A_322, %select_n3A_319, %select_n3A_301 : vector<128x128xi1>, vector<128x128xf32>
    %slice3A_325 = vector.extract_strided_slice %select_n3A_20 {offsets = [0, 1664], sizes = [128, 128], strides = [1, 1]} : vector<128x2304xf32> to vector<128x128xf32>
    %lt3A_326 = arith.cmpf olt, %slice3A_325, %select_n3A_308 : vector<128x128xf32>
    %select_n3A_327 = arith.select %lt3A_326, %select_n3A_308, %slice3A_325 : vector<128x128xi1>, vector<128x128xf32>
    %jit3A_328 = arith.constant 1.300000e+01 : f32
    %broadcast_in_dim3A_329 = vector.broadcast %jit3A_328 : f32 to vector<128x128xf32>
    %select_n3A_330 = arith.select %lt3A_326, %select_n3A_311, %broadcast_in_dim3A_329 : vector<128x128xi1>, vector<128x128xf32>
    %select_n3A_331 = arith.select %lt3A_326, %slice3A_325, %select_n3A_308 : vector<128x128xi1>, vector<128x128xf32>
    %jit3A_332 = arith.constant 1.300000e+01 : f32
    %broadcast_in_dim3A_333 = vector.broadcast %jit3A_332 : f32 to vector<128x128xf32>
    %select_n3A_334 = arith.select %lt3A_326, %broadcast_in_dim3A_333, %select_n3A_311 : vector<128x128xi1>, vector<128x128xf32>
    %lt3A_335 = arith.cmpf olt, %select_n3A_327, %select_n3A_315 : vector<128x128xf32>
    %select_n3A_336 = arith.select %lt3A_335, %select_n3A_315, %select_n3A_327 : vector<128x128xi1>, vector<128x128xf32>
    %select_n3A_337 = arith.select %lt3A_335, %select_n3A_316, %select_n3A_330 : vector<128x128xi1>, vector<128x128xf32>
    %select_n3A_338 = arith.select %lt3A_335, %select_n3A_327, %select_n3A_315 : vector<128x128xi1>, vector<128x128xf32>
    %select_n3A_339 = arith.select %lt3A_335, %select_n3A_330, %select_n3A_316 : vector<128x128xi1>, vector<128x128xf32>
    %lt3A_340 = arith.cmpf olt, %select_n3A_336, %select_n3A_320 : vector<128x128xf32>
    %select_n3A_341 = arith.select %lt3A_340, %select_n3A_320, %select_n3A_336 : vector<128x128xi1>, vector<128x128xf32>
    %select_n3A_342 = arith.select %lt3A_340, %select_n3A_321, %select_n3A_337 : vector<128x128xi1>, vector<128x128xf32>
    %select_n3A_343 = arith.select %lt3A_340, %select_n3A_336, %select_n3A_320 : vector<128x128xi1>, vector<128x128xf32>
    %select_n3A_344 = arith.select %lt3A_340, %select_n3A_337, %select_n3A_321 : vector<128x128xi1>, vector<128x128xf32>
    %lt3A_345 = arith.cmpf olt, %select_n3A_341, %select_n3A_323 : vector<128x128xf32>
    %select_n3A_346 = arith.select %lt3A_345, %select_n3A_341, %select_n3A_323 : vector<128x128xi1>, vector<128x128xf32>
    %select_n3A_347 = arith.select %lt3A_345, %select_n3A_342, %select_n3A_324 : vector<128x128xi1>, vector<128x128xf32>
    %slice3A_348 = vector.extract_strided_slice %select_n3A_20 {offsets = [0, 1792], sizes = [128, 128], strides = [1, 1]} : vector<128x2304xf32> to vector<128x128xf32>
    %lt3A_349 = arith.cmpf olt, %slice3A_348, %select_n3A_331 : vector<128x128xf32>
    %select_n3A_350 = arith.select %lt3A_349, %select_n3A_331, %slice3A_348 : vector<128x128xi1>, vector<128x128xf32>
    %jit3A_351 = arith.constant 1.400000e+01 : f32
    %broadcast_in_dim3A_352 = vector.broadcast %jit3A_351 : f32 to vector<128x128xf32>
    %select_n3A_353 = arith.select %lt3A_349, %select_n3A_334, %broadcast_in_dim3A_352 : vector<128x128xi1>, vector<128x128xf32>
    %select_n3A_354 = arith.select %lt3A_349, %slice3A_348, %select_n3A_331 : vector<128x128xi1>, vector<128x128xf32>
    %jit3A_355 = arith.constant 1.400000e+01 : f32
    %broadcast_in_dim3A_356 = vector.broadcast %jit3A_355 : f32 to vector<128x128xf32>
    %select_n3A_357 = arith.select %lt3A_349, %broadcast_in_dim3A_356, %select_n3A_334 : vector<128x128xi1>, vector<128x128xf32>
    %lt3A_358 = arith.cmpf olt, %select_n3A_350, %select_n3A_338 : vector<128x128xf32>
    %select_n3A_359 = arith.select %lt3A_358, %select_n3A_338, %select_n3A_350 : vector<128x128xi1>, vector<128x128xf32>
    %select_n3A_360 = arith.select %lt3A_358, %select_n3A_339, %select_n3A_353 : vector<128x128xi1>, vector<128x128xf32>
    %select_n3A_361 = arith.select %lt3A_358, %select_n3A_350, %select_n3A_338 : vector<128x128xi1>, vector<128x128xf32>
    %select_n3A_362 = arith.select %lt3A_358, %select_n3A_353, %select_n3A_339 : vector<128x128xi1>, vector<128x128xf32>
    %lt3A_363 = arith.cmpf olt, %select_n3A_359, %select_n3A_343 : vector<128x128xf32>
    %select_n3A_364 = arith.select %lt3A_363, %select_n3A_343, %select_n3A_359 : vector<128x128xi1>, vector<128x128xf32>
    %select_n3A_365 = arith.select %lt3A_363, %select_n3A_344, %select_n3A_360 : vector<128x128xi1>, vector<128x128xf32>
    %select_n3A_366 = arith.select %lt3A_363, %select_n3A_359, %select_n3A_343 : vector<128x128xi1>, vector<128x128xf32>
    %select_n3A_367 = arith.select %lt3A_363, %select_n3A_360, %select_n3A_344 : vector<128x128xi1>, vector<128x128xf32>
    %lt3A_368 = arith.cmpf olt, %select_n3A_364, %select_n3A_346 : vector<128x128xf32>
    %select_n3A_369 = arith.select %lt3A_368, %select_n3A_364, %select_n3A_346 : vector<128x128xi1>, vector<128x128xf32>
    %select_n3A_370 = arith.select %lt3A_368, %select_n3A_365, %select_n3A_347 : vector<128x128xi1>, vector<128x128xf32>
    %slice3A_371 = vector.extract_strided_slice %select_n3A_20 {offsets = [0, 1920], sizes = [128, 128], strides = [1, 1]} : vector<128x2304xf32> to vector<128x128xf32>
    %lt3A_372 = arith.cmpf olt, %slice3A_371, %select_n3A_354 : vector<128x128xf32>
    %select_n3A_373 = arith.select %lt3A_372, %select_n3A_354, %slice3A_371 : vector<128x128xi1>, vector<128x128xf32>
    %jit3A_374 = arith.constant 1.500000e+01 : f32
    %broadcast_in_dim3A_375 = vector.broadcast %jit3A_374 : f32 to vector<128x128xf32>
    %select_n3A_376 = arith.select %lt3A_372, %select_n3A_357, %broadcast_in_dim3A_375 : vector<128x128xi1>, vector<128x128xf32>
    %select_n3A_377 = arith.select %lt3A_372, %slice3A_371, %select_n3A_354 : vector<128x128xi1>, vector<128x128xf32>
    %jit3A_378 = arith.constant 1.500000e+01 : f32
    %broadcast_in_dim3A_379 = vector.broadcast %jit3A_378 : f32 to vector<128x128xf32>
    %select_n3A_380 = arith.select %lt3A_372, %broadcast_in_dim3A_379, %select_n3A_357 : vector<128x128xi1>, vector<128x128xf32>
    %lt3A_381 = arith.cmpf olt, %select_n3A_373, %select_n3A_361 : vector<128x128xf32>
    %select_n3A_382 = arith.select %lt3A_381, %select_n3A_361, %select_n3A_373 : vector<128x128xi1>, vector<128x128xf32>
    %select_n3A_383 = arith.select %lt3A_381, %select_n3A_362, %select_n3A_376 : vector<128x128xi1>, vector<128x128xf32>
    %select_n3A_384 = arith.select %lt3A_381, %select_n3A_373, %select_n3A_361 : vector<128x128xi1>, vector<128x128xf32>
    %select_n3A_385 = arith.select %lt3A_381, %select_n3A_376, %select_n3A_362 : vector<128x128xi1>, vector<128x128xf32>
    %lt3A_386 = arith.cmpf olt, %select_n3A_382, %select_n3A_366 : vector<128x128xf32>
    %select_n3A_387 = arith.select %lt3A_386, %select_n3A_366, %select_n3A_382 : vector<128x128xi1>, vector<128x128xf32>
    %select_n3A_388 = arith.select %lt3A_386, %select_n3A_367, %select_n3A_383 : vector<128x128xi1>, vector<128x128xf32>
    %select_n3A_389 = arith.select %lt3A_386, %select_n3A_382, %select_n3A_366 : vector<128x128xi1>, vector<128x128xf32>
    %select_n3A_390 = arith.select %lt3A_386, %select_n3A_383, %select_n3A_367 : vector<128x128xi1>, vector<128x128xf32>
    %lt3A_391 = arith.cmpf olt, %select_n3A_387, %select_n3A_369 : vector<128x128xf32>
    %select_n3A_392 = arith.select %lt3A_391, %select_n3A_387, %select_n3A_369 : vector<128x128xi1>, vector<128x128xf32>
    %select_n3A_393 = arith.select %lt3A_391, %select_n3A_388, %select_n3A_370 : vector<128x128xi1>, vector<128x128xf32>
    %slice3A_394 = vector.extract_strided_slice %select_n3A_20 {offsets = [0, 2048], sizes = [128, 128], strides = [1, 1]} : vector<128x2304xf32> to vector<128x128xf32>
    %lt3A_395 = arith.cmpf olt, %slice3A_394, %select_n3A_377 : vector<128x128xf32>
    %select_n3A_396 = arith.select %lt3A_395, %select_n3A_377, %slice3A_394 : vector<128x128xi1>, vector<128x128xf32>
    %jit3A_397 = arith.constant 1.600000e+01 : f32
    %broadcast_in_dim3A_398 = vector.broadcast %jit3A_397 : f32 to vector<128x128xf32>
    %select_n3A_399 = arith.select %lt3A_395, %select_n3A_380, %broadcast_in_dim3A_398 : vector<128x128xi1>, vector<128x128xf32>
    %select_n3A_400 = arith.select %lt3A_395, %slice3A_394, %select_n3A_377 : vector<128x128xi1>, vector<128x128xf32>
    %jit3A_401 = arith.constant 1.600000e+01 : f32
    %broadcast_in_dim3A_402 = vector.broadcast %jit3A_401 : f32 to vector<128x128xf32>
    %select_n3A_403 = arith.select %lt3A_395, %broadcast_in_dim3A_402, %select_n3A_380 : vector<128x128xi1>, vector<128x128xf32>
    %lt3A_404 = arith.cmpf olt, %select_n3A_396, %select_n3A_384 : vector<128x128xf32>
    %select_n3A_405 = arith.select %lt3A_404, %select_n3A_384, %select_n3A_396 : vector<128x128xi1>, vector<128x128xf32>
    %select_n3A_406 = arith.select %lt3A_404, %select_n3A_385, %select_n3A_399 : vector<128x128xi1>, vector<128x128xf32>
    %select_n3A_407 = arith.select %lt3A_404, %select_n3A_396, %select_n3A_384 : vector<128x128xi1>, vector<128x128xf32>
    %select_n3A_408 = arith.select %lt3A_404, %select_n3A_399, %select_n3A_385 : vector<128x128xi1>, vector<128x128xf32>
    %lt3A_409 = arith.cmpf olt, %select_n3A_405, %select_n3A_389 : vector<128x128xf32>
    %select_n3A_410 = arith.select %lt3A_409, %select_n3A_389, %select_n3A_405 : vector<128x128xi1>, vector<128x128xf32>
    %select_n3A_411 = arith.select %lt3A_409, %select_n3A_390, %select_n3A_406 : vector<128x128xi1>, vector<128x128xf32>
    %select_n3A_412 = arith.select %lt3A_409, %select_n3A_405, %select_n3A_389 : vector<128x128xi1>, vector<128x128xf32>
    %select_n3A_413 = arith.select %lt3A_409, %select_n3A_406, %select_n3A_390 : vector<128x128xi1>, vector<128x128xf32>
    %lt3A_414 = arith.cmpf olt, %select_n3A_410, %select_n3A_392 : vector<128x128xf32>
    %select_n3A_415 = arith.select %lt3A_414, %select_n3A_410, %select_n3A_392 : vector<128x128xi1>, vector<128x128xf32>
    %select_n3A_416 = arith.select %lt3A_414, %select_n3A_411, %select_n3A_393 : vector<128x128xi1>, vector<128x128xf32>
    %slice3A_417 = vector.extract_strided_slice %select_n3A_20 {offsets = [0, 2176], sizes = [128, 128], strides = [1, 1]} : vector<128x2304xf32> to vector<128x128xf32>
    %lt3A_418 = arith.cmpf olt, %slice3A_417, %select_n3A_400 : vector<128x128xf32>
    %select_n3A_419 = arith.select %lt3A_418, %select_n3A_400, %slice3A_417 : vector<128x128xi1>, vector<128x128xf32>
    %jit3A_420 = arith.constant 1.700000e+01 : f32
    %broadcast_in_dim3A_421 = vector.broadcast %jit3A_420 : f32 to vector<128x128xf32>
    %select_n3A_422 = arith.select %lt3A_418, %select_n3A_403, %broadcast_in_dim3A_421 : vector<128x128xi1>, vector<128x128xf32>
    %select_n3A_423 = arith.select %lt3A_418, %slice3A_417, %select_n3A_400 : vector<128x128xi1>, vector<128x128xf32>
    %jit3A_424 = arith.constant 1.700000e+01 : f32
    %broadcast_in_dim3A_425 = vector.broadcast %jit3A_424 : f32 to vector<128x128xf32>
    %select_n3A_426 = arith.select %lt3A_418, %broadcast_in_dim3A_425, %select_n3A_403 : vector<128x128xi1>, vector<128x128xf32>
    %lt3A_427 = arith.cmpf olt, %select_n3A_419, %select_n3A_407 : vector<128x128xf32>
    %select_n3A_428 = arith.select %lt3A_427, %select_n3A_407, %select_n3A_419 : vector<128x128xi1>, vector<128x128xf32>
    %select_n3A_429 = arith.select %lt3A_427, %select_n3A_408, %select_n3A_422 : vector<128x128xi1>, vector<128x128xf32>
    %select_n3A_430 = arith.select %lt3A_427, %select_n3A_419, %select_n3A_407 : vector<128x128xi1>, vector<128x128xf32>
    %select_n3A_431 = arith.select %lt3A_427, %select_n3A_422, %select_n3A_408 : vector<128x128xi1>, vector<128x128xf32>
    %lt3A_432 = arith.cmpf olt, %select_n3A_428, %select_n3A_412 : vector<128x128xf32>
    %select_n3A_433 = arith.select %lt3A_432, %select_n3A_412, %select_n3A_428 : vector<128x128xi1>, vector<128x128xf32>
    %select_n3A_434 = arith.select %lt3A_432, %select_n3A_413, %select_n3A_429 : vector<128x128xi1>, vector<128x128xf32>
    %select_n3A_435 = arith.select %lt3A_432, %select_n3A_428, %select_n3A_412 : vector<128x128xi1>, vector<128x128xf32>
    %select_n3A_436 = arith.select %lt3A_432, %select_n3A_429, %select_n3A_413 : vector<128x128xi1>, vector<128x128xf32>
    %lt3A_437 = arith.cmpf olt, %select_n3A_433, %select_n3A_415 : vector<128x128xf32>
    %select_n3A_438 = arith.select %lt3A_437, %select_n3A_433, %select_n3A_415 : vector<128x128xi1>, vector<128x128xf32>
    %select_n3A_439 = arith.select %lt3A_437, %select_n3A_434, %select_n3A_416 : vector<128x128xi1>, vector<128x128xf32>
    %concatenate3A = tpu.concatenate %select_n3A_423, %select_n3A_430, %select_n3A_435, %select_n3A_438 in 1 : vector<128x128xf32>, vector<128x128xf32>, vector<128x128xf32>, vector<128x128xf32> -> vector<128x512xf32>
    %mul3A_440 = arith.constant 1.280000e+02 : f32
    %mul3A_441 = vector.broadcast %mul3A_440 : f32 to vector<128x128xf32>
    %mul3A_442 = arith.mulf %select_n3A_426, %mul3A_441 : vector<128x128xf32>
    %add3A = arith.addf %mul3A_442, %convert_element_type3A_22 : vector<128x128xf32>
    %mul3A_443 = arith.constant 1.280000e+02 : f32
    %mul3A_444 = vector.broadcast %mul3A_443 : f32 to vector<128x128xf32>
    %mul3A_445 = arith.mulf %select_n3A_431, %mul3A_444 : vector<128x128xf32>
    %add3A_446 = arith.addf %mul3A_445, %convert_element_type3A_22 : vector<128x128xf32>
    %mul3A_447 = arith.constant 1.280000e+02 : f32
    %mul3A_448 = vector.broadcast %mul3A_447 : f32 to vector<128x128xf32>
    %mul3A_449 = arith.mulf %select_n3A_436, %mul3A_448 : vector<128x128xf32>
    %add3A_450 = arith.addf %mul3A_449, %convert_element_type3A_22 : vector<128x128xf32>
    %mul3A_451 = arith.constant 1.280000e+02 : f32
    %mul3A_452 = vector.broadcast %mul3A_451 : f32 to vector<128x128xf32>
    %mul3A_453 = arith.mulf %select_n3A_439, %mul3A_452 : vector<128x128xf32>
    %add3A_454 = arith.addf %mul3A_453, %convert_element_type3A_22 : vector<128x128xf32>
    %concatenate3A_455 = tpu.concatenate %add3A, %add3A_446, %add3A_450, %add3A_454 in 1 : vector<128x128xf32>, vector<128x128xf32>, vector<128x128xf32>, vector<128x128xf32> -> vector<128x512xf32>
    %broadcast_in_dim3A_456 = arith.constant 0.000000e+00 : f32
    %broadcast_in_dim3A_457 = vector.broadcast %broadcast_in_dim3A_456 : f32 to vector<128x128xf32>
    %reduce_min3A = arith.constant dense<0x7F800000> : vector<128xf32>
    %reduce_min3A_458 = vector.multi_reduction <minimumf>, %concatenate3A, %reduce_min3A [1] : vector<128x512xf32> to vector<128xf32>
    %broadcast_in_dim3A_459 = vector.shape_cast %reduce_min3A_458 : vector<128xf32> to vector<128x1xf32>
    %eq3A_460 = vector.broadcast %broadcast_in_dim3A_459 : vector<128x1xf32> to vector<128x512xf32>
    %eq3A_461 = arith.cmpf oeq, %concatenate3A, %eq3A_460 : vector<128x512xf32>
    %jit3A_462 = arith.constant 1.000000e+30 : f32
    %broadcast_in_dim3A_463 = vector.broadcast %jit3A_462 : f32 to vector<128x512xf32>
    %select_n3A_464 = arith.select %eq3A_461, %concatenate3A_455, %broadcast_in_dim3A_463 : vector<128x512xi1>, vector<128x512xf32>
    %reduce_min3A_465 = arith.constant dense<0x7F800000> : vector<128xf32>
    %reduce_min3A_466 = vector.multi_reduction <minimumf>, %select_n3A_464, %reduce_min3A_465 [1] : vector<128x512xf32> to vector<128xf32>
    %broadcast_in_dim3A_467 = vector.shape_cast %reduce_min3A_466 : vector<128xf32> to vector<128x1xf32>
    %eq3A_468 = vector.broadcast %broadcast_in_dim3A_467 : vector<128x1xf32> to vector<128x512xf32>
    %eq3A_469 = arith.cmpf oeq, %concatenate3A_455, %eq3A_468 : vector<128x512xf32>
    %jit3A_470 = arith.constant 1.000000e+30 : f32
    %broadcast_in_dim3A_471 = vector.broadcast %jit3A_470 : f32 to vector<128x512xf32>
    %select_n3A_472 = arith.select %eq3A_469, %broadcast_in_dim3A_471, %concatenate3A : vector<128x512xi1>, vector<128x512xf32>
    %eq3A_473 = arith.constant 0.000000e+00 : f32
    %eq3A_474 = vector.broadcast %eq3A_473 : f32 to vector<128x128xf32>
    %eq3A_475 = arith.cmpf oeq, %convert_element_type3A_22, %eq3A_474 : vector<128x128xf32>
    %broadcast_in_dim3A_476 = vector.shape_cast %broadcast_in_dim3A_467 : vector<128x1xf32> to vector<128x1xf32>
    %broadcast_in_dim3A_477 = vector.broadcast %broadcast_in_dim3A_476 : vector<128x1xf32> to vector<128x128xf32>
    %select_n3A_478 = arith.select %eq3A_475, %broadcast_in_dim3A_477, %broadcast_in_dim3A_457 : vector<128x128xi1>, vector<128x128xf32>
    %reduce_min3A_479 = arith.constant dense<0x7F800000> : vector<128xf32>
    %reduce_min3A_480 = vector.multi_reduction <minimumf>, %select_n3A_472, %reduce_min3A_479 [1] : vector<128x512xf32> to vector<128xf32>
    %broadcast_in_dim3A_481 = vector.shape_cast %reduce_min3A_480 : vector<128xf32> to vector<128x1xf32>
    %eq3A_482 = vector.broadcast %broadcast_in_dim3A_481 : vector<128x1xf32> to vector<128x512xf32>
    %eq3A_483 = arith.cmpf oeq, %select_n3A_472, %eq3A_482 : vector<128x512xf32>
    %jit3A_484 = arith.constant 1.000000e+30 : f32
    %broadcast_in_dim3A_485 = vector.broadcast %jit3A_484 : f32 to vector<128x512xf32>
    %select_n3A_486 = arith.select %eq3A_483, %concatenate3A_455, %broadcast_in_dim3A_485 : vector<128x512xi1>, vector<128x512xf32>
    %reduce_min3A_487 = arith.constant dense<0x7F800000> : vector<128xf32>
    %reduce_min3A_488 = vector.multi_reduction <minimumf>, %select_n3A_486, %reduce_min3A_487 [1] : vector<128x512xf32> to vector<128xf32>
    %broadcast_in_dim3A_489 = vector.shape_cast %reduce_min3A_488 : vector<128xf32> to vector<128x1xf32>
    %eq3A_490 = vector.broadcast %broadcast_in_dim3A_489 : vector<128x1xf32> to vector<128x512xf32>
    %eq3A_491 = arith.cmpf oeq, %concatenate3A_455, %eq3A_490 : vector<128x512xf32>
    %jit3A_492 = arith.constant 1.000000e+30 : f32
    %broadcast_in_dim3A_493 = vector.broadcast %jit3A_492 : f32 to vector<128x512xf32>
    %select_n3A_494 = arith.select %eq3A_491, %broadcast_in_dim3A_493, %select_n3A_472 : vector<128x512xi1>, vector<128x512xf32>
    %eq3A_495 = arith.constant 1.000000e+00 : f32
    %eq3A_496 = vector.broadcast %eq3A_495 : f32 to vector<128x128xf32>
    %eq3A_497 = arith.cmpf oeq, %convert_element_type3A_22, %eq3A_496 : vector<128x128xf32>
    %broadcast_in_dim3A_498 = vector.shape_cast %broadcast_in_dim3A_489 : vector<128x1xf32> to vector<128x1xf32>
    %broadcast_in_dim3A_499 = vector.broadcast %broadcast_in_dim3A_498 : vector<128x1xf32> to vector<128x128xf32>
    %select_n3A_500 = arith.select %eq3A_497, %broadcast_in_dim3A_499, %select_n3A_478 : vector<128x128xi1>, vector<128x128xf32>
    %reduce_min3A_501 = arith.constant dense<0x7F800000> : vector<128xf32>
    %reduce_min3A_502 = vector.multi_reduction <minimumf>, %select_n3A_494, %reduce_min3A_501 [1] : vector<128x512xf32> to vector<128xf32>
    %broadcast_in_dim3A_503 = vector.shape_cast %reduce_min3A_502 : vector<128xf32> to vector<128x1xf32>
    %eq3A_504 = vector.broadcast %broadcast_in_dim3A_503 : vector<128x1xf32> to vector<128x512xf32>
    %eq3A_505 = arith.cmpf oeq, %select_n3A_494, %eq3A_504 : vector<128x512xf32>
    %jit3A_506 = arith.constant 1.000000e+30 : f32
    %broadcast_in_dim3A_507 = vector.broadcast %jit3A_506 : f32 to vector<128x512xf32>
    %select_n3A_508 = arith.select %eq3A_505, %concatenate3A_455, %broadcast_in_dim3A_507 : vector<128x512xi1>, vector<128x512xf32>
    %reduce_min3A_509 = arith.constant dense<0x7F800000> : vector<128xf32>
    %reduce_min3A_510 = vector.multi_reduction <minimumf>, %select_n3A_508, %reduce_min3A_509 [1] : vector<128x512xf32> to vector<128xf32>
    %broadcast_in_dim3A_511 = vector.shape_cast %reduce_min3A_510 : vector<128xf32> to vector<128x1xf32>
    %eq3A_512 = vector.broadcast %broadcast_in_dim3A_511 : vector<128x1xf32> to vector<128x512xf32>
    %eq3A_513 = arith.cmpf oeq, %concatenate3A_455, %eq3A_512 : vector<128x512xf32>
    %jit3A_514 = arith.constant 1.000000e+30 : f32
    %broadcast_in_dim3A_515 = vector.broadcast %jit3A_514 : f32 to vector<128x512xf32>
    %select_n3A_516 = arith.select %eq3A_513, %broadcast_in_dim3A_515, %select_n3A_494 : vector<128x512xi1>, vector<128x512xf32>
    %eq3A_517 = arith.constant 2.000000e+00 : f32
    %eq3A_518 = vector.broadcast %eq3A_517 : f32 to vector<128x128xf32>
    %eq3A_519 = arith.cmpf oeq, %convert_element_type3A_22, %eq3A_518 : vector<128x128xf32>
    %broadcast_in_dim3A_520 = vector.shape_cast %broadcast_in_dim3A_511 : vector<128x1xf32> to vector<128x1xf32>
    %broadcast_in_dim3A_521 = vector.broadcast %broadcast_in_dim3A_520 : vector<128x1xf32> to vector<128x128xf32>
    %select_n3A_522 = arith.select %eq3A_519, %broadcast_in_dim3A_521, %select_n3A_500 : vector<128x128xi1>, vector<128x128xf32>
    %reduce_min3A_523 = arith.constant dense<0x7F800000> : vector<128xf32>
    %reduce_min3A_524 = vector.multi_reduction <minimumf>, %select_n3A_516, %reduce_min3A_523 [1] : vector<128x512xf32> to vector<128xf32>
    %broadcast_in_dim3A_525 = vector.shape_cast %reduce_min3A_524 : vector<128xf32> to vector<128x1xf32>
    %eq3A_526 = vector.broadcast %broadcast_in_dim3A_525 : vector<128x1xf32> to vector<128x512xf32>
    %eq3A_527 = arith.cmpf oeq, %select_n3A_516, %eq3A_526 : vector<128x512xf32>
    %jit3A_528 = arith.constant 1.000000e+30 : f32
    %broadcast_in_dim3A_529 = vector.broadcast %jit3A_528 : f32 to vector<128x512xf32>
    %select_n3A_530 = arith.select %eq3A_527, %concatenate3A_455, %broadcast_in_dim3A_529 : vector<128x512xi1>, vector<128x512xf32>
    %reduce_min3A_531 = arith.constant dense<0x7F800000> : vector<128xf32>
    %reduce_min3A_532 = vector.multi_reduction <minimumf>, %select_n3A_530, %reduce_min3A_531 [1] : vector<128x512xf32> to vector<128xf32>
    %broadcast_in_dim3A_533 = vector.shape_cast %reduce_min3A_532 : vector<128xf32> to vector<128x1xf32>
    %eq3A_534 = vector.broadcast %broadcast_in_dim3A_533 : vector<128x1xf32> to vector<128x512xf32>
    %eq3A_535 = arith.cmpf oeq, %concatenate3A_455, %eq3A_534 : vector<128x512xf32>
    %jit3A_536 = arith.constant 1.000000e+30 : f32
    %broadcast_in_dim3A_537 = vector.broadcast %jit3A_536 : f32 to vector<128x512xf32>
    %select_n3A_538 = arith.select %eq3A_535, %broadcast_in_dim3A_537, %select_n3A_516 : vector<128x512xi1>, vector<128x512xf32>
    %eq3A_539 = arith.constant 3.000000e+00 : f32
    %eq3A_540 = vector.broadcast %eq3A_539 : f32 to vector<128x128xf32>
    %eq3A_541 = arith.cmpf oeq, %convert_element_type3A_22, %eq3A_540 : vector<128x128xf32>
    %broadcast_in_dim3A_542 = vector.shape_cast %broadcast_in_dim3A_533 : vector<128x1xf32> to vector<128x1xf32>
    %broadcast_in_dim3A_543 = vector.broadcast %broadcast_in_dim3A_542 : vector<128x1xf32> to vector<128x128xf32>
    %select_n3A_544 = arith.select %eq3A_541, %broadcast_in_dim3A_543, %select_n3A_522 : vector<128x128xi1>, vector<128x128xf32>
    %reduce_min3A_545 = arith.constant dense<0x7F800000> : vector<128xf32>
    %reduce_min3A_546 = vector.multi_reduction <minimumf>, %select_n3A_538, %reduce_min3A_545 [1] : vector<128x512xf32> to vector<128xf32>
    %broadcast_in_dim3A_547 = vector.shape_cast %reduce_min3A_546 : vector<128xf32> to vector<128x1xf32>
    %eq3A_548 = vector.broadcast %broadcast_in_dim3A_547 : vector<128x1xf32> to vector<128x512xf32>
    %eq3A_549 = arith.cmpf oeq, %select_n3A_538, %eq3A_548 : vector<128x512xf32>
    %jit3A_550 = arith.constant 1.000000e+30 : f32
    %broadcast_in_dim3A_551 = vector.broadcast %jit3A_550 : f32 to vector<128x512xf32>
    %select_n3A_552 = arith.select %eq3A_549, %concatenate3A_455, %broadcast_in_dim3A_551 : vector<128x512xi1>, vector<128x512xf32>
    %reduce_min3A_553 = arith.constant dense<0x7F800000> : vector<128xf32>
    %reduce_min3A_554 = vector.multi_reduction <minimumf>, %select_n3A_552, %reduce_min3A_553 [1] : vector<128x512xf32> to vector<128xf32>
    %broadcast_in_dim3A_555 = vector.shape_cast %reduce_min3A_554 : vector<128xf32> to vector<128x1xf32>
    %eq3A_556 = vector.broadcast %broadcast_in_dim3A_555 : vector<128x1xf32> to vector<128x512xf32>
    %eq3A_557 = arith.cmpf oeq, %concatenate3A_455, %eq3A_556 : vector<128x512xf32>
    %jit3A_558 = arith.constant 1.000000e+30 : f32
    %broadcast_in_dim3A_559 = vector.broadcast %jit3A_558 : f32 to vector<128x512xf32>
    %select_n3A_560 = arith.select %eq3A_557, %broadcast_in_dim3A_559, %select_n3A_538 : vector<128x512xi1>, vector<128x512xf32>
    %eq3A_561 = arith.constant 4.000000e+00 : f32
    %eq3A_562 = vector.broadcast %eq3A_561 : f32 to vector<128x128xf32>
    %eq3A_563 = arith.cmpf oeq, %convert_element_type3A_22, %eq3A_562 : vector<128x128xf32>
    %broadcast_in_dim3A_564 = vector.shape_cast %broadcast_in_dim3A_555 : vector<128x1xf32> to vector<128x1xf32>
    %broadcast_in_dim3A_565 = vector.broadcast %broadcast_in_dim3A_564 : vector<128x1xf32> to vector<128x128xf32>
    %select_n3A_566 = arith.select %eq3A_563, %broadcast_in_dim3A_565, %select_n3A_544 : vector<128x128xi1>, vector<128x128xf32>
    %reduce_min3A_567 = arith.constant dense<0x7F800000> : vector<128xf32>
    %reduce_min3A_568 = vector.multi_reduction <minimumf>, %select_n3A_560, %reduce_min3A_567 [1] : vector<128x512xf32> to vector<128xf32>
    %broadcast_in_dim3A_569 = vector.shape_cast %reduce_min3A_568 : vector<128xf32> to vector<128x1xf32>
    %eq3A_570 = vector.broadcast %broadcast_in_dim3A_569 : vector<128x1xf32> to vector<128x512xf32>
    %eq3A_571 = arith.cmpf oeq, %select_n3A_560, %eq3A_570 : vector<128x512xf32>
    %jit3A_572 = arith.constant 1.000000e+30 : f32
    %broadcast_in_dim3A_573 = vector.broadcast %jit3A_572 : f32 to vector<128x512xf32>
    %select_n3A_574 = arith.select %eq3A_571, %concatenate3A_455, %broadcast_in_dim3A_573 : vector<128x512xi1>, vector<128x512xf32>
    %reduce_min3A_575 = arith.constant dense<0x7F800000> : vector<128xf32>
    %reduce_min3A_576 = vector.multi_reduction <minimumf>, %select_n3A_574, %reduce_min3A_575 [1] : vector<128x512xf32> to vector<128xf32>
    %broadcast_in_dim3A_577 = vector.shape_cast %reduce_min3A_576 : vector<128xf32> to vector<128x1xf32>
    %eq3A_578 = vector.broadcast %broadcast_in_dim3A_577 : vector<128x1xf32> to vector<128x512xf32>
    %eq3A_579 = arith.cmpf oeq, %concatenate3A_455, %eq3A_578 : vector<128x512xf32>
    %jit3A_580 = arith.constant 1.000000e+30 : f32
    %broadcast_in_dim3A_581 = vector.broadcast %jit3A_580 : f32 to vector<128x512xf32>
    %select_n3A_582 = arith.select %eq3A_579, %broadcast_in_dim3A_581, %select_n3A_560 : vector<128x512xi1>, vector<128x512xf32>
    %eq3A_583 = arith.constant 5.000000e+00 : f32
    %eq3A_584 = vector.broadcast %eq3A_583 : f32 to vector<128x128xf32>
    %eq3A_585 = arith.cmpf oeq, %convert_element_type3A_22, %eq3A_584 : vector<128x128xf32>
    %broadcast_in_dim3A_586 = vector.shape_cast %broadcast_in_dim3A_577 : vector<128x1xf32> to vector<128x1xf32>
    %broadcast_in_dim3A_587 = vector.broadcast %broadcast_in_dim3A_586 : vector<128x1xf32> to vector<128x128xf32>
    %select_n3A_588 = arith.select %eq3A_585, %broadcast_in_dim3A_587, %select_n3A_566 : vector<128x128xi1>, vector<128x128xf32>
    %reduce_min3A_589 = arith.constant dense<0x7F800000> : vector<128xf32>
    %reduce_min3A_590 = vector.multi_reduction <minimumf>, %select_n3A_582, %reduce_min3A_589 [1] : vector<128x512xf32> to vector<128xf32>
    %broadcast_in_dim3A_591 = vector.shape_cast %reduce_min3A_590 : vector<128xf32> to vector<128x1xf32>
    %eq3A_592 = vector.broadcast %broadcast_in_dim3A_591 : vector<128x1xf32> to vector<128x512xf32>
    %eq3A_593 = arith.cmpf oeq, %select_n3A_582, %eq3A_592 : vector<128x512xf32>
    %jit3A_594 = arith.constant 1.000000e+30 : f32
    %broadcast_in_dim3A_595 = vector.broadcast %jit3A_594 : f32 to vector<128x512xf32>
    %select_n3A_596 = arith.select %eq3A_593, %concatenate3A_455, %broadcast_in_dim3A_595 : vector<128x512xi1>, vector<128x512xf32>
    %reduce_min3A_597 = arith.constant dense<0x7F800000> : vector<128xf32>
    %reduce_min3A_598 = vector.multi_reduction <minimumf>, %select_n3A_596, %reduce_min3A_597 [1] : vector<128x512xf32> to vector<128xf32>
    %broadcast_in_dim3A_599 = vector.shape_cast %reduce_min3A_598 : vector<128xf32> to vector<128x1xf32>
    %eq3A_600 = vector.broadcast %broadcast_in_dim3A_599 : vector<128x1xf32> to vector<128x512xf32>
    %eq3A_601 = arith.cmpf oeq, %concatenate3A_455, %eq3A_600 : vector<128x512xf32>
    %jit3A_602 = arith.constant 1.000000e+30 : f32
    %broadcast_in_dim3A_603 = vector.broadcast %jit3A_602 : f32 to vector<128x512xf32>
    %select_n3A_604 = arith.select %eq3A_601, %broadcast_in_dim3A_603, %select_n3A_582 : vector<128x512xi1>, vector<128x512xf32>
    %eq3A_605 = arith.constant 6.000000e+00 : f32
    %eq3A_606 = vector.broadcast %eq3A_605 : f32 to vector<128x128xf32>
    %eq3A_607 = arith.cmpf oeq, %convert_element_type3A_22, %eq3A_606 : vector<128x128xf32>
    %broadcast_in_dim3A_608 = vector.shape_cast %broadcast_in_dim3A_599 : vector<128x1xf32> to vector<128x1xf32>
    %broadcast_in_dim3A_609 = vector.broadcast %broadcast_in_dim3A_608 : vector<128x1xf32> to vector<128x128xf32>
    %select_n3A_610 = arith.select %eq3A_607, %broadcast_in_dim3A_609, %select_n3A_588 : vector<128x128xi1>, vector<128x128xf32>
    %reduce_min3A_611 = arith.constant dense<0x7F800000> : vector<128xf32>
    %reduce_min3A_612 = vector.multi_reduction <minimumf>, %select_n3A_604, %reduce_min3A_611 [1] : vector<128x512xf32> to vector<128xf32>
    %broadcast_in_dim3A_613 = vector.shape_cast %reduce_min3A_612 : vector<128xf32> to vector<128x1xf32>
    %eq3A_614 = vector.broadcast %broadcast_in_dim3A_613 : vector<128x1xf32> to vector<128x512xf32>
    %eq3A_615 = arith.cmpf oeq, %select_n3A_604, %eq3A_614 : vector<128x512xf32>
    %jit3A_616 = arith.constant 1.000000e+30 : f32
    %broadcast_in_dim3A_617 = vector.broadcast %jit3A_616 : f32 to vector<128x512xf32>
    %select_n3A_618 = arith.select %eq3A_615, %concatenate3A_455, %broadcast_in_dim3A_617 : vector<128x512xi1>, vector<128x512xf32>
    %reduce_min3A_619 = arith.constant dense<0x7F800000> : vector<128xf32>
    %reduce_min3A_620 = vector.multi_reduction <minimumf>, %select_n3A_618, %reduce_min3A_619 [1] : vector<128x512xf32> to vector<128xf32>
    %broadcast_in_dim3A_621 = vector.shape_cast %reduce_min3A_620 : vector<128xf32> to vector<128x1xf32>
    %eq3A_622 = vector.broadcast %broadcast_in_dim3A_621 : vector<128x1xf32> to vector<128x512xf32>
    %eq3A_623 = arith.cmpf oeq, %concatenate3A_455, %eq3A_622 : vector<128x512xf32>
    %jit3A_624 = arith.constant 1.000000e+30 : f32
    %broadcast_in_dim3A_625 = vector.broadcast %jit3A_624 : f32 to vector<128x512xf32>
    %select_n3A_626 = arith.select %eq3A_623, %broadcast_in_dim3A_625, %select_n3A_604 : vector<128x512xi1>, vector<128x512xf32>
    %eq3A_627 = arith.constant 7.000000e+00 : f32
    %eq3A_628 = vector.broadcast %eq3A_627 : f32 to vector<128x128xf32>
    %eq3A_629 = arith.cmpf oeq, %convert_element_type3A_22, %eq3A_628 : vector<128x128xf32>
    %broadcast_in_dim3A_630 = vector.shape_cast %broadcast_in_dim3A_621 : vector<128x1xf32> to vector<128x1xf32>
    %broadcast_in_dim3A_631 = vector.broadcast %broadcast_in_dim3A_630 : vector<128x1xf32> to vector<128x128xf32>
    %select_n3A_632 = arith.select %eq3A_629, %broadcast_in_dim3A_631, %select_n3A_610 : vector<128x128xi1>, vector<128x128xf32>
    %reduce_min3A_633 = arith.constant dense<0x7F800000> : vector<128xf32>
    %reduce_min3A_634 = vector.multi_reduction <minimumf>, %select_n3A_626, %reduce_min3A_633 [1] : vector<128x512xf32> to vector<128xf32>
    %broadcast_in_dim3A_635 = vector.shape_cast %reduce_min3A_634 : vector<128xf32> to vector<128x1xf32>
    %eq3A_636 = vector.broadcast %broadcast_in_dim3A_635 : vector<128x1xf32> to vector<128x512xf32>
    %eq3A_637 = arith.cmpf oeq, %select_n3A_626, %eq3A_636 : vector<128x512xf32>
    %jit3A_638 = arith.constant 1.000000e+30 : f32
    %broadcast_in_dim3A_639 = vector.broadcast %jit3A_638 : f32 to vector<128x512xf32>
    %select_n3A_640 = arith.select %eq3A_637, %concatenate3A_455, %broadcast_in_dim3A_639 : vector<128x512xi1>, vector<128x512xf32>
    %reduce_min3A_641 = arith.constant dense<0x7F800000> : vector<128xf32>
    %reduce_min3A_642 = vector.multi_reduction <minimumf>, %select_n3A_640, %reduce_min3A_641 [1] : vector<128x512xf32> to vector<128xf32>
    %broadcast_in_dim3A_643 = vector.shape_cast %reduce_min3A_642 : vector<128xf32> to vector<128x1xf32>
    %eq3A_644 = vector.broadcast %broadcast_in_dim3A_643 : vector<128x1xf32> to vector<128x512xf32>
    %eq3A_645 = arith.cmpf oeq, %concatenate3A_455, %eq3A_644 : vector<128x512xf32>
    %jit3A_646 = arith.constant 1.000000e+30 : f32
    %broadcast_in_dim3A_647 = vector.broadcast %jit3A_646 : f32 to vector<128x512xf32>
    %select_n3A_648 = arith.select %eq3A_645, %broadcast_in_dim3A_647, %select_n3A_626 : vector<128x512xi1>, vector<128x512xf32>
    %eq3A_649 = arith.constant 8.000000e+00 : f32
    %eq3A_650 = vector.broadcast %eq3A_649 : f32 to vector<128x128xf32>
    %eq3A_651 = arith.cmpf oeq, %convert_element_type3A_22, %eq3A_650 : vector<128x128xf32>
    %broadcast_in_dim3A_652 = vector.shape_cast %broadcast_in_dim3A_643 : vector<128x1xf32> to vector<128x1xf32>
    %broadcast_in_dim3A_653 = vector.broadcast %broadcast_in_dim3A_652 : vector<128x1xf32> to vector<128x128xf32>
    %select_n3A_654 = arith.select %eq3A_651, %broadcast_in_dim3A_653, %select_n3A_632 : vector<128x128xi1>, vector<128x128xf32>
    %reduce_min3A_655 = arith.constant dense<0x7F800000> : vector<128xf32>
    %reduce_min3A_656 = vector.multi_reduction <minimumf>, %select_n3A_648, %reduce_min3A_655 [1] : vector<128x512xf32> to vector<128xf32>
    %broadcast_in_dim3A_657 = vector.shape_cast %reduce_min3A_656 : vector<128xf32> to vector<128x1xf32>
    %eq3A_658 = vector.broadcast %broadcast_in_dim3A_657 : vector<128x1xf32> to vector<128x512xf32>
    %eq3A_659 = arith.cmpf oeq, %select_n3A_648, %eq3A_658 : vector<128x512xf32>
    %jit3A_660 = arith.constant 1.000000e+30 : f32
    %broadcast_in_dim3A_661 = vector.broadcast %jit3A_660 : f32 to vector<128x512xf32>
    %select_n3A_662 = arith.select %eq3A_659, %concatenate3A_455, %broadcast_in_dim3A_661 : vector<128x512xi1>, vector<128x512xf32>
    %reduce_min3A_663 = arith.constant dense<0x7F800000> : vector<128xf32>
    %reduce_min3A_664 = vector.multi_reduction <minimumf>, %select_n3A_662, %reduce_min3A_663 [1] : vector<128x512xf32> to vector<128xf32>
    %broadcast_in_dim3A_665 = vector.shape_cast %reduce_min3A_664 : vector<128xf32> to vector<128x1xf32>
    %eq3A_666 = vector.broadcast %broadcast_in_dim3A_665 : vector<128x1xf32> to vector<128x512xf32>
    %eq3A_667 = arith.cmpf oeq, %concatenate3A_455, %eq3A_666 : vector<128x512xf32>
    %jit3A_668 = arith.constant 1.000000e+30 : f32
    %broadcast_in_dim3A_669 = vector.broadcast %jit3A_668 : f32 to vector<128x512xf32>
    %select_n3A_670 = arith.select %eq3A_667, %broadcast_in_dim3A_669, %select_n3A_648 : vector<128x512xi1>, vector<128x512xf32>
    %eq3A_671 = arith.constant 9.000000e+00 : f32
    %eq3A_672 = vector.broadcast %eq3A_671 : f32 to vector<128x128xf32>
    %eq3A_673 = arith.cmpf oeq, %convert_element_type3A_22, %eq3A_672 : vector<128x128xf32>
    %broadcast_in_dim3A_674 = vector.shape_cast %broadcast_in_dim3A_665 : vector<128x1xf32> to vector<128x1xf32>
    %broadcast_in_dim3A_675 = vector.broadcast %broadcast_in_dim3A_674 : vector<128x1xf32> to vector<128x128xf32>
    %select_n3A_676 = arith.select %eq3A_673, %broadcast_in_dim3A_675, %select_n3A_654 : vector<128x128xi1>, vector<128x128xf32>
    %reduce_min3A_677 = arith.constant dense<0x7F800000> : vector<128xf32>
    %reduce_min3A_678 = vector.multi_reduction <minimumf>, %select_n3A_670, %reduce_min3A_677 [1] : vector<128x512xf32> to vector<128xf32>
    %broadcast_in_dim3A_679 = vector.shape_cast %reduce_min3A_678 : vector<128xf32> to vector<128x1xf32>
    %eq3A_680 = vector.broadcast %broadcast_in_dim3A_679 : vector<128x1xf32> to vector<128x512xf32>
    %eq3A_681 = arith.cmpf oeq, %select_n3A_670, %eq3A_680 : vector<128x512xf32>
    %jit3A_682 = arith.constant 1.000000e+30 : f32
    %broadcast_in_dim3A_683 = vector.broadcast %jit3A_682 : f32 to vector<128x512xf32>
    %select_n3A_684 = arith.select %eq3A_681, %concatenate3A_455, %broadcast_in_dim3A_683 : vector<128x512xi1>, vector<128x512xf32>
    %reduce_min3A_685 = arith.constant dense<0x7F800000> : vector<128xf32>
    %reduce_min3A_686 = vector.multi_reduction <minimumf>, %select_n3A_684, %reduce_min3A_685 [1] : vector<128x512xf32> to vector<128xf32>
    %broadcast_in_dim3A_687 = vector.shape_cast %reduce_min3A_686 : vector<128xf32> to vector<128x1xf32>
    %eq3A_688 = vector.broadcast %broadcast_in_dim3A_687 : vector<128x1xf32> to vector<128x512xf32>
    %eq3A_689 = arith.cmpf oeq, %concatenate3A_455, %eq3A_688 : vector<128x512xf32>
    %jit3A_690 = arith.constant 1.000000e+30 : f32
    %broadcast_in_dim3A_691 = vector.broadcast %jit3A_690 : f32 to vector<128x512xf32>
    %select_n3A_692 = arith.select %eq3A_689, %broadcast_in_dim3A_691, %select_n3A_670 : vector<128x512xi1>, vector<128x512xf32>
    %eq3A_693 = arith.constant 1.000000e+01 : f32
    %eq3A_694 = vector.broadcast %eq3A_693 : f32 to vector<128x128xf32>
    %eq3A_695 = arith.cmpf oeq, %convert_element_type3A_22, %eq3A_694 : vector<128x128xf32>
    %broadcast_in_dim3A_696 = vector.shape_cast %broadcast_in_dim3A_687 : vector<128x1xf32> to vector<128x1xf32>
    %broadcast_in_dim3A_697 = vector.broadcast %broadcast_in_dim3A_696 : vector<128x1xf32> to vector<128x128xf32>
    %select_n3A_698 = arith.select %eq3A_695, %broadcast_in_dim3A_697, %select_n3A_676 : vector<128x128xi1>, vector<128x128xf32>
    %reduce_min3A_699 = arith.constant dense<0x7F800000> : vector<128xf32>
    %reduce_min3A_700 = vector.multi_reduction <minimumf>, %select_n3A_692, %reduce_min3A_699 [1] : vector<128x512xf32> to vector<128xf32>
    %broadcast_in_dim3A_701 = vector.shape_cast %reduce_min3A_700 : vector<128xf32> to vector<128x1xf32>
    %eq3A_702 = vector.broadcast %broadcast_in_dim3A_701 : vector<128x1xf32> to vector<128x512xf32>
    %eq3A_703 = arith.cmpf oeq, %select_n3A_692, %eq3A_702 : vector<128x512xf32>
    %jit3A_704 = arith.constant 1.000000e+30 : f32
    %broadcast_in_dim3A_705 = vector.broadcast %jit3A_704 : f32 to vector<128x512xf32>
    %select_n3A_706 = arith.select %eq3A_703, %concatenate3A_455, %broadcast_in_dim3A_705 : vector<128x512xi1>, vector<128x512xf32>
    %reduce_min3A_707 = arith.constant dense<0x7F800000> : vector<128xf32>
    %reduce_min3A_708 = vector.multi_reduction <minimumf>, %select_n3A_706, %reduce_min3A_707 [1] : vector<128x512xf32> to vector<128xf32>
    %broadcast_in_dim3A_709 = vector.shape_cast %reduce_min3A_708 : vector<128xf32> to vector<128x1xf32>
    %eq3A_710 = vector.broadcast %broadcast_in_dim3A_709 : vector<128x1xf32> to vector<128x512xf32>
    %eq3A_711 = arith.cmpf oeq, %concatenate3A_455, %eq3A_710 : vector<128x512xf32>
    %jit3A_712 = arith.constant 1.000000e+30 : f32
    %broadcast_in_dim3A_713 = vector.broadcast %jit3A_712 : f32 to vector<128x512xf32>
    %select_n3A_714 = arith.select %eq3A_711, %broadcast_in_dim3A_713, %select_n3A_692 : vector<128x512xi1>, vector<128x512xf32>
    %eq3A_715 = arith.constant 1.100000e+01 : f32
    %eq3A_716 = vector.broadcast %eq3A_715 : f32 to vector<128x128xf32>
    %eq3A_717 = arith.cmpf oeq, %convert_element_type3A_22, %eq3A_716 : vector<128x128xf32>
    %broadcast_in_dim3A_718 = vector.shape_cast %broadcast_in_dim3A_709 : vector<128x1xf32> to vector<128x1xf32>
    %broadcast_in_dim3A_719 = vector.broadcast %broadcast_in_dim3A_718 : vector<128x1xf32> to vector<128x128xf32>
    %select_n3A_720 = arith.select %eq3A_717, %broadcast_in_dim3A_719, %select_n3A_698 : vector<128x128xi1>, vector<128x128xf32>
    %reduce_min3A_721 = arith.constant dense<0x7F800000> : vector<128xf32>
    %reduce_min3A_722 = vector.multi_reduction <minimumf>, %select_n3A_714, %reduce_min3A_721 [1] : vector<128x512xf32> to vector<128xf32>
    %broadcast_in_dim3A_723 = vector.shape_cast %reduce_min3A_722 : vector<128xf32> to vector<128x1xf32>
    %eq3A_724 = vector.broadcast %broadcast_in_dim3A_723 : vector<128x1xf32> to vector<128x512xf32>
    %eq3A_725 = arith.cmpf oeq, %select_n3A_714, %eq3A_724 : vector<128x512xf32>
    %jit3A_726 = arith.constant 1.000000e+30 : f32
    %broadcast_in_dim3A_727 = vector.broadcast %jit3A_726 : f32 to vector<128x512xf32>
    %select_n3A_728 = arith.select %eq3A_725, %concatenate3A_455, %broadcast_in_dim3A_727 : vector<128x512xi1>, vector<128x512xf32>
    %reduce_min3A_729 = arith.constant dense<0x7F800000> : vector<128xf32>
    %reduce_min3A_730 = vector.multi_reduction <minimumf>, %select_n3A_728, %reduce_min3A_729 [1] : vector<128x512xf32> to vector<128xf32>
    %broadcast_in_dim3A_731 = vector.shape_cast %reduce_min3A_730 : vector<128xf32> to vector<128x1xf32>
    %eq3A_732 = vector.broadcast %broadcast_in_dim3A_731 : vector<128x1xf32> to vector<128x512xf32>
    %eq3A_733 = arith.cmpf oeq, %concatenate3A_455, %eq3A_732 : vector<128x512xf32>
    %jit3A_734 = arith.constant 1.000000e+30 : f32
    %broadcast_in_dim3A_735 = vector.broadcast %jit3A_734 : f32 to vector<128x512xf32>
    %select_n3A_736 = arith.select %eq3A_733, %broadcast_in_dim3A_735, %select_n3A_714 : vector<128x512xi1>, vector<128x512xf32>
    %eq3A_737 = arith.constant 1.200000e+01 : f32
    %eq3A_738 = vector.broadcast %eq3A_737 : f32 to vector<128x128xf32>
    %eq3A_739 = arith.cmpf oeq, %convert_element_type3A_22, %eq3A_738 : vector<128x128xf32>
    %broadcast_in_dim3A_740 = vector.shape_cast %broadcast_in_dim3A_731 : vector<128x1xf32> to vector<128x1xf32>
    %broadcast_in_dim3A_741 = vector.broadcast %broadcast_in_dim3A_740 : vector<128x1xf32> to vector<128x128xf32>
    %select_n3A_742 = arith.select %eq3A_739, %broadcast_in_dim3A_741, %select_n3A_720 : vector<128x128xi1>, vector<128x128xf32>
    %reduce_min3A_743 = arith.constant dense<0x7F800000> : vector<128xf32>
    %reduce_min3A_744 = vector.multi_reduction <minimumf>, %select_n3A_736, %reduce_min3A_743 [1] : vector<128x512xf32> to vector<128xf32>
    %broadcast_in_dim3A_745 = vector.shape_cast %reduce_min3A_744 : vector<128xf32> to vector<128x1xf32>
    %eq3A_746 = vector.broadcast %broadcast_in_dim3A_745 : vector<128x1xf32> to vector<128x512xf32>
    %eq3A_747 = arith.cmpf oeq, %select_n3A_736, %eq3A_746 : vector<128x512xf32>
    %jit3A_748 = arith.constant 1.000000e+30 : f32
    %broadcast_in_dim3A_749 = vector.broadcast %jit3A_748 : f32 to vector<128x512xf32>
    %select_n3A_750 = arith.select %eq3A_747, %concatenate3A_455, %broadcast_in_dim3A_749 : vector<128x512xi1>, vector<128x512xf32>
    %reduce_min3A_751 = arith.constant dense<0x7F800000> : vector<128xf32>
    %reduce_min3A_752 = vector.multi_reduction <minimumf>, %select_n3A_750, %reduce_min3A_751 [1] : vector<128x512xf32> to vector<128xf32>
    %broadcast_in_dim3A_753 = vector.shape_cast %reduce_min3A_752 : vector<128xf32> to vector<128x1xf32>
    %eq3A_754 = vector.broadcast %broadcast_in_dim3A_753 : vector<128x1xf32> to vector<128x512xf32>
    %eq3A_755 = arith.cmpf oeq, %concatenate3A_455, %eq3A_754 : vector<128x512xf32>
    %jit3A_756 = arith.constant 1.000000e+30 : f32
    %broadcast_in_dim3A_757 = vector.broadcast %jit3A_756 : f32 to vector<128x512xf32>
    %select_n3A_758 = arith.select %eq3A_755, %broadcast_in_dim3A_757, %select_n3A_736 : vector<128x512xi1>, vector<128x512xf32>
    %eq3A_759 = arith.constant 1.300000e+01 : f32
    %eq3A_760 = vector.broadcast %eq3A_759 : f32 to vector<128x128xf32>
    %eq3A_761 = arith.cmpf oeq, %convert_element_type3A_22, %eq3A_760 : vector<128x128xf32>
    %broadcast_in_dim3A_762 = vector.shape_cast %broadcast_in_dim3A_753 : vector<128x1xf32> to vector<128x1xf32>
    %broadcast_in_dim3A_763 = vector.broadcast %broadcast_in_dim3A_762 : vector<128x1xf32> to vector<128x128xf32>
    %select_n3A_764 = arith.select %eq3A_761, %broadcast_in_dim3A_763, %select_n3A_742 : vector<128x128xi1>, vector<128x128xf32>
    %reduce_min3A_765 = arith.constant dense<0x7F800000> : vector<128xf32>
    %reduce_min3A_766 = vector.multi_reduction <minimumf>, %select_n3A_758, %reduce_min3A_765 [1] : vector<128x512xf32> to vector<128xf32>
    %broadcast_in_dim3A_767 = vector.shape_cast %reduce_min3A_766 : vector<128xf32> to vector<128x1xf32>
    %eq3A_768 = vector.broadcast %broadcast_in_dim3A_767 : vector<128x1xf32> to vector<128x512xf32>
    %eq3A_769 = arith.cmpf oeq, %select_n3A_758, %eq3A_768 : vector<128x512xf32>
    %jit3A_770 = arith.constant 1.000000e+30 : f32
    %broadcast_in_dim3A_771 = vector.broadcast %jit3A_770 : f32 to vector<128x512xf32>
    %select_n3A_772 = arith.select %eq3A_769, %concatenate3A_455, %broadcast_in_dim3A_771 : vector<128x512xi1>, vector<128x512xf32>
    %reduce_min3A_773 = arith.constant dense<0x7F800000> : vector<128xf32>
    %reduce_min3A_774 = vector.multi_reduction <minimumf>, %select_n3A_772, %reduce_min3A_773 [1] : vector<128x512xf32> to vector<128xf32>
    %broadcast_in_dim3A_775 = vector.shape_cast %reduce_min3A_774 : vector<128xf32> to vector<128x1xf32>
    %eq3A_776 = vector.broadcast %broadcast_in_dim3A_775 : vector<128x1xf32> to vector<128x512xf32>
    %eq3A_777 = arith.cmpf oeq, %concatenate3A_455, %eq3A_776 : vector<128x512xf32>
    %jit3A_778 = arith.constant 1.000000e+30 : f32
    %broadcast_in_dim3A_779 = vector.broadcast %jit3A_778 : f32 to vector<128x512xf32>
    %select_n3A_780 = arith.select %eq3A_777, %broadcast_in_dim3A_779, %select_n3A_758 : vector<128x512xi1>, vector<128x512xf32>
    %eq3A_781 = arith.constant 1.400000e+01 : f32
    %eq3A_782 = vector.broadcast %eq3A_781 : f32 to vector<128x128xf32>
    %eq3A_783 = arith.cmpf oeq, %convert_element_type3A_22, %eq3A_782 : vector<128x128xf32>
    %broadcast_in_dim3A_784 = vector.shape_cast %broadcast_in_dim3A_775 : vector<128x1xf32> to vector<128x1xf32>
    %broadcast_in_dim3A_785 = vector.broadcast %broadcast_in_dim3A_784 : vector<128x1xf32> to vector<128x128xf32>
    %select_n3A_786 = arith.select %eq3A_783, %broadcast_in_dim3A_785, %select_n3A_764 : vector<128x128xi1>, vector<128x128xf32>
    %reduce_min3A_787 = arith.constant dense<0x7F800000> : vector<128xf32>
    %reduce_min3A_788 = vector.multi_reduction <minimumf>, %select_n3A_780, %reduce_min3A_787 [1] : vector<128x512xf32> to vector<128xf32>
    %broadcast_in_dim3A_789 = vector.shape_cast %reduce_min3A_788 : vector<128xf32> to vector<128x1xf32>
    %eq3A_790 = vector.broadcast %broadcast_in_dim3A_789 : vector<128x1xf32> to vector<128x512xf32>
    %eq3A_791 = arith.cmpf oeq, %select_n3A_780, %eq3A_790 : vector<128x512xf32>
    %jit3A_792 = arith.constant 1.000000e+30 : f32
    %broadcast_in_dim3A_793 = vector.broadcast %jit3A_792 : f32 to vector<128x512xf32>
    %select_n3A_794 = arith.select %eq3A_791, %concatenate3A_455, %broadcast_in_dim3A_793 : vector<128x512xi1>, vector<128x512xf32>
    %reduce_min3A_795 = arith.constant dense<0x7F800000> : vector<128xf32>
    %reduce_min3A_796 = vector.multi_reduction <minimumf>, %select_n3A_794, %reduce_min3A_795 [1] : vector<128x512xf32> to vector<128xf32>
    %broadcast_in_dim3A_797 = vector.shape_cast %reduce_min3A_796 : vector<128xf32> to vector<128x1xf32>
    %eq3A_798 = arith.constant 1.500000e+01 : f32
    %eq3A_799 = vector.broadcast %eq3A_798 : f32 to vector<128x128xf32>
    %eq3A_800 = arith.cmpf oeq, %convert_element_type3A_22, %eq3A_799 : vector<128x128xf32>
    %broadcast_in_dim3A_801 = vector.shape_cast %broadcast_in_dim3A_797 : vector<128x1xf32> to vector<128x1xf32>
    %broadcast_in_dim3A_802 = vector.broadcast %broadcast_in_dim3A_801 : vector<128x1xf32> to vector<128x128xf32>
    %select_n3A_803 = arith.select %eq3A_800, %broadcast_in_dim3A_802, %select_n3A_786 : vector<128x128xi1>, vector<128x128xf32>
    %iota3A_804 = tpu.iota {dimensions = array<i32: 0>} : vector<128x2304xi32>
    %convert_element_type3A_805 = arith.sitofp %iota3A_804 : vector<128x2304xi32> to vector<128x2304xf32>
    %mul3A_806 = arith.constant 128 : i32
    %mul3A_807 = arith.muli %arg1, %mul3A_806 : i32
    %convert_element_type3A_808 = arith.sitofp %mul3A_807 : i32 to f32
    %add3A_809 = vector.broadcast %convert_element_type3A_808 : f32 to vector<128x2304xf32>
    %add3A_810 = arith.addf %convert_element_type3A_805, %add3A_809 : vector<128x2304xf32>
    %le3A = vector.broadcast %broadcast_in_dim3A_789 : vector<128x1xf32> to vector<128x2304xf32>
    %le3A_811 = arith.cmpf ole, %select_n3A_20, %le3A : vector<128x2304xf32>
    %lt3A_812 = vector.broadcast %select_n3A : f32 to vector<128x2304xf32>
    %lt3A_813 = arith.cmpf olt, %add3A_810, %lt3A_812 : vector<128x2304xf32>
    %and3A = arith.andi %le3A_811, %lt3A_813 : vector<128x2304xi1>
    %jit3A_814 = arith.constant 1.000000e+00 : f32
    %jit3A_815 = arith.constant 0.000000e+00 : f32
    %broadcast_in_dim3A_816 = vector.broadcast %jit3A_814 : f32 to vector<128x2304xf32>
    %broadcast_in_dim3A_817 = vector.broadcast %jit3A_815 : f32 to vector<128x2304xf32>
    %select_n3A_818 = arith.select %and3A, %broadcast_in_dim3A_816, %broadcast_in_dim3A_817 : vector<128x2304xi1>, vector<128x2304xf32>
    %convert_element_type3A_819 = arith.fptosi %select_n3A_803 : vector<128x128xf32> to vector<128x128xi32>
    %mul3A_820 = arith.constant 2304 : i32
    %mul3A_821 = arith.muli %arg0, %mul3A_820 : i32
    %add3A_822 = vector.broadcast %mul3A_821 : i32 to vector<128x128xi32>
    %add3A_823 = arith.addi %convert_element_type3A_819, %add3A_822 : vector<128x128xi32>
    %swap3A = arith.constant 0 : index
    %swap3A_824 = arith.constant 0 : index
    %swap3A_825 = vector.load %arg4[%swap3A, %swap3A_824] : memref<128x128xi32, #tpu.memory_space<vmem>>, vector<128x128xi32>
    tpu.vector_store %arg4[%swap3A, %swap3A_824], %add3A_823 {strides = array<i32>} : memref<128x128xi32, #tpu.memory_space<vmem>>, vector<128x128xi32>,
    %eq3A_826 = arith.constant 0 : i32
    %eq3A_827 = arith.cmpi eq, %arg1, %eq3A_826 : i32
    %convert_element_type3A_828 = arith.extui %eq3A_827 : i1 to i32
    %cond3A = arith.constant 0 : i32
    %cond3A_829 = arith.cmpi ne, %convert_element_type3A_828, %cond3A : i32
    scf.if %cond3A_829 {
      %broadcast_in_dim3A_857 = arith.constant 0.000000e+00 : f32
      %broadcast_in_dim3A_858 = vector.broadcast %broadcast_in_dim3A_857 : f32 to vector<1x1x2304xf32>
      %swap3A_859 = arith.constant 0 : index
      %swap3A_860 = arith.constant 0 : index
      %swap3A_861 = arith.constant 0 : index
      %swap3A_862 = vector.load %arg5[%swap3A_859, %swap3A_860, %swap3A_861] : memref<1x1x2304xf32, #tpu.memory_space<vmem>>, vector<1x1x2304xf32>
      tpu.vector_store %arg5[%swap3A_859, %swap3A_860, %swap3A_861], %broadcast_in_dim3A_858 {strides = array<i32>} : memref<1x1x2304xf32, #tpu.memory_space<vmem>>, vector<1x1x2304xf32>,
      %broadcast_in_dim3A_863 = arith.constant 0.000000e+00 : f32
      %broadcast_in_dim3A_864 = vector.broadcast %broadcast_in_dim3A_863 : f32 to vector<1x1x2304xf32>
      %swap3A_865 = arith.constant 0 : index
      %swap3A_866 = arith.constant 0 : index
      %swap3A_867 = arith.constant 0 : index
      %swap3A_868 = vector.load %arg6[%swap3A_865, %swap3A_866, %swap3A_867] : memref<1x1x2304xf32, #tpu.memory_space<vmem>>, vector<1x1x2304xf32>
      tpu.vector_store %arg6[%swap3A_865, %swap3A_866, %swap3A_867], %broadcast_in_dim3A_864 {strides = array<i32>} : memref<1x1x2304xf32, #tpu.memory_space<vmem>>, vector<1x1x2304xf32>,
    } else {
    }
    %get3A_830 = arith.constant 0 : index
    %get3A_831 = arith.constant 0 : index
    %get3A_832 = arith.constant 0 : index
    %get3A_833 = vector.load %arg5[%get3A_830, %get3A_831, %get3A_832] : memref<1x1x2304xf32, #tpu.memory_space<vmem>>, vector<1x1x2304xf32>
    %reduce_sum3A_834 = arith.constant dense<0.000000e+00> : vector<2304xf32>
    %reduce_sum3A_835 = vector.multi_reduction <add>, %select_n3A_818, %reduce_sum3A_834 [0] : vector<128x2304xf32> to vector<2304xf32>
    %reshape3A = vector.shape_cast %reduce_sum3A_835 : vector<2304xf32> to vector<1x1x2304xf32>
    %add3A_836 = arith.addf %get3A_833, %reshape3A : vector<1x1x2304xf32>
    %swap3A_837 = arith.constant 0 : index
    %swap3A_838 = arith.constant 0 : index
    %swap3A_839 = arith.constant 0 : index
    %swap3A_840 = vector.load %arg5[%swap3A_837, %swap3A_838, %swap3A_839] : memref<1x1x2304xf32, #tpu.memory_space<vmem>>, vector<1x1x2304xf32>
    tpu.vector_store %arg5[%swap3A_837, %swap3A_838, %swap3A_839], %add3A_836 {strides = array<i32>} : memref<1x1x2304xf32, #tpu.memory_space<vmem>>, vector<1x1x2304xf32>,
    %get3A_841 = arith.constant 0 : index
    %get3A_842 = arith.constant 0 : index
    %get3A_843 = arith.constant 0 : index
    %get3A_844 = vector.load %arg6[%get3A_841, %get3A_842, %get3A_843] : memref<1x1x2304xf32, #tpu.memory_space<vmem>>, vector<1x1x2304xf32>
    %eq3A_845 = arith.cmpf oeq, %convert_element_type3A, %add3A_810 : vector<128x2304xf32>
    %jit3A_846 = arith.constant 0.000000e+00 : f32
    %broadcast_in_dim3A_847 = vector.broadcast %jit3A_846 : f32 to vector<128x2304xf32>
    %select_n3A_848 = arith.select %eq3A_845, %select_n3A_818, %broadcast_in_dim3A_847 : vector<128x2304xi1>, vector<128x2304xf32>
    %reduce_sum3A_849 = arith.constant dense<0.000000e+00> : vector<2304xf32>
    %reduce_sum3A_850 = vector.multi_reduction <add>, %select_n3A_848, %reduce_sum3A_849 [0] : vector<128x2304xf32> to vector<2304xf32>
    %reshape3A_851 = vector.shape_cast %reduce_sum3A_850 : vector<2304xf32> to vector<1x1x2304xf32>
    %add3A_852 = arith.addf %get3A_844, %reshape3A_851 : vector<1x1x2304xf32>
    %swap3A_853 = arith.constant 0 : index
    %swap3A_854 = arith.constant 0 : index
    %swap3A_855 = arith.constant 0 : index
    %swap3A_856 = vector.load %arg6[%swap3A_853, %swap3A_854, %swap3A_855] : memref<1x1x2304xf32, #tpu.memory_space<vmem>>, vector<1x1x2304xf32>
    tpu.vector_store %arg6[%swap3A_853, %swap3A_854, %swap3A_855], %add3A_852 {strides = array<i32>} : memref<1x1x2304xf32, #tpu.memory_space<vmem>>, vector<1x1x2304xf32>,
    return
  }
  func.func @transform_0(%arg0: i32, %arg1: i32) -> (i32, i32, i32) {
    %c0_i32 = arith.constant 0 : i32
    %c0_i32_0 = arith.constant 0 : i32
    return %arg0, %arg1, %c0_i32 : i32, i32, i32
  }
  func.func @transform_1(%arg0: i32, %arg1: i32) -> (i32, i32, i32) {
    %c0_i32 = arith.constant 0 : i32
    %c0_i32_0 = arith.constant 0 : i32
    %c0_i32_1 = arith.constant 0 : i32
    return %arg0, %c0_i32, %c0_i32_0 : i32, i32, i32
  }
  func.func @transform_2(%arg0: i32, %arg1: i32) -> (i32, i32) {
    %mul3A = arith.constant 18 : i32
    %mul3A_0 = arith.muli %arg0, %mul3A : i32
    %add3A = arith.addi %mul3A_0, %arg1 : i32
    %c0_i32 = arith.constant 0 : i32
    %c0_i32_1 = arith.constant 0 : i32
    return %add3A, %c0_i32 : i32, i32
  }
  func.func @transform_3(%arg0: i32, %arg1: i32) -> (i32, i32, i32) {
    %c0_i32 = arith.constant 0 : i32
    %c0_i32_0 = arith.constant 0 : i32
    %c0_i32_1 = arith.constant 0 : i32
    return %arg0, %c0_i32, %c0_i32_0 : i32, i32, i32
  }
  func.func @transform_4(%arg0: i32, %arg1: i32) -> (i32, i32, i32) {
    %c0_i32 = arith.constant 0 : i32
    %c0_i32_0 = arith.constant 0 : i32
    %c0_i32_1 = arith.constant 0 : i32
    return %arg0, %c0_i32, %c0_i32_0 : i32, i32, i32
  }
}

module attributes {stable_mosaic.version = 14 : i64} {
  func.func @_out_kernel(%arg0: i32, %arg1: i32, %arg2: memref<1x128x128xf32, #tpu.memory_space<vmem>>, %arg3: memref<1x128x128xf32, #tpu.memory_space<vmem>>, %arg4: memref<1x1x128xf32, #tpu.memory_space<vmem>>, %arg5: memref<1x1x128xf32, #tpu.memory_space<vmem>>, %arg6: memref<128x128xf32, #tpu.memory_space<vmem>>, %arg7: memref<128x128xf32, #tpu.memory_space<vmem>>, %arg8: memref<128x1xf32, #tpu.memory_space<vmem>>, %arg9: memref<1x128x128xf32, #tpu.memory_space<vmem>>) attributes {dimension_semantics = [#tpu.dimension_semantics<arbitrary>, #tpu.dimension_semantics<arbitrary>], iteration_bounds = array<i64: 4, 18>, scalar_prefetch = 0 : i64, scratch_operands = 0 : i64, tpu.core_type = #tpu.core_type<tc>, window_params = [{transform_indices = @transform_0, window_bounds = array<i64: 1, 128, 128>}, {transform_indices = @transform_1, window_bounds = array<i64: 1, 128, 128>}, {transform_indices = @transform_2, window_bounds = array<i64: 1, 1, 128>}, {transform_indices = @transform_3, window_bounds = array<i64: 1, 1, 128>}, {pipeline_mode = #tpu.pipeline_mode<synchronous>, transform_indices = @transform_4, window_bounds = array<i64: 128, 128>}, {pipeline_mode = #tpu.pipeline_mode<synchronous>, transform_indices = @transform_5, window_bounds = array<i64: 128, 128>}, {pipeline_mode = #tpu.pipeline_mode<synchronous>, transform_indices = @transform_6, window_bounds = array<i64: 128, 1>}, {transform_indices = @transform_7, window_bounds = array<i64: 1, 128, 128>}]} {
    %get3A = arith.constant 0 : index
    %get3A_0 = arith.constant 0 : index
    %get3A_1 = arith.constant 0 : index
    %get3A_2 = vector.load %arg4[%get3A, %get3A_0, %get3A_1] : memref<1x1x128xf32, #tpu.memory_space<vmem>>, vector<1x1x128xf32>
    %get3A_3 = vector.shape_cast %get3A_2 : vector<1x1x128xf32> to vector<1x128xf32>
    %get3A_4 = arith.constant 0 : index
    %get3A_5 = arith.constant 0 : index
    %get3A_6 = arith.constant 0 : index
    %get3A_7 = vector.load %arg5[%get3A_4, %get3A_5, %get3A_6] : memref<1x1x128xf32, #tpu.memory_space<vmem>>, vector<1x1x128xf32>
    %get3A_8 = vector.shape_cast %get3A_7 : vector<1x1x128xf32> to vector<1x128xf32>
    %get3A_9 = arith.constant 0 : index
    %get3A_10 = arith.constant 0 : index
    %get3A_11 = arith.constant 0 : index
    %get3A_12 = vector.load %arg3[%get3A_9, %get3A_10, %get3A_11] : memref<1x128x128xf32, #tpu.memory_space<vmem>>, vector<1x128x128xf32>
    %get3A_13 = vector.shape_cast %get3A_12 : vector<1x128x128xf32> to vector<128x128xf32>
    %neg3A = arith.constant 0.000000e+00 : f32
    %neg3A_14 = vector.broadcast %neg3A : f32 to vector<1x128xf32>
    %neg3A_15 = arith.subf %neg3A_14, %get3A_3 : vector<1x128xf32>
    %get3A_16 = arith.constant 0 : index
    %get3A_17 = arith.constant 0 : index
    %get3A_18 = arith.constant 0 : index
    %get3A_19 = vector.load %arg2[%get3A_16, %get3A_17, %get3A_18] : memref<1x128x128xf32, #tpu.memory_space<vmem>>, vector<1x128x128xf32>
    %get3A_20 = vector.shape_cast %get3A_19 : vector<1x128x128xf32> to vector<128x128xf32>
    %mul3A = vector.broadcast %neg3A_15 : vector<1x128xf32> to vector<128x128xf32>
    %mul3A_21 = arith.mulf %mul3A, %get3A_20 : vector<128x128xf32>
    %mul3A_22 = arith.mulf %get3A_3, %get3A_3 : vector<1x128xf32>
    %mul3A_23 = arith.mulf %mul3A_22, %get3A_8 : vector<1x128xf32>
    %mul3A_24 = vector.broadcast %mul3A_23 : vector<1x128xf32> to vector<128x128xf32>
    %mul3A_25 = arith.mulf %mul3A_24, %get3A_13 : vector<128x128xf32>
    %add3A = arith.addf %mul3A_21, %mul3A_25 : vector<128x128xf32>
    %get3A_26 = arith.constant 0 : index
    %get3A_27 = arith.constant 0 : index
    %get3A_28 = vector.load %arg6[%get3A_26, %get3A_27] : memref<128x128xf32, #tpu.memory_space<vmem>>, vector<128x128xf32>
    %dot_general3A = arith.constant dense<0.000000e+00> : vector<128x128xf32>
    %dot_general3A_29 = tpu.matmul %get3A_28, %get3A_13, %dot_general3A {dimension_numbers = #tpu.dot_dimension_numbers<[1], [0], [0], [1], [0, 0, 1, 1], [], []>, precision = #tpu.contract_precision<fp32>, transpose_lhs_hint = false} : vector<128x128xf32>, vector<128x128xf32>, vector<128x128xf32> -> vector<128x128xf32>
    %get3A_30 = arith.constant 0 : index
    %get3A_31 = arith.constant 0 : index
    %get3A_32 = vector.load %arg7[%get3A_30, %get3A_31] : memref<128x128xf32, #tpu.memory_space<vmem>>, vector<128x128xf32>
    %dot_general3A_33 = arith.constant dense<0.000000e+00> : vector<128x128xf32>
    %dot_general3A_34 = tpu.matmul %get3A_32, %add3A, %dot_general3A_33 {dimension_numbers = #tpu.dot_dimension_numbers<[1], [0], [0], [1], [0, 0, 1, 1], [], []>, precision = #tpu.contract_precision<fp32>, transpose_lhs_hint = false} : vector<128x128xf32>, vector<128x128xf32>, vector<128x128xf32> -> vector<128x128xf32>
    %add3A_35 = arith.addf %dot_general3A_29, %dot_general3A_34 : vector<128x128xf32>
    %get3A_36 = arith.constant 0 : index
    %get3A_37 = arith.constant 0 : index
    %get3A_38 = vector.load %arg8[%get3A_36, %get3A_37] : memref<128x1xf32, #tpu.memory_space<vmem>>, vector<128x1xf32>
    %add3A_39 = vector.broadcast %get3A_38 : vector<128x1xf32> to vector<128x128xf32>
    %add3A_40 = arith.addf %add3A_35, %add3A_39 : vector<128x128xf32>
    %swap3A = arith.constant 0 : index
    %swap3A_41 = arith.constant 0 : index
    %swap3A_42 = arith.constant 0 : index
    %swap3A_43 = vector.load %arg9[%swap3A, %swap3A_41, %swap3A_42] : memref<1x128x128xf32, #tpu.memory_space<vmem>>, vector<1x128x128xf32>
    %swap3A_44 = vector.shape_cast %swap3A_43 : vector<1x128x128xf32> to vector<128x128xf32>
    %swap3A_45 = vector.shape_cast %add3A_40 : vector<128x128xf32> to vector<1x128x128xf32>
    tpu.vector_store %arg9[%swap3A, %swap3A_41, %swap3A_42], %swap3A_45 {strides = array<i32>} : memref<1x128x128xf32, #tpu.memory_space<vmem>>, vector<1x128x128xf32>,
    return
  }
  func.func @transform_0(%arg0: i32, %arg1: i32) -> (i32, i32, i32) {
    %c0_i32 = arith.constant 0 : i32
    %c0_i32_0 = arith.constant 0 : i32
    return %arg0, %c0_i32, %arg1 : i32, i32, i32
  }
  func.func @transform_1(%arg0: i32, %arg1: i32) -> (i32, i32, i32) {
    %c0_i32 = arith.constant 0 : i32
    %c0_i32_0 = arith.constant 0 : i32
    return %arg0, %c0_i32, %arg1 : i32, i32, i32
  }
  func.func @transform_2(%arg0: i32, %arg1: i32) -> (i32, i32, i32) {
    %mul3A = arith.constant 18 : i32
    %mul3A_0 = arith.muli %arg0, %mul3A : i32
    %add3A = arith.addi %mul3A_0, %arg1 : i32
    %c0_i32 = arith.constant 0 : i32
    %c0_i32_1 = arith.constant 0 : i32
    %c0_i32_2 = arith.constant 0 : i32
    return %add3A, %c0_i32, %c0_i32_1 : i32, i32, i32
  }
  func.func @transform_3(%arg0: i32, %arg1: i32) -> (i32, i32, i32) {
    %mul3A = arith.constant 18 : i32
    %mul3A_0 = arith.muli %arg0, %mul3A : i32
    %add3A = arith.addi %mul3A_0, %arg1 : i32
    %c0_i32 = arith.constant 0 : i32
    %c0_i32_1 = arith.constant 0 : i32
    %c0_i32_2 = arith.constant 0 : i32
    return %add3A, %c0_i32, %c0_i32_1 : i32, i32, i32
  }
  func.func @transform_4(%arg0: i32, %arg1: i32) -> (i32, i32) {
    %c0_i32 = arith.constant 0 : i32
    %c0_i32_0 = arith.constant 0 : i32
    %c0_i32_1 = arith.constant 0 : i32
    return %c0_i32, %c0_i32_0 : i32, i32
  }
  func.func @transform_5(%arg0: i32, %arg1: i32) -> (i32, i32) {
    %c0_i32 = arith.constant 0 : i32
    %c0_i32_0 = arith.constant 0 : i32
    %c0_i32_1 = arith.constant 0 : i32
    return %c0_i32, %c0_i32_0 : i32, i32
  }
  func.func @transform_6(%arg0: i32, %arg1: i32) -> (i32, i32) {
    %c0_i32 = arith.constant 0 : i32
    %c0_i32_0 = arith.constant 0 : i32
    %c0_i32_1 = arith.constant 0 : i32
    return %c0_i32, %c0_i32_0 : i32, i32
  }
  func.func @transform_7(%arg0: i32, %arg1: i32) -> (i32, i32, i32) {
    %c0_i32 = arith.constant 0 : i32
    %c0_i32_0 = arith.constant 0 : i32
    return %arg0, %c0_i32, %arg1 : i32, i32, i32
  }
}

</mosaic_0001>

<sc_bundles>
// kernel: kernel.6.cloned.1.call-start
scs
__scs_entry_jumppad:
0x0: {  	(pc) =	sbr.rel $0x88, $3  }
0x1: {  	(tag) =	ssettag $0x0;
	lr =	simm.s32 $0x1  }
0x2: {  	[smem:$0x3F9D] =	sst lr;
	_ =	strace $0xD0000000  }
0x3: {  	_ = 	snop  }
0x4: {  	_ = 	snop  }
0x5: {  	_ = 	snop  }
0x6: {  	_ = 	snop  }
0x7: {  	_ = 	snop  }
__scs_overlays_trampoline_lowered:
0x8: {  	[smem:$0x3FAC] =	sst s0  }
0x9: {  	[smem:$0x3FAD] =	sst s1  }
0xa: {  	[smem:$0x3FAE] =	sst s2  }
0xb: {  	[smem:$0x3FAF] =	sst s3  }
0xc: {  	[smem:$0x3FB0] =	sst s4  }
0xd: {  	[smem:$0x3FB1] =	sst s5  }
0xe: {  	[smem:$0x3FB2] =	sst s6  }
0xf: {  	[smem:$0x3FB3] =	sst s7  }
0x10: {  	[smem:$0x3FB4] =	sst s8  }
0x11: {  	[smem:$0x3FB5] =	sst s9;
	s0 =	simm.s32 @!p0 $0x0  }
0x12: {  	s1 =	sld [smem:$0x3F9B];
	s0 =	simm.s32 @p0 $0x1  }
0x13: {  	[smem:$0x3FB6] =	sst s0;
	s0 =	simm.s32 @!p1 $0x0  }
0x14: {  	s2 =	sld [smem:$0x3F9A];
	s0 =	simm.s32 @p1 $0x1  }
0x15: {  	[smem:$0x3FB7] =	sst s0;
	s0 =	simm.s32 @!p2 $0x0  }
0x16: {  	s3 =	sld [smem:$0x3FDB];
	s0 =	simm.s32 @p2 $0x1  }
0x17: {  	s4 =	simm.s32 $0x1BF5;
	[smem:$0x3FB9] =	sst s0  }
0x18: {  	s0 =	sld [smem:$0x3F9C];
	_ =	swait.ge [sflag:s4], $0x0  }
0x19: {  	s7 =	sld [smem:$0x3F9D]  }
0x1a: {  	s8 =	sadd.s32 $0xFFFFE003, lr  }
0x1b: {  	s9 =	sadd.s32 $0xFFFFFEF7, lr;
	s5 =	simm.s32 $0xFFFFFFFF;
	p2 =	slt.u32 s8, $0xFFFFF086  }
0x1c: {  	p1 =	slt.u32 s9, $0xF7A;
	s5 =	simm.s32 @!p2 $0x0  }
0x1d: {  	s5 =	simm.s32 @p1 $0x1;
	p0 =	seq.s32 s7, s2  }
0x1e: {  	s7 =	smul.u32 @!p0 $0xF7A, s2;
	p2 =	seq.s32 @!p0 s5, $0x0  }
0x1f: {  	s9 =	smul.u32 $0xF7A, s1;
	s8 =	simm.s32 @!p0 $0x1BF5;
	p2 =	por !p2, p0  }
0x20: {  	[sflag:s8] =	ssyncset.s32 @!p0 $0xFFFFF086;
	s6 =	sadd.s32 @!p0 s3, s7;
	s7 =	simm.s32 @!p0 $0x108  }
0x21: {  	s3 =	sadd.s32 s3, s9;
	s6 =	sadd.s32 @!p0 $0x88, s6;
	s7 =	simm.s32 @p2 $0x1082  }
0x22: {  	[simem:s7], [sflag:s8] =	dma.local @!p0 [hbm:s6], $0xF7A  }
0x23: {  	s9 =	sor.u32 $0xD0000000, s2;
	s6 =	simm.s32 $0x108;
	_ =	swait.ge @!p0 [sflag:s8], $0x0  }
0x24: {  	s3 =	sadd.s32 $0x88, s3;
	s6 =	simm.s32 @!p1 $0x1082;
	[sflag:s4] =	ssyncset.s32 $0xFFFFF086  }
0x25: {  	[simem:s6], [sflag:s4] =	dma.local [hbm:s3], $0xF7A  }
0x26: {  	[smem:$0x3F9D] =	sst s1;
	(tag) =	ssettag s2;
	_ =	strace s9  }
0x27: {  	s1 =	sld [smem:$0x3FAD]  }
0x28: {  	s2 =	sld [smem:$0x3FAE]  }
0x29: {  	s4 =	sld [smem:$0x3FB0]  }
0x2a: {  	p0 =	seq.s32 s5, $0x0;
	s5 =	sld [smem:$0x3FB1]  }
0x2b: {  	s6 =	sld [smem:$0x3FB2]  }
0x2c: {  	s7 =	sld [smem:$0x3FB3]  }
0x2d: {  	s3 =	simm.s32 $0x108;
	s8 =	sld [smem:$0x3FB4]  }
0x2e: {  	s3 =	simm.s32 @!p0 $0x1082;
	s9 =	sld [smem:$0x3FB5]  }
0x2f: {  	lr =	sadd.s32 s0, s3;
	s0 =	sld [smem:$0x3FAC]  }
0x30: {  	s3 =	sld [smem:$0x3FAF]  }
0x31: {  	[smem:$0x3FB8] =	sst s10  }
0x32: {  	s10 =	sld [smem:$0x3FB6];
	_ =	sdelay $0x3  }
0x33: {  	p0 =	seq.s32 s10, $0x1;
	s10 =	sld [smem:$0x3FB8];
	_ =	sdelay $0x3  }
0x34: {  	[smem:$0x3FB8] =	sst s10  }
0x35: {  	s10 =	sld [smem:$0x3FB7];
	_ =	sdelay $0x3  }
0x36: {  	p1 =	seq.s32 s10, $0x1;
	s10 =	sld [smem:$0x3FB8];
	_ =	sdelay $0x3  }
0x37: {  	[smem:$0x3FB8] =	sst s10  }
0x38: {  	s10 =	sld [smem:$0x3FB9]  }
0x39: {  	_ = 	snop;
	(pc) =	sbr.ind lr, $3  }
0x3a: {  	_ = 	snop  }
0x3b: {  	_ = 	snop  }
0x3c: {  	p2 =	seq.s32 s10, $0x1;
	s10 =	sld [smem:$0x3FB8]  }
0x3d: {  	_ =	shalt  }
0x3e: {  	_ =	shalt  }
0x3f: {  	_ =	shalt  }
0x40: {  	_ =	shalt  }
0x41: {  	_ =	shalt  }
0x42: {  	_ =	shalt  }
0x43: {  	_ =	shalt  }
0x44: {  	_ =	shalt  }
0x45: {  	_ =	shalt  }
0x46: {  	_ =	shalt  }
0x47: {  	_ =	shalt  }
0x48: {  	_ =	shalt  }
0x49: {  	_ =	shalt  }
0x4a: {  	_ =	shalt  }
0x4b: {  	_ =	shalt  }
0x4c: {  	_ =	shalt  }
0x4d: {  	_ =	shalt  }
0x4e: {  	_ =	shalt  }
0x4f: {  	_ =	shalt  }
0x50: {  	_ =	shalt  }
0x51: {  	_ =	shalt  }
0x52: {  	_ =	shalt  }
0x53: {  	_ =	shalt  }
0x54: {  	_ =	shalt  }
0x55: {  	_ =	shalt  }
0x56: {  	_ =	shalt  }
0x57: {  	_ =	shalt  }
0x58: {  	_ =	shalt  }
0x59: {  	_ =	shalt  }
0x5a: {  	_ =	shalt  }
0x5b: {  	_ =	shalt  }
0x5c: {  	_ =	shalt  }
0x5d: {  	_ =	shalt  }
0x5e: {  	_ =	shalt  }
0x5f: {  	_ =	shalt  }
0x60: {  	_ =	shalt  }
0x61: {  	_ =	shalt  }
0x62: {  	_ =	shalt  }
0x63: {  	_ =	shalt  }
0x64: {  	_ =	shalt  }
0x65: {  	_ =	shalt  }
0x66: {  	_ =	shalt  }
0x67: {  	_ =	shalt  }
0x68: {  	_ =	shalt  }
0x69: {  	_ =	shalt  }
0x6a: {  	_ =	shalt  }
0x6b: {  	_ =	shalt  }
0x6c: {  	_ =	shalt  }
0x6d: {  	_ =	shalt  }
0x6e: {  	_ =	shalt  }
0x6f: {  	_ =	shalt  }
0x70: {  	_ =	shalt  }
0x71: {  	_ =	shalt  }
0x72: {  	_ =	shalt  }
0x73: {  	_ =	shalt  }
0x74: {  	_ =	shalt  }
0x75: {  	_ =	shalt  }
0x76: {  	_ =	shalt  }
0x77: {  	_ =	shalt  }
0x78: {  	_ =	shalt  }
0x79: {  	_ =	shalt  }
0x7a: {  	_ =	shalt  }
0x7b: {  	_ =	shalt  }
0x7c: {  	_ =	shalt  }
0x7d: {  	_ =	shalt  }
0x7e: {  	_ =	shalt  }
0x7f: {  	_ =	shalt  }
0x80: {  	_ =	shalt  }
0x81: {  	_ =	shalt  }
0x82: {  	_ =	shalt  }
0x83: {  	_ =	shalt  }
0x84: {  	_ =	shalt  }
0x85: {  	_ =	shalt  }
0x86: {  	_ =	shalt  }
0x87: {  	_ =	shalt  }
.Lfunc_end0:
.L_simem_size_0:
called_computation_lowered:
.L_overlay_start_0:
0x88: {  	s2 =	sld [smem:$0x3FD9]  }
0x89: {  	s3 =	sld [smem:$0x3FFE];
	_ =	sdelay $0x1  }
0x8a: {  	s1 =	srdreg.scid  }
0x8b: {  	s0 =	sand.u32 $0x1, s1  }
0x8c: {  	s17 =	sshll.u32 s0, $0xA;
	s2 =	sadd.s32 s3, s2  }
0x8d: {  	s2 =	sadd.s32 s2, s17  }
0x8e: {  	[smem:$0x3FC4] =	sst s2  }
0x8f: {  	_ = 	snop  }
0x90: {  	s2 =	sld [smem:$0x3FD0];
	(tm) =	ssettm $0x1  }
0x91: {  	s18 =	sld [smem:$0x3FFB];
	_ =	sdelay $0x3  }
0x92: {  	_ =	strace s18  }
0x93: {  	s3 =	sld [smem:$0x3FFC];
	_ =	sdelay $0x3  }
0x94: {  	_ =	strace s3  }
0x95: {  	s3 =	sld [smem:$0x3FFD];
	_ =	sdelay $0x3  }
0x96: {  	_ =	strace s3  }
0x97: {  	_ =	strace $0x8FFFFFFF  }
0x98: {  	s19 =	sld [smem:$0x3FDB];
	_ =	sdelay $0x1  }
0x99: {  	s4 =	simm.s32 $_scs_section_size  }
0x9a: {  	s5 =	simm.s32 $_size__tile_overlayer_lowered;
	s6 =	simm.s32 $_tile_overlayer_lowered  }
0x9b: {  	s22 =	simm.s32 $0x1BFF;
	s21 =	sshll.u32 s6, $0x1;
	s3 =	sadd.s32 s4, s19  }
0x9c: {  	s7 =	simm.s32 $0x0;
	s20 =	sshll.u32 s5, $0x1;
	s5 =	sadd.s32 s21, s3  }
0x9d: {  	[timem:s7], [sflag:s22] =	dma.local [hbm:s5], s20  }
0x9e: {  	_ =	swait.ge [sflag:s22], s20  }
0x9f: {  	s4 =	ssub.s32 $0x0, s20;
	[sflag:s22] =	ssyncset.done $0x0  }
0xa0: {  	[sflag:s22] =	ssyncadd.s32 s4;
	_ =	sdelay $0x1  }
0xa1: {  	s23 =	simm.s32 $0x1B8B  }
0xa2: {  	_ =	swait.ge [sflag:s23], $0x1  }
0xa3: {  	[sflag:s23] =	ssyncset.done $0x0  }
0xa4: {  	s25 =	simm.s32 $0x1B8E;
	s24 =	sld [smem:$0x3FFE];
	[sflag:s23] =	ssyncadd.s32 $0xFFFFFFFF  }
0xa5: {  	s26 =	simm.s32 $execute0_lowered;
	[smem:$0x3FD2] =	sst s25  }
0xa6: {  	s5 =	sshll.u32 s26, $0x1;
	_ =	strace $0x80000046;
	[dreg:$0x1] =	wrdreg $0xFFFFFFFF  }
0xa7: {  	s28 =	simm.s32 $_size_execute0_lowered;
	s3 =	sadd.s32 s3, s5;
	[dreg:$0x0] =	wrdreg $0x0  }
0xa8: {  	s5 =	sshll.u32 s28, $0x1;
	[dreg:$0x2] =	wrdreg s3  }
0xa9: {  	[dreg:$0x3] =	wrdreg s5  }
0xaa: {  	[dreg:$0x4] =	wrdreg $0xC0  }
0xab: {  	_ =	task [dreg:s7], $0x5FFFF  }
0xac: {  	[dreg:$0x1] =	wrdreg $0xFFFFFFFF  }
0xad: {  	[dreg:$0x0] =	wrdreg $0x60  }
0xae: {  	[dreg:$0x2] =	wrdreg s2  }
0xaf: {  	[dreg:$0x3] =	wrdreg s24  }
0xb0: {  	[dreg:$0x4] =	wrdreg $0x9  }
0xb1: {  	_ =	task.clear_ibuf [dreg:s7], $0x5FFFF;
	_ =	strace $0x90000046  }
0xb2: {  	s29 =	simm.s32 $0x9;
	_ =	strace $0x80000048  }
0xb3: {  	_ =	swait.ge [sflag:s29], $0x1  }
0xb4: {  	[sflag:s29] =	ssyncadd.s32 $0xFFFFFFFF  }
0xb5: {  	_ =	strace $0x90000048  }
0xb6: {  	_ =	sfence  }
0xb7: {  	s30 =	sld [smem:$0x0];
	_ =	sdelay $0x2  }
0xb8: {  	s31 =	sshll.u32 s1, $0xD;
	s1 =	sshrl.u32 s1, $0x2  }
0xb9: {  	s3 =	sand.u32 $0x4000, s31;
	s1 =	sadd.s32 s1, s30  }
0xba: {  	s0 =	sor.u32 s3, s0;
	s1 =	sshll.u32 s1, $0x11  }
0xbb: {  	s0 =	sor.u32 s1, s0  }
0xbc: {  	s0 =	sadd.s32 $0x8F2B, s0  }
0xbd: {  	[sflag:s0] =	ssyncadd.remote.s32 $0x1  }
0xbe: {  	_ =	sfence.sel $0xFFFF  }
0xbf: {  	[dreg:$0x0] =	wrdreg $0xFFFFFFFF;
	(pc) =	sbr.abs _section_cstart, $3  }
0xc0: {  	[dreg:$0x1] =	wrdreg $0xFFFFFFFF  }
0xc1: {  	_ =	task.clear_ibuf [dreg:s7], $0x2FFFF;
	_ =	strace $0x9FFFFFFF  }
0xc2: {  	(tm) =	ssettm $0x7FFFFFFF  }
0xc3: {  	_ =	shalt  }
tec
execute0_lowered:
.L_overlay_start_1:
0x0: {  	(tag) =	ssettag $0x1  }
0x1: {  	s4 =	rddreg [dreg:$0x0];
	s1 =	srdreg.scid  }
0x2: {  	s0 =	stileid.u32;
	s5 =	rddreg [dreg:$0x1]  }
0x3: {  	s2 =	simm.s32 $0x0;
	s9 =	simm.s32 $0x12000;
	s10 =	simm.s32 $0x12800  }
0x4: {  	s11 =	simm.s32 $0x1;
	s12 =	simm.s32 $0x2;
	s13 =	simm.s32 $0x9000  }
0x5: {  	s14 =	simm.s32 $0x0;
	s3 =	sand.u32 $0x1, s1;
	s6 =	sshll.u32 s0, $0x1  }
0x6: {  	s1 =	rddreg [dreg:$0x2];
	s6 =	sor.u32 s3, s6;
	s7 =	ssub.s32 $0x2, s3  }
0x7: {  	[smem:$0x7FF] =	sst s2;
	s6 =	smul.u32 $0x1200, s6;
	s8 =	sshrl.u32 s7, $0x1  }
0x8: {  	_ =	strace $0x80000047;
	s3 =	sadd.s32 $0x1200, s5;
	s7 =	ssub.s32 s7, s8  }
0x9: {  	s8 =	simm.s32 $0x10;
	s5 =	sadd.s32 s6, s5;
	s4 =	sadd.s32 s4, s6  }
0xa: {  	s6 =	smax.u32 s7, $0x1;
	s7 =	simm.s32 $0x3;
	s5 =	sadd.s32 $0x25200, s5  }
.LBB2_1:
0xb: {  	[tilespmem:s2], [sflag:$0x3] =	stream.linear.gather [hbm4b:s4+s2], $0x9000, $0x38;
	[tilespmem:$0x13000] =	vst v63  }
0xc: {  	_ =	swait.ge [sflag:s7], $0x9000  }
0xd: {  	[sflag:s7] =	ssyncset.done $0x0  }
0xe: {  	s15 =	simm.s32 $0x0;
	[sflag:s7] =	ssyncadd.s32 $0xFFFF7000  }
0xf: {  	[tilespmem:s9], [sflag:$0x1] =	stream.indirect.gather [hbm4b:s3+s8], $0x80, s2, s8, $0xb8;
	[tilespmem:$0x13000] =	vst v63  }
.LBB2_2:
0x10: {  	s16 =	sshra.s32 s15, $0x2  }
0x11: {  	s17 =	sadd.s32 $0x80, s16  }
0x12: {  	[tilespmem:s10], [sflag:$0x2] =	stream.indirect.gather [hbm4b:s3+s8], $0x80, s17, s8, $0xb8;
	[tilespmem:$0x13000] =	vst v63  }
0x13: {  	_ =	swait.ge [sflag:s11], $0x800  }
0x14: {  	[sflag:s11] =	ssyncset.done $0x0  }
0x15: {  	[sflag:s11] =	ssyncadd.s32 $0xFFFFF800  }
0x16: {  	v0 =	vld [tilespmem:$0x12000]  }
0x17: {  	v1 =	vld [tilespmem:$0x12080];
	_ =	sdelay $0x1  }
0x18: {  	v2 =	vld [tilespmem:$0x12100];
	_ =	sdelay $0x1  }
0x19: {  	v3 =	vld [tilespmem:$0x12180]  }
0x1a: {  	v0 =	vadd.f32 v1, v0  }
0x1b: {  	v58 =	vld [tilespmem:$0x12200]  }
0x1c: {  	v0 =	vadd.f32 v2, v0  }
0x1d: {  	v59 =	vld [tilespmem:$0x12280]  }
0x1e: {  	v0 =	vadd.f32 v3, v0  }
0x1f: {  	v60 =	vld [tilespmem:$0x12300]  }
0x20: {  	v0 =	vadd.f32 v58, v0  }
0x21: {  	v61 =	vld [tilespmem:$0x12380]  }
0x22: {  	v0 =	vadd.f32 v59, v0  }
0x23: {  	v62 =	vld [tilespmem:$0x12400]  }
0x24: {  	v0 =	vadd.f32 v60, v0  }
0x25: {  	v63 =	vld [tilespmem:$0x12480]  }
0x26: {  	v0 =	vadd.f32 v61, v0  }
0x27: {  	v6 =	vld [tilespmem:$0x12500]  }
0x28: {  	v0 =	vadd.f32 v62, v0  }
0x29: {  	v7 =	vld [tilespmem:$0x12580]  }
0x2a: {  	v0 =	vadd.f32 v63, v0  }
0x2b: {  	v8 =	vld [tilespmem:$0x12600]  }
0x2c: {  	v0 =	vadd.f32 v6, v0  }
0x2d: {  	v9 =	vld [tilespmem:$0x12680]  }
0x2e: {  	v0 =	vadd.f32 v7, v0  }
0x2f: {  	v10 =	vld [tilespmem:$0x12700]  }
0x30: {  	v0 =	vadd.f32 v8, v0  }
0x31: {  	v11 =	vld [tilespmem:$0x12780]  }
0x32: {  	v0 =	vadd.f32 v9, v0;
	_ =	sdelay $0x1  }
0x33: {  	v0 =	vadd.f32 v10, v0;
	_ =	sdelay $0x1  }
0x34: {  	v0 =	vadd.f32 v11, v0;
	_ =	sdelay $0x1  }
0x35: {  	[tilespmem:s16+$0x9000] =	vst v0  }
0x36: {  	v0 =	vld [tilespmem:$0x12010]  }
0x37: {  	v12 =	vld [tilespmem:$0x12090];
	_ =	sdelay $0x1  }
0x38: {  	v13 =	vld [tilespmem:$0x12110];
	_ =	sdelay $0x1  }
0x39: {  	v14 =	vld [tilespmem:$0x12190]  }
0x3a: {  	v0 =	vadd.f32 v12, v0  }
0x3b: {  	v15 =	vld [tilespmem:$0x12210]  }
0x3c: {  	v0 =	vadd.f32 v13, v0  }
0x3d: {  	v16 =	vld [tilespmem:$0x12290]  }
0x3e: {  	v0 =	vadd.f32 v14, v0  }
0x3f: {  	v17 =	vld [tilespmem:$0x12310]  }
0x40: {  	v0 =	vadd.f32 v15, v0  }
0x41: {  	v18 =	vld [tilespmem:$0x12390]  }
0x42: {  	v0 =	vadd.f32 v16, v0  }
0x43: {  	v19 =	vld [tilespmem:$0x12410]  }
0x44: {  	v0 =	vadd.f32 v17, v0  }
0x45: {  	v20 =	vld [tilespmem:$0x12490]  }
0x46: {  	v0 =	vadd.f32 v18, v0  }
0x47: {  	v21 =	vld [tilespmem:$0x12510]  }
0x48: {  	v0 =	vadd.f32 v19, v0  }
0x49: {  	v22 =	vld [tilespmem:$0x12590]  }
0x4a: {  	v0 =	vadd.f32 v20, v0  }
0x4b: {  	v23 =	vld [tilespmem:$0x12610]  }
0x4c: {  	v0 =	vadd.f32 v21, v0  }
0x4d: {  	v24 =	vld [tilespmem:$0x12690]  }
0x4e: {  	v0 =	vadd.f32 v22, v0  }
0x4f: {  	v25 =	vld [tilespmem:$0x12710]  }
0x50: {  	v0 =	vadd.f32 v23, v0  }
0x51: {  	v26 =	vld [tilespmem:$0x12790]  }
0x52: {  	v0 =	vadd.f32 v24, v0;
	_ =	sdelay $0x1  }
0x53: {  	v0 =	vadd.f32 v25, v0;
	_ =	sdelay $0x1  }
0x54: {  	v0 =	vadd.f32 v26, v0;
	_ =	sdelay $0x1  }
0x55: {  	[tilespmem:s16+$0x9010] =	vst v0  }
0x56: {  	v0 =	vld [tilespmem:$0x12020]  }
0x57: {  	v27 =	vld [tilespmem:$0x120A0];
	_ =	sdelay $0x1  }
0x58: {  	v28 =	vld [tilespmem:$0x12120];
	_ =	sdelay $0x1  }
0x59: {  	v29 =	vld [tilespmem:$0x121A0]  }
0x5a: {  	v0 =	vadd.f32 v27, v0  }
0x5b: {  	v30 =	vld [tilespmem:$0x12220]  }
0x5c: {  	v0 =	vadd.f32 v28, v0  }
0x5d: {  	v31 =	vld [tilespmem:$0x122A0]  }
0x5e: {  	v0 =	vadd.f32 v29, v0  }
0x5f: {  	v32 =	vld [tilespmem:$0x12320]  }
0x60: {  	v0 =	vadd.f32 v30, v0  }
0x61: {  	v33 =	vld [tilespmem:$0x123A0]  }
0x62: {  	v0 =	vadd.f32 v31, v0  }
0x63: {  	v34 =	vld [tilespmem:$0x12420]  }
0x64: {  	v0 =	vadd.f32 v32, v0  }
0x65: {  	v35 =	vld [tilespmem:$0x124A0]  }
0x66: {  	v0 =	vadd.f32 v33, v0  }
0x67: {  	v36 =	vld [tilespmem:$0x12520]  }
0x68: {  	v0 =	vadd.f32 v34, v0  }
0x69: {  	v37 =	vld [tilespmem:$0x125A0]  }
0x6a: {  	v0 =	vadd.f32 v35, v0  }
0x6b: {  	v38 =	vld [tilespmem:$0x12620]  }
0x6c: {  	v0 =	vadd.f32 v36, v0  }
0x6d: {  	v39 =	vld [tilespmem:$0x126A0]  }
0x6e: {  	v0 =	vadd.f32 v37, v0  }
0x6f: {  	v40 =	vld [tilespmem:$0x12720]  }
0x70: {  	v0 =	vadd.f32 v38, v0  }
0x71: {  	v41 =	vld [tilespmem:$0x127A0]  }
0x72: {  	v0 =	vadd.f32 v39, v0;
	_ =	sdelay $0x1  }
0x73: {  	v0 =	vadd.f32 v40, v0;
	_ =	sdelay $0x1  }
0x74: {  	v0 =	vadd.f32 v41, v0;
	_ =	sdelay $0x1  }
0x75: {  	[tilespmem:s16+$0x9020] =	vst v0  }
0x76: {  	v0 =	vld [tilespmem:$0x12030]  }
0x77: {  	v42 =	vld [tilespmem:$0x120B0];
	_ =	sdelay $0x1  }
0x78: {  	v43 =	vld [tilespmem:$0x12130];
	_ =	sdelay $0x1  }
0x79: {  	v44 =	vld [tilespmem:$0x121B0]  }
0x7a: {  	v0 =	vadd.f32 v42, v0  }
0x7b: {  	v45 =	vld [tilespmem:$0x12230]  }
0x7c: {  	v0 =	vadd.f32 v43, v0  }
0x7d: {  	v46 =	vld [tilespmem:$0x122B0]  }
0x7e: {  	v0 =	vadd.f32 v44, v0  }
0x7f: {  	v47 =	vld [tilespmem:$0x12330]  }
0x80: {  	v0 =	vadd.f32 v45, v0  }
0x81: {  	v48 =	vld [tilespmem:$0x123B0]  }
0x82: {  	v0 =	vadd.f32 v46, v0  }
0x83: {  	v49 =	vld [tilespmem:$0x12430]  }
0x84: {  	v0 =	vadd.f32 v47, v0  }
0x85: {  	v50 =	vld [tilespmem:$0x124B0]  }
0x86: {  	v0 =	vadd.f32 v48, v0  }
0x87: {  	v51 =	vld [tilespmem:$0x12530]  }
0x88: {  	v0 =	vadd.f32 v49, v0  }
0x89: {  	v52 =	vld [tilespmem:$0x125B0]  }
0x8a: {  	v0 =	vadd.f32 v50, v0  }
0x8b: {  	v53 =	vld [tilespmem:$0x12630]  }
0x8c: {  	v0 =	vadd.f32 v51, v0  }
0x8d: {  	v54 =	vld [tilespmem:$0x126B0]  }
0x8e: {  	v0 =	vadd.f32 v52, v0  }
0x8f: {  	v55 =	vld [tilespmem:$0x12730]  }
0x90: {  	v0 =	vadd.f32 v53, v0  }
0x91: {  	v56 =	vld [tilespmem:$0x127B0]  }
0x92: {  	v0 =	vadd.f32 v54, v0;
	_ =	sdelay $0x1  }
0x93: {  	v0 =	vadd.f32 v55, v0;
	_ =	sdelay $0x1  }
0x94: {  	v0 =	vadd.f32 v56, v0;
	_ =	sdelay $0x1  }
0x95: {  	[tilespmem:s16+$0x9030] =	vst v0  }
0x96: {  	v0 =	vld [tilespmem:$0x12040]  }
0x97: {  	v57 =	vld [tilespmem:$0x120C0];
	_ =	sdelay $0x1  }
0x98: {  	v58 =	vld [tilespmem:$0x12140];
	_ =	sdelay $0x1  }
0x99: {  	v59 =	vld [tilespmem:$0x121C0]  }
0x9a: {  	v0 =	vadd.f32 v57, v0  }
0x9b: {  	v60 =	vld [tilespmem:$0x12240]  }
0x9c: {  	v0 =	vadd.f32 v58, v0  }
0x9d: {  	v61 =	vld [tilespmem:$0x122C0]  }
0x9e: {  	v0 =	vadd.f32 v59, v0  }
0x9f: {  	v62 =	vld [tilespmem:$0x12340]  }
0xa0: {  	v0 =	vadd.f32 v60, v0  }
0xa1: {  	v63 =	vld [tilespmem:$0x123C0]  }
0xa2: {  	v0 =	vadd.f32 v61, v0  }
0xa3: {  	v6 =	vld [tilespmem:$0x12440]  }
0xa4: {  	v0 =	vadd.f32 v62, v0  }
0xa5: {  	v7 =	vld [tilespmem:$0x124C0]  }
0xa6: {  	v0 =	vadd.f32 v63, v0  }
0xa7: {  	v8 =	vld [tilespmem:$0x12540]  }
0xa8: {  	v0 =	vadd.f32 v6, v0  }
0xa9: {  	v9 =	vld [tilespmem:$0x125C0]  }
0xaa: {  	v0 =	vadd.f32 v7, v0  }
0xab: {  	v10 =	vld [tilespmem:$0x12640]  }
0xac: {  	v0 =	vadd.f32 v8, v0  }
0xad: {  	v11 =	vld [tilespmem:$0x126C0]  }
0xae: {  	v0 =	vadd.f32 v9, v0  }
0xaf: {  	v12 =	vld [tilespmem:$0x12740]  }
0xb0: {  	v0 =	vadd.f32 v10, v0  }
0xb1: {  	v13 =	vld [tilespmem:$0x127C0]  }
0xb2: {  	v0 =	vadd.f32 v11, v0;
	_ =	sdelay $0x1  }
0xb3: {  	v0 =	vadd.f32 v12, v0;
	_ =	sdelay $0x1  }
0xb4: {  	v0 =	vadd.f32 v13, v0;
	_ =	sdelay $0x1  }
0xb5: {  	[tilespmem:s16+$0x9040] =	vst v0  }
0xb6: {  	v0 =	vld [tilespmem:$0x12050]  }
0xb7: {  	v14 =	vld [tilespmem:$0x120D0];
	_ =	sdelay $0x1  }
0xb8: {  	v15 =	vld [tilespmem:$0x12150];
	_ =	sdelay $0x1  }
0xb9: {  	v16 =	vld [tilespmem:$0x121D0]  }
0xba: {  	v0 =	vadd.f32 v14, v0  }
0xbb: {  	v17 =	vld [tilespmem:$0x12250]  }
0xbc: {  	v0 =	vadd.f32 v15, v0  }
0xbd: {  	v18 =	vld [tilespmem:$0x122D0]  }
0xbe: {  	v0 =	vadd.f32 v16, v0  }
0xbf: {  	v19 =	vld [tilespmem:$0x12350]  }
0xc0: {  	v0 =	vadd.f32 v17, v0  }
0xc1: {  	v20 =	vld [tilespmem:$0x123D0]  }
0xc2: {  	v0 =	vadd.f32 v18, v0  }
0xc3: {  	v21 =	vld [tilespmem:$0x12450]  }
0xc4: {  	v0 =	vadd.f32 v19, v0  }
0xc5: {  	v22 =	vld [tilespmem:$0x124D0]  }
0xc6: {  	v0 =	vadd.f32 v20, v0  }
0xc7: {  	v23 =	vld [tilespmem:$0x12550]  }
0xc8: {  	v0 =	vadd.f32 v21, v0  }
0xc9: {  	v24 =	vld [tilespmem:$0x125D0]  }
0xca: {  	v0 =	vadd.f32 v22, v0  }
0xcb: {  	v25 =	vld [tilespmem:$0x12650]  }
0xcc: {  	v0 =	vadd.f32 v23, v0  }
0xcd: {  	v26 =	vld [tilespmem:$0x126D0]  }
0xce: {  	v0 =	vadd.f32 v24, v0  }
0xcf: {  	v27 =	vld [tilespmem:$0x12750]  }
0xd0: {  	v0 =	vadd.f32 v25, v0  }
0xd1: {  	v28 =	vld [tilespmem:$0x127D0]  }
0xd2: {  	v0 =	vadd.f32 v26, v0;
	_ =	sdelay $0x1  }
0xd3: {  	v0 =	vadd.f32 v27, v0;
	_ =	sdelay $0x1  }
0xd4: {  	v0 =	vadd.f32 v28, v0;
	_ =	sdelay $0x1  }
0xd5: {  	[tilespmem:s16+$0x9050] =	vst v0  }
0xd6: {  	v0 =	vld [tilespmem:$0x12060]  }
0xd7: {  	v29 =	vld [tilespmem:$0x120E0];
	_ =	sdelay $0x1  }
0xd8: {  	v30 =	vld [tilespmem:$0x12160];
	_ =	sdelay $0x1  }
0xd9: {  	v31 =	vld [tilespmem:$0x121E0]  }
0xda: {  	v0 =	vadd.f32 v29, v0  }
0xdb: {  	v32 =	vld [tilespmem:$0x12260]  }
0xdc: {  	v0 =	vadd.f32 v30, v0  }
0xdd: {  	v33 =	vld [tilespmem:$0x122E0]  }
0xde: {  	v0 =	vadd.f32 v31, v0  }
0xdf: {  	v34 =	vld [tilespmem:$0x12360]  }
0xe0: {  	v0 =	vadd.f32 v32, v0  }
0xe1: {  	v35 =	vld [tilespmem:$0x123E0]  }
0xe2: {  	v0 =	vadd.f32 v33, v0  }
0xe3: {  	v36 =	vld [tilespmem:$0x12460]  }
0xe4: {  	v0 =	vadd.f32 v34, v0  }
0xe5: {  	v37 =	vld [tilespmem:$0x124E0]  }
0xe6: {  	v0 =	vadd.f32 v35, v0  }
0xe7: {  	v38 =	vld [tilespmem:$0x12560]  }
0xe8: {  	v0 =	vadd.f32 v36, v0  }
0xe9: {  	v39 =	vld [tilespmem:$0x125E0]  }
0xea: {  	v0 =	vadd.f32 v37, v0  }
0xeb: {  	v40 =	vld [tilespmem:$0x12660]  }
0xec: {  	v0 =	vadd.f32 v38, v0  }
0xed: {  	v41 =	vld [tilespmem:$0x126E0]  }
0xee: {  	v0 =	vadd.f32 v39, v0  }
0xef: {  	v42 =	vld [tilespmem:$0x12760]  }
0xf0: {  	v0 =	vadd.f32 v40, v0  }
0xf1: {  	v43 =	vld [tilespmem:$0x127E0]  }
0xf2: {  	v0 =	vadd.f32 v41, v0;
	_ =	sdelay $0x1  }
0xf3: {  	v0 =	vadd.f32 v42, v0;
	_ =	sdelay $0x1  }
0xf4: {  	v0 =	vadd.f32 v43, v0;
	_ =	sdelay $0x1  }
0xf5: {  	[tilespmem:s16+$0x9060] =	vst v0  }
0xf6: {  	v0 =	vld [tilespmem:$0x12070]  }
0xf7: {  	v44 =	vld [tilespmem:$0x120F0];
	_ =	sdelay $0x1  }
0xf8: {  	v45 =	vld [tilespmem:$0x12170];
	_ =	sdelay $0x1  }
0xf9: {  	v46 =	vld [tilespmem:$0x121F0]  }
0xfa: {  	v0 =	vadd.f32 v44, v0  }
0xfb: {  	v47 =	vld [tilespmem:$0x12270]  }
0xfc: {  	v0 =	vadd.f32 v45, v0  }
0xfd: {  	v48 =	vld [tilespmem:$0x122F0]  }
0xfe: {  	v0 =	vadd.f32 v46, v0  }
0xff: {  	v49 =	vld [tilespmem:$0x12370]  }
0x100: {  	v0 =	vadd.f32 v47, v0  }
0x101: {  	v50 =	vld [tilespmem:$0x123F0]  }
0x102: {  	v0 =	vadd.f32 v48, v0  }
0x103: {  	v51 =	vld [tilespmem:$0x12470]  }
0x104: {  	v0 =	vadd.f32 v49, v0  }
0x105: {  	v52 =	vld [tilespmem:$0x124F0]  }
0x106: {  	v0 =	vadd.f32 v50, v0  }
0x107: {  	v53 =	vld [tilespmem:$0x12570]  }
0x108: {  	v0 =	vadd.f32 v51, v0  }
0x109: {  	v54 =	vld [tilespmem:$0x125F0]  }
0x10a: {  	v0 =	vadd.f32 v52, v0  }
0x10b: {  	v55 =	vld [tilespmem:$0x12670]  }
0x10c: {  	v0 =	vadd.f32 v53, v0  }
0x10d: {  	v56 =	vld [tilespmem:$0x126F0]  }
0x10e: {  	v0 =	vadd.f32 v54, v0  }
0x10f: {  	v57 =	vld [tilespmem:$0x12770]  }
0x110: {  	v0 =	vadd.f32 v55, v0  }
0x111: {  	v58 =	vld [tilespmem:$0x127F0]  }
0x112: {  	v0 =	vadd.f32 v56, v0;
	_ =	sdelay $0x1  }
0x113: {  	v0 =	vadd.f32 v57, v0;
	_ =	sdelay $0x1  }
0x114: {  	p0 =	seq.s32 s15, $0x23C00;
	v0 =	vadd.f32 v58, v0  }
0x115: {  	s17 =	sshra.s32 @!p0 s15, $0x2  }
0x116: {  	s18 =	simm.s32 @!p0 $0x10;
	s19 =	simm.s32 @!p0 $0x12000;
	s17 =	sadd.s32 @!p0 $0x100, s17;
	[tilespmem:s16+$0x9070] =	vst v0  }
0x117: {  	[tilespmem:s19], [sflag:$0x1] =	stream.indirect.gather @!p0 [hbm4b:s3+s18], $0x80, s17, s18, $0xb8;
	[tilespmem:$0x13000] =	vst v63  }
0x118: {  	_ =	swait.ge [sflag:s12], $0x800  }
0x119: {  	[sflag:s12] =	ssyncset.done $0x0  }
0x11a: {  	[sflag:s12] =	ssyncadd.s32 $0xFFFFF800  }
0x11b: {  	v59 =	vld [tilespmem:$0x12800]  }
0x11c: {  	v60 =	vld [tilespmem:$0x12880];
	_ =	sdelay $0x1  }
0x11d: {  	v61 =	vld [tilespmem:$0x12900];
	_ =	sdelay $0x1  }
0x11e: {  	v62 =	vld [tilespmem:$0x12980]  }
0x11f: {  	v0 =	vadd.f32 v60, v59  }
0x120: {  	v63 =	vld [tilespmem:$0x12A00]  }
0x121: {  	v0 =	vadd.f32 v61, v0  }
0x122: {  	v6 =	vld [tilespmem:$0x12A80]  }
0x123: {  	v0 =	vadd.f32 v62, v0  }
0x124: {  	v7 =	vld [tilespmem:$0x12B00]  }
0x125: {  	v0 =	vadd.f32 v63, v0  }
0x126: {  	v8 =	vld [tilespmem:$0x12B80]  }
0x127: {  	v0 =	vadd.f32 v6, v0  }
0x128: {  	v9 =	vld [tilespmem:$0x12C00]  }
0x129: {  	v0 =	vadd.f32 v7, v0  }
0x12a: {  	v10 =	vld [tilespmem:$0x12C80]  }
0x12b: {  	v0 =	vadd.f32 v8, v0  }
0x12c: {  	v11 =	vld [tilespmem:$0x12D00]  }
0x12d: {  	v0 =	vadd.f32 v9, v0  }
0x12e: {  	v12 =	vld [tilespmem:$0x12D80]  }
0x12f: {  	v0 =	vadd.f32 v10, v0  }
0x130: {  	v13 =	vld [tilespmem:$0x12E00]  }
0x131: {  	v0 =	vadd.f32 v11, v0  }
0x132: {  	v14 =	vld [tilespmem:$0x12E80]  }
0x133: {  	v0 =	vadd.f32 v12, v0  }
0x134: {  	v15 =	vld [tilespmem:$0x12F00]  }
0x135: {  	v0 =	vadd.f32 v13, v0  }
0x136: {  	v16 =	vld [tilespmem:$0x12F80]  }
0x137: {  	v0 =	vadd.f32 v14, v0;
	_ =	sdelay $0x1  }
0x138: {  	v0 =	vadd.f32 v15, v0;
	_ =	sdelay $0x1  }
0x139: {  	v0 =	vadd.f32 v16, v0;
	_ =	sdelay $0x1  }
0x13a: {  	[tilespmem:s16+$0x9080] =	vst v0  }
0x13b: {  	v0 =	vld [tilespmem:$0x12810]  }
0x13c: {  	v17 =	vld [tilespmem:$0x12890];
	_ =	sdelay $0x1  }
0x13d: {  	v18 =	vld [tilespmem:$0x12910];
	_ =	sdelay $0x1  }
0x13e: {  	v19 =	vld [tilespmem:$0x12990]  }
0x13f: {  	v0 =	vadd.f32 v17, v0  }
0x140: {  	v20 =	vld [tilespmem:$0x12A10]  }
0x141: {  	v0 =	vadd.f32 v18, v0  }
0x142: {  	v21 =	vld [tilespmem:$0x12A90]  }
0x143: {  	v0 =	vadd.f32 v19, v0  }
0x144: {  	v22 =	vld [tilespmem:$0x12B10]  }
0x145: {  	v0 =	vadd.f32 v20, v0  }
0x146: {  	v23 =	vld [tilespmem:$0x12B90]  }
0x147: {  	v0 =	vadd.f32 v21, v0  }
0x148: {  	v24 =	vld [tilespmem:$0x12C10]  }
0x149: {  	v0 =	vadd.f32 v22, v0  }
0x14a: {  	v25 =	vld [tilespmem:$0x12C90]  }
0x14b: {  	v0 =	vadd.f32 v23, v0  }
0x14c: {  	v26 =	vld [tilespmem:$0x12D10]  }
0x14d: {  	v0 =	vadd.f32 v24, v0  }
0x14e: {  	v27 =	vld [tilespmem:$0x12D90]  }
0x14f: {  	v0 =	vadd.f32 v25, v0  }
0x150: {  	v28 =	vld [tilespmem:$0x12E10]  }
0x151: {  	v0 =	vadd.f32 v26, v0  }
0x152: {  	v29 =	vld [tilespmem:$0x12E90]  }
0x153: {  	v0 =	vadd.f32 v27, v0  }
0x154: {  	v30 =	vld [tilespmem:$0x12F10]  }
0x155: {  	v0 =	vadd.f32 v28, v0  }
0x156: {  	v31 =	vld [tilespmem:$0x12F90]  }
0x157: {  	v0 =	vadd.f32 v29, v0;
	_ =	sdelay $0x1  }
0x158: {  	v0 =	vadd.f32 v30, v0;
	_ =	sdelay $0x1  }
0x159: {  	v0 =	vadd.f32 v31, v0;
	_ =	sdelay $0x1  }
0x15a: {  	[tilespmem:s16+$0x9090] =	vst v0  }
0x15b: {  	v0 =	vld [tilespmem:$0x12820]  }
0x15c: {  	v32 =	vld [tilespmem:$0x128A0];
	_ =	sdelay $0x1  }
0x15d: {  	v33 =	vld [tilespmem:$0x12920];
	_ =	sdelay $0x1  }
0x15e: {  	v34 =	vld [tilespmem:$0x129A0]  }
0x15f: {  	v0 =	vadd.f32 v32, v0  }
0x160: {  	v35 =	vld [tilespmem:$0x12A20]  }
0x161: {  	v0 =	vadd.f32 v33, v0  }
0x162: {  	v36 =	vld [tilespmem:$0x12AA0]  }
0x163: {  	v0 =	vadd.f32 v34, v0  }
0x164: {  	v37 =	vld [tilespmem:$0x12B20]  }
0x165: {  	v0 =	vadd.f32 v35, v0  }
0x166: {  	v38 =	vld [tilespmem:$0x12BA0]  }
0x167: {  	v0 =	vadd.f32 v36, v0  }
0x168: {  	v39 =	vld [tilespmem:$0x12C20]  }
0x169: {  	v0 =	vadd.f32 v37, v0  }
0x16a: {  	v40 =	vld [tilespmem:$0x12CA0]  }
0x16b: {  	v0 =	vadd.f32 v38, v0  }
0x16c: {  	v41 =	vld [tilespmem:$0x12D20]  }
0x16d: {  	v0 =	vadd.f32 v39, v0  }
0x16e: {  	v42 =	vld [tilespmem:$0x12DA0]  }
0x16f: {  	v0 =	vadd.f32 v40, v0  }
0x170: {  	v43 =	vld [tilespmem:$0x12E20]  }
0x171: {  	v0 =	vadd.f32 v41, v0  }
0x172: {  	v44 =	vld [tilespmem:$0x12EA0]  }
0x173: {  	v0 =	vadd.f32 v42, v0  }
0x174: {  	v45 =	vld [tilespmem:$0x12F20]  }
0x175: {  	v0 =	vadd.f32 v43, v0  }
0x176: {  	v46 =	vld [tilespmem:$0x12FA0]  }
0x177: {  	v0 =	vadd.f32 v44, v0;
	_ =	sdelay $0x1  }
0x178: {  	v0 =	vadd.f32 v45, v0;
	_ =	sdelay $0x1  }
0x179: {  	v0 =	vadd.f32 v46, v0;
	_ =	sdelay $0x1  }
0x17a: {  	[tilespmem:s16+$0x90A0] =	vst v0  }
0x17b: {  	v0 =	vld [tilespmem:$0x12830]  }
0x17c: {  	v47 =	vld [tilespmem:$0x128B0];
	_ =	sdelay $0x1  }
0x17d: {  	v48 =	vld [tilespmem:$0x12930];
	_ =	sdelay $0x1  }
0x17e: {  	v49 =	vld [tilespmem:$0x129B0]  }
0x17f: {  	v0 =	vadd.f32 v47, v0  }
0x180: {  	v50 =	vld [tilespmem:$0x12A30]  }
0x181: {  	v0 =	vadd.f32 v48, v0  }
0x182: {  	v51 =	vld [tilespmem:$0x12AB0]  }
0x183: {  	v0 =	vadd.f32 v49, v0  }
0x184: {  	v52 =	vld [tilespmem:$0x12B30]  }
0x185: {  	v0 =	vadd.f32 v50, v0  }
0x186: {  	v53 =	vld [tilespmem:$0x12BB0]  }
0x187: {  	v0 =	vadd.f32 v51, v0  }
0x188: {  	v54 =	vld [tilespmem:$0x12C30]  }
0x189: {  	v0 =	vadd.f32 v52, v0  }
0x18a: {  	v55 =	vld [tilespmem:$0x12CB0]  }
0x18b: {  	v0 =	vadd.f32 v53, v0  }
0x18c: {  	v56 =	vld [tilespmem:$0x12D30]  }
0x18d: {  	v0 =	vadd.f32 v54, v0  }
0x18e: {  	v57 =	vld [tilespmem:$0x12DB0]  }
0x18f: {  	v0 =	vadd.f32 v55, v0  }
0x190: {  	v58 =	vld [tilespmem:$0x12E30]  }
0x191: {  	v0 =	vadd.f32 v56, v0  }
0x192: {  	v59 =	vld [tilespmem:$0x12EB0]  }
0x193: {  	v0 =	vadd.f32 v57, v0  }
0x194: {  	v60 =	vld [tilespmem:$0x12F30]  }
0x195: {  	v0 =	vadd.f32 v58, v0  }
0x196: {  	v61 =	vld [tilespmem:$0x12FB0]  }
0x197: {  	v0 =	vadd.f32 v59, v0;
	_ =	sdelay $0x1  }
0x198: {  	v0 =	vadd.f32 v60, v0;
	_ =	sdelay $0x1  }
0x199: {  	v0 =	vadd.f32 v61, v0;
	_ =	sdelay $0x1  }
0x19a: {  	[tilespmem:s16+$0x90B0] =	vst v0  }
0x19b: {  	v0 =	vld [tilespmem:$0x12840]  }
0x19c: {  	v62 =	vld [tilespmem:$0x128C0];
	_ =	sdelay $0x1  }
0x19d: {  	v63 =	vld [tilespmem:$0x12940];
	_ =	sdelay $0x1  }
0x19e: {  	v6 =	vld [tilespmem:$0x129C0]  }
0x19f: {  	v0 =	vadd.f32 v62, v0  }
0x1a0: {  	v7 =	vld [tilespmem:$0x12A40]  }
0x1a1: {  	v0 =	vadd.f32 v63, v0  }
0x1a2: {  	v8 =	vld [tilespmem:$0x12AC0]  }
0x1a3: {  	v0 =	vadd.f32 v6, v0  }
0x1a4: {  	v9 =	vld [tilespmem:$0x12B40]  }
0x1a5: {  	v0 =	vadd.f32 v7, v0  }
0x1a6: {  	v10 =	vld [tilespmem:$0x12BC0]  }
0x1a7: {  	v0 =	vadd.f32 v8, v0  }
0x1a8: {  	v11 =	vld [tilespmem:$0x12C40]  }
0x1a9: {  	v0 =	vadd.f32 v9, v0  }
0x1aa: {  	v12 =	vld [tilespmem:$0x12CC0]  }
0x1ab: {  	v0 =	vadd.f32 v10, v0  }
0x1ac: {  	v13 =	vld [tilespmem:$0x12D40]  }
0x1ad: {  	v0 =	vadd.f32 v11, v0  }
0x1ae: {  	v14 =	vld [tilespmem:$0x12DC0]  }
0x1af: {  	v0 =	vadd.f32 v12, v0  }
0x1b0: {  	v15 =	vld [tilespmem:$0x12E40]  }
0x1b1: {  	v0 =	vadd.f32 v13, v0  }
0x1b2: {  	v16 =	vld [tilespmem:$0x12EC0]  }
0x1b3: {  	v0 =	vadd.f32 v14, v0  }
0x1b4: {  	v17 =	vld [tilespmem:$0x12F40]  }
0x1b5: {  	v0 =	vadd.f32 v15, v0  }
0x1b6: {  	v18 =	vld [tilespmem:$0x12FC0]  }
0x1b7: {  	v0 =	vadd.f32 v16, v0;
	_ =	sdelay $0x1  }
0x1b8: {  	v0 =	vadd.f32 v17, v0;
	_ =	sdelay $0x1  }
0x1b9: {  	v0 =	vadd.f32 v18, v0;
	_ =	sdelay $0x1  }
0x1ba: {  	[tilespmem:s16+$0x90C0] =	vst v0  }
0x1bb: {  	v0 =	vld [tilespmem:$0x12850]  }
0x1bc: {  	v19 =	vld [tilespmem:$0x128D0];
	_ =	sdelay $0x1  }
0x1bd: {  	v20 =	vld [tilespmem:$0x12950];
	_ =	sdelay $0x1  }
0x1be: {  	v21 =	vld [tilespmem:$0x129D0]  }
0x1bf: {  	v0 =	vadd.f32 v19, v0  }
0x1c0: {  	v22 =	vld [tilespmem:$0x12A50]  }
0x1c1: {  	v0 =	vadd.f32 v20, v0  }
0x1c2: {  	v23 =	vld [tilespmem:$0x12AD0]  }
0x1c3: {  	v0 =	vadd.f32 v21, v0  }
0x1c4: {  	v24 =	vld [tilespmem:$0x12B50]  }
0x1c5: {  	v0 =	vadd.f32 v22, v0  }
0x1c6: {  	v25 =	vld [tilespmem:$0x12BD0]  }
0x1c7: {  	v0 =	vadd.f32 v23, v0  }
0x1c8: {  	v26 =	vld [tilespmem:$0x12C50]  }
0x1c9: {  	v0 =	vadd.f32 v24, v0  }
0x1ca: {  	v27 =	vld [tilespmem:$0x12CD0]  }
0x1cb: {  	v0 =	vadd.f32 v25, v0  }
0x1cc: {  	v28 =	vld [tilespmem:$0x12D50]  }
0x1cd: {  	v0 =	vadd.f32 v26, v0  }
0x1ce: {  	v29 =	vld [tilespmem:$0x12DD0]  }
0x1cf: {  	v0 =	vadd.f32 v27, v0  }
0x1d0: {  	v30 =	vld [tilespmem:$0x12E50]  }
0x1d1: {  	v0 =	vadd.f32 v28, v0  }
0x1d2: {  	v31 =	vld [tilespmem:$0x12ED0]  }
0x1d3: {  	v0 =	vadd.f32 v29, v0  }
0x1d4: {  	v32 =	vld [tilespmem:$0x12F50]  }
0x1d5: {  	v0 =	vadd.f32 v30, v0  }
0x1d6: {  	v33 =	vld [tilespmem:$0x12FD0]  }
0x1d7: {  	v0 =	vadd.f32 v31, v0;
	_ =	sdelay $0x1  }
0x1d8: {  	v0 =	vadd.f32 v32, v0;
	_ =	sdelay $0x1  }
0x1d9: {  	v0 =	vadd.f32 v33, v0;
	_ =	sdelay $0x1  }
0x1da: {  	[tilespmem:s16+$0x90D0] =	vst v0  }
0x1db: {  	v0 =	vld [tilespmem:$0x12860]  }
0x1dc: {  	v34 =	vld [tilespmem:$0x128E0];
	_ =	sdelay $0x1  }
0x1dd: {  	v35 =	vld [tilespmem:$0x12960];
	_ =	sdelay $0x1  }
0x1de: {  	v36 =	vld [tilespmem:$0x129E0]  }
0x1df: {  	v0 =	vadd.f32 v34, v0  }
0x1e0: {  	v37 =	vld [tilespmem:$0x12A60]  }
0x1e1: {  	v0 =	vadd.f32 v35, v0  }
0x1e2: {  	v38 =	vld [tilespmem:$0x12AE0]  }
0x1e3: {  	v0 =	vadd.f32 v36, v0  }
0x1e4: {  	v39 =	vld [tilespmem:$0x12B60]  }
0x1e5: {  	v0 =	vadd.f32 v37, v0  }
0x1e6: {  	v40 =	vld [tilespmem:$0x12BE0]  }
0x1e7: {  	v0 =	vadd.f32 v38, v0  }
0x1e8: {  	v41 =	vld [tilespmem:$0x12C60]  }
0x1e9: {  	v0 =	vadd.f32 v39, v0  }
0x1ea: {  	v42 =	vld [tilespmem:$0x12CE0]  }
0x1eb: {  	v0 =	vadd.f32 v40, v0  }
0x1ec: {  	v43 =	vld [tilespmem:$0x12D60]  }
0x1ed: {  	v0 =	vadd.f32 v41, v0  }
0x1ee: {  	v44 =	vld [tilespmem:$0x12DE0]  }
0x1ef: {  	v0 =	vadd.f32 v42, v0  }
0x1f0: {  	v45 =	vld [tilespmem:$0x12E60]  }
0x1f1: {  	v0 =	vadd.f32 v43, v0  }
0x1f2: {  	v46 =	vld [tilespmem:$0x12EE0]  }
0x1f3: {  	v0 =	vadd.f32 v44, v0  }
0x1f4: {  	v47 =	vld [tilespmem:$0x12F60]  }
0x1f5: {  	v0 =	vadd.f32 v45, v0  }
0x1f6: {  	v48 =	vld [tilespmem:$0x12FE0]  }
0x1f7: {  	v0 =	vadd.f32 v46, v0;
	_ =	sdelay $0x1  }
0x1f8: {  	v0 =	vadd.f32 v47, v0;
	_ =	sdelay $0x1  }
0x1f9: {  	v0 =	vadd.f32 v48, v0;
	_ =	sdelay $0x1  }
0x1fa: {  	[tilespmem:s16+$0x90E0] =	vst v0  }
0x1fb: {  	v0 =	vld [tilespmem:$0x12870]  }
0x1fc: {  	v49 =	vld [tilespmem:$0x128F0];
	_ =	sdelay $0x1  }
0x1fd: {  	v50 =	vld [tilespmem:$0x12970];
	_ =	sdelay $0x1  }
0x1fe: {  	v51 =	vld [tilespmem:$0x129F0]  }
0x1ff: {  	v0 =	vadd.f32 v49, v0  }
0x200: {  	v52 =	vld [tilespmem:$0x12A70]  }
0x201: {  	v0 =	vadd.f32 v50, v0  }
0x202: {  	v53 =	vld [tilespmem:$0x12AF0]  }
0x203: {  	v0 =	vadd.f32 v51, v0  }
0x204: {  	v54 =	vld [tilespmem:$0x12B70]  }
0x205: {  	v0 =	vadd.f32 v52, v0  }
0x206: {  	v55 =	vld [tilespmem:$0x12BF0]  }
0x207: {  	v0 =	vadd.f32 v53, v0  }
0x208: {  	v56 =	vld [tilespmem:$0x12C70]  }
0x209: {  	v0 =	vadd.f32 v54, v0  }
0x20a: {  	v57 =	vld [tilespmem:$0x12CF0]  }
0x20b: {  	v0 =	vadd.f32 v55, v0  }
0x20c: {  	v58 =	vld [tilespmem:$0x12D70]  }
0x20d: {  	v0 =	vadd.f32 v56, v0  }
0x20e: {  	v59 =	vld [tilespmem:$0x12DF0]  }
0x20f: {  	v0 =	vadd.f32 v57, v0  }
0x210: {  	v60 =	vld [tilespmem:$0x12E70]  }
0x211: {  	v0 =	vadd.f32 v58, v0  }
0x212: {  	v61 =	vld [tilespmem:$0x12EF0]  }
0x213: {  	v0 =	vadd.f32 v59, v0  }
0x214: {  	v62 =	vld [tilespmem:$0x12F70]  }
0x215: {  	v0 =	vadd.f32 v60, v0  }
0x216: {  	v63 =	vld [tilespmem:$0x12FF0]  }
0x217: {  	s15 =	sadd.s32 $0x400, s15;
	v0 =	vadd.f32 v61, v0  }
0x218: {  	p0 =	sne.s32 s15, $0x24000  }
.Ltmp0:
0x219: {  	v0 =	vadd.f32 v62, v0;
	(pc) =	sbr.rel @p0 .LBB2_2-.Ltmp0, $3  }
0x21a: {  	_ = 	snop  }
0x21b: {  	v0 =	vadd.f32 v63, v0;
	_ =	sdelay $0x1  }
0x21c: {  	[tilespmem:s16+$0x90F0] =	vst v0  }
0x21d: {  	s14 =	sadd.s32 $0x1, s14  }
0x21e: {  	p0 =	sne.s32 s14, s6  }
.Ltmp1:
0x21f: {  	_ = 	snop;
	(pc) =	sbr.rel @p0 .LBB2_1-.Ltmp1, $4  }
0x220: {  	[hbm4b:s5+s2] =	stream.linear.scatter [tilespmem:s13], [sflag:$0x3], $0x9000, $0x38;
	[tilespmem:$0x13000] =	vst v63  }
0x221: {  	_ =	swait.ge [sflag:s7], $0x9000  }
0x222: {  	[sflag:s7] =	ssyncset.done $0x0  }
0x223: {  	[sflag:s7] =	ssyncadd.s32 $0xFFFF7000  }
0x224: {  	_ =	sfence.sel $0x180000  }
0x225: {  	[bflag:$0x0] =	sbarrier.arrive $0xFFFF  }
0x226: {  	p0 =	sne.s32 s0, $0x0;
	_ =	strace $0x90000047  }
0x227: {  	s0 =	sadd.s32 @!p0 $0x100000, s1;
	[bflag:$0x2] =	sbarrier.arrive $0xFFFF  }
0x228: {  	[sflag:s0] =	ssyncadd.tile.s32 @!p0 $0x1;
	_ =	shalt  }
.Lfunc_end2:
_tile_overlayer_lowered:
.L_overlay_start_2:
0x229: {  	(tag) =	ssettag $0x2  }
0x22a: {  	s0 =	rddreg [dreg:$0x0];
	s2 =	stileid.u32  }
0x22b: {  	s1 =	rddreg [dreg:$0x1];
	p0 =	sne.s32 s2, $0x0  }
0x22c: {  	s3 =	rddreg [dreg:$0x2];
	[bflag:$0x3] =	sbarrier.arrive $0xFFFF;
	s2 =	simm.s32 @!p0 $0x1C03  }
0x22d: {  	[timem:s3], [sflag:s2] =	dma.local @!p0 [hbm:s0], s1  }
0x22e: {  	s0 =	simm.s32 @!p0 $0x3  }
0x22f: {  	_ =	swait.ge @!p0 [sflag:s0], s1  }
0x230: {  	s1 =	ssub.s32 @!p0 $0x0, s1;
	[sflag:s0] =	ssyncset.done @!p0 $0x0  }
0x231: {  	[sflag:s0] =	ssyncadd.s32 @!p0 s1  }
0x232: {  	[bflag:$0x3] =	sbarrier.arrive $0xFFFF  }
0x233: {  	_ =	shalt  }

</sc_bundles>
